<compile_context>
chip_gen: v7x
topology: tpu7x:2x2x1
jax: 0.10.2.dev20260603
libtpu: 0.0.44.dev20260713+nightly
codegen_flags: <defaults>
</compile_context>

<pallas_src>
import functools

import jax
import jax.numpy as jnp
from jax import lax
from jax.experimental import pallas as pl
from jax.experimental.pallas import tpu as pltpu
from jax.experimental.pallas import tpu_sc as plsc

_VOCAB_PER_FIELD = 38461
_N_FIELDS = 26
_BATCH = 16384
_D = 16
_NROW = 999986
_SLAB = 1015808
_NPLANE = _N_FIELDS * _D
_NW = 32
_PPW = _NPLANE // _NW
_NBUF = 2

_mesh = plsc.VectorSubcoreMesh(core_axis_name="c", subcore_axis_name="s")


_RCH = 16384
_NJ = 62


def _detile_body(in_ref, out_hbm, sem):
    i = pl.program_id(0)
    j = pl.program_id(1)
    copies = [pltpu.make_async_copy(
        in_ref.at[dd],
        out_hbm.at[pl.ds((i * 8 + dd) * _SLAB + j * _RCH, _RCH)], sem)
        for dd in range(8)]
    for c in copies:
        c.start()
    for c in copies:
        c.wait()


_tc_detile = pl.pallas_call(
    _detile_body,
    grid=(2, _NJ),
    in_specs=[pl.BlockSpec((8, _RCH), lambda i, j: (i, j))],
    out_specs=pl.BlockSpec(memory_space=pltpu.HBM),
    scratch_shapes=[pltpu.SemaphoreType.DMA],
    out_shape=jax.ShapeDtypeStruct((_D * _SLAB,), jnp.float32),
)


@functools.partial(
    pl.kernel,
    mesh=_mesh,
    out_type=jax.ShapeDtypeStruct((_N_FIELDS, _D, _BATCH), jnp.float32),
    compiler_params=pltpu.CompilerParams(
        use_tc_tiling_on_sc=False, needs_layout_passes=False),
    scratch_types=[
        pltpu.VMEM((_NBUF, _BATCH), jnp.int32),
        pltpu.VMEM((_NBUF, _BATCH), jnp.float32),
        pltpu.SemaphoreType.DMA,
        pltpu.SemaphoreType.DMA,
        pltpu.SemaphoreType.DMA,
        pltpu.SemaphoreType.DMA,
    ],
)
def _plane_gather(xt_hbm, tbl_hbm, out_hbm, idx_v, val_v,
                  gsem0, gsem1, ssem0, ssem1):
    gsems = [gsem0, gsem1]
    ssems = [ssem0, ssem1]
    wid = lax.axis_index("s") * 2 + lax.axis_index("c")
    p0 = wid * _PPW

    def plane_fd(k):
        p = p0 + k
        return p // _D, p % _D

    def stage_idx(k):
        b = k % _NBUF
        f, d = plane_fd(k)
        pltpu.sync_copy(xt_hbm.at[pl.ds(f * _BATCH, _BATCH)], idx_v.at[b])
        addend = jnp.full((16,), f * _VOCAB_PER_FIELD + d * _SLAB, jnp.int32)

        def fix(g, carry):
            s = g * 16
            idx_v[b, pl.ds(s, 16)] = idx_v[b, pl.ds(s, 16)] + addend
            return carry

        lax.fori_loop(0, _BATCH // 16, fix, 0)

    def issue_gather(k):
        b = k % _NBUF
        return pltpu.async_copy(tbl_hbm.at[idx_v.at[b]], val_v.at[b],
                                gsems[b])

    def issue_store(k):
        b = k % _NBUF
        f, d = plane_fd(k)
        return pltpu.async_copy(val_v.at[b], out_hbm.at[f, d], ssems[b])

    stores = [None] * _PPW
    stage_idx(0)
    pending = issue_gather(0)
    for k in range(_PPW):
        if k + 1 < _PPW:
            if k + 1 >= _NBUF:
                stores[k + 1 - _NBUF].wait()
            stage_idx(k + 1)
        pending.wait()
        if k + 1 < _PPW:
            pending = issue_gather(k + 1)
        stores[k] = issue_store(k)
    for k in range(max(0, _PPW - _NBUF), _PPW):
        stores[k].wait()


def kernel(x, table):
    tbl_dmajor = _tc_detile(jnp.transpose(table, (1, 0)))
    xt = jnp.transpose(x, (1, 0)).reshape(-1).astype(jnp.int32)
    planes = _plane_gather(xt, tbl_dmajor)
    return jnp.transpose(planes, (2, 0, 1))

# --- scband reference (transcript-rebuilt; emitter-appended) ---
"""Pipeline reference for scband-features-embedding-26903675142672 (READ-ONLY COPY).

The authoritative reference and input builder live on the scoring server;
editing this copy changes nothing except your own understanding.
"""

import jax, jax.numpy as jnp
import numpy as np

SIZE = [38461] * 26
EMBED_DIM = 16
BATCH = 16384
N_FIELDS = 26
TOTAL_VOCAB = sum(SIZE)

def setup_inputs(seed: int = 0) -> dict:
    key = jax.random.key(seed)
    k1, k2 = jax.random.split(key)
    x = jax.random.randint(k1, (BATCH, N_FIELDS), 0, 38461, dtype=jnp.int64 if jax.config.jax_enable_x64 else jnp.int32)
    table = jax.random.normal(k2, (TOTAL_VOCAB, EMBED_DIM), dtype=jnp.float32) * 0.01
    return {"x": x, "table": table}

def reference(x, table):
    offsets = jnp.asarray(np.array((0, *np.cumsum(SIZE)[:-1]), dtype=np.int64), dtype=x.dtype)
    shifted = x + offsets[None, :]
    out = jnp.take(table, shifted, axis=0)
    return out

if __name__ == "__main__":
    import jax
    _d = setup_inputs()
    print(jax.jit(kernel)(*tuple(_d.values())))

</pallas_src>

<mosaic_0001>
#map = affine_map<(d0, d1) -> (0)>
#map1 = affine_map<(d0, d1) -> (0, 0, 0)>
module attributes {stable_mosaic.version = 14 : i64} {
  func.func @_plane_gather(%arg0: i32, %arg1: i32, %arg2: memref<425984xi32, #tpu.memory_space<hbm>>, %arg3: memref<16252928xf32, #tpu.memory_space<hbm>>, %arg4: memref<26x16x16384xf32, #tpu.memory_space<hbm>>, %arg5: memref<2x16384xi32, #tpu.memory_space<vmem>>, %arg6: memref<2x16384xf32, #tpu.memory_space<vmem>>, %arg7: memref<!tpu.dma_semaphore, #tpu.memory_space<semaphore_mem>>, %arg8: memref<!tpu.dma_semaphore, #tpu.memory_space<semaphore_mem>>, %arg9: memref<!tpu.dma_semaphore, #tpu.memory_space<semaphore_mem>>, %arg10: memref<!tpu.dma_semaphore, #tpu.memory_space<semaphore_mem>>) attributes {dimension_semantics = [#tpu.dimension_semantics<core_parallel>, #tpu.dimension_semantics<subcore_parallel>], iteration_bounds = array<i64: 2, 16>, scalar_prefetch = 0 : i64, scratch_operands = 6 : i64, tpu.core_type = #tpu.core_type<sc_vector_subcore>, window_params = [{transform_indices = #map}, {transform_indices = #map}, {transform_indices = #map1}]} {
    %mul3A = arith.constant 2 : i32
    %mul3A_0 = arith.muli %arg1, %mul3A : i32
    %add3A = arith.addi %mul3A_0, %arg0 : i32
    %mul3A_1 = arith.constant 13 : i32
    %mul3A_2 = arith.muli %add3A, %mul3A_1 : i32
    %add3A_3 = arith.constant 0 : i32
    %add3A_4 = arith.addi %mul3A_2, %add3A_3 : i32
    %jit3A = arith.constant 16 : i32
    %div3A = arith.divsi %add3A_4, %jit3A : i32
    %sign3A = arith.constant 0 : i32
    %sign3A_5 = arith.cmpi sgt, %add3A_4, %sign3A : i32
    %sign3A_6 = arith.extui %sign3A_5 : i1 to i32
    %sign3A_7 = arith.constant 0 : i32
    %sign3A_8 = arith.cmpi slt, %add3A_4, %sign3A_7 : i32
    %sign3A_9 = arith.extui %sign3A_8 : i1 to i32
    %sign3A_10 = arith.subi %sign3A_6, %sign3A_9 : i32
    %sign3A_11 = arith.constant 0 : i32
    %sign3A_12 = arith.cmpi sgt, %jit3A, %sign3A_11 : i32
    %sign3A_13 = arith.extui %sign3A_12 : i1 to i32
    %sign3A_14 = arith.constant 0 : i32
    %sign3A_15 = arith.cmpi slt, %jit3A, %sign3A_14 : i32
    %sign3A_16 = arith.extui %sign3A_15 : i1 to i32
    %sign3A_17 = arith.subi %sign3A_13, %sign3A_16 : i32
    %ne3A = arith.cmpi ne, %sign3A_10, %sign3A_17 : i32
    %rem3A = arith.remsi %add3A_4, %jit3A : i32
    %ne3A_18 = arith.constant 0 : i32
    %ne3A_19 = arith.cmpi ne, %rem3A, %ne3A_18 : i32
    %and3A = arith.andi %ne3A, %ne3A_19 : i1
    %sub3A = arith.constant 1 : i32
    %sub3A_20 = arith.subi %div3A, %sub3A : i32
    %select_n3A = arith.select %and3A, %sub3A_20, %div3A : i32
    %jit3A_21 = arith.constant 16 : i32
    %eq3A = arith.constant 0 : i32
    %eq3A_22 = arith.cmpi eq, %jit3A_21, %eq3A : i32
    %jit3A_23 = arith.constant 1 : i32
    %select_n3A_24 = arith.select %eq3A_22, %jit3A_23, %jit3A_21 : i32
    %rem3A_25 = arith.remsi %add3A_4, %select_n3A_24 : i32
    %ne3A_26 = arith.constant 0 : i32
    %ne3A_27 = arith.cmpi ne, %rem3A_25, %ne3A_26 : i32
    %lt3A = arith.constant 0 : i32
    %lt3A_28 = arith.cmpi slt, %rem3A_25, %lt3A : i32
    %lt3A_29 = arith.constant 0 : i32
    %lt3A_30 = arith.cmpi slt, %select_n3A_24, %lt3A_29 : i32
    %ne3A_31 = arith.xori %lt3A_28, %lt3A_30 : i1
    %and3A_32 = arith.andi %ne3A_31, %ne3A_27 : i1
    %add3A_33 = arith.addi %rem3A_25, %select_n3A_24 : i32
    %select_n3A_34 = arith.select %and3A_32, %add3A_33, %rem3A_25 : i32
    %mul3A_35 = arith.constant 16384 : i32
    %mul3A_36 = arith.muli %select_n3A, %mul3A_35 : i32
    %run_scoped3A = arith.constant 0 : i32
    "tpu.region"() ({
      %run_scoped3A_1873 = tpu.sem_alloc : memref<!tpu.dma_semaphore, #tpu.memory_space<semaphore_mem>>
      %dma_start3A_1874 = arith.constant 0 : i32
      %dma_start3A_1875 = tpu.memref_slice %arg5[%run_scoped3A, %dma_start3A_1874] : memref<2x16384xi32, #tpu.memory_space<vmem>> -> memref<1x16384xi32, #tpu.memory_space<vmem>>
      %dma_start3A_1876 = tpu.memref_squeeze %dma_start3A_1875 : memref<1x16384xi32, #tpu.memory_space<vmem>> -> memref<16384xi32, #tpu.memory_space<vmem>>
      %dma_start3A_1877 = tpu.memref_slice %arg2[%mul3A_36] : memref<425984xi32, #tpu.memory_space<hbm>> -> memref<16384xi32, #tpu.memory_space<hbm>>
      %dma_start3A_1878 = arith.constant 0 : i32
      %dma_start3A_1879 = tpu.memref_slice %arg5[%run_scoped3A, %dma_start3A_1878] : memref<2x16384xi32, #tpu.memory_space<vmem>> -> memref<1x16384xi32, #tpu.memory_space<vmem>>
      %dma_start3A_1880 = tpu.memref_squeeze %dma_start3A_1879 : memref<1x16384xi32, #tpu.memory_space<vmem>> -> memref<16384xi32, #tpu.memory_space<vmem>>
      %dma_start3A_1881 = tpu.memref_slice %arg2[%mul3A_36] : memref<425984xi32, #tpu.memory_space<hbm>> -> memref<16384xi32, #tpu.memory_space<hbm>>
      tpu.enqueue_dma source(%dma_start3A_1881 : memref<16384xi32, #tpu.memory_space<hbm>>) target(%dma_start3A_1880 : memref<16384xi32, #tpu.memory_space<vmem>>) target_semaphore(%run_scoped3A_1873 : memref<!tpu.dma_semaphore, #tpu.memory_space<semaphore_mem>>)
      %dma_wait3A_1882 = arith.constant 0 : i32
      %dma_wait3A_1883 = tpu.memref_slice %arg5[%run_scoped3A, %dma_wait3A_1882] : memref<2x16384xi32, #tpu.memory_space<vmem>> -> memref<1x16384xi32, #tpu.memory_space<vmem>>
      %dma_wait3A_1884 = tpu.memref_squeeze %dma_wait3A_1883 : memref<1x16384xi32, #tpu.memory_space<vmem>> -> memref<16384xi32, #tpu.memory_space<vmem>>
      %dma_wait3A_1885 = tpu.memref_slice %arg2[%mul3A_36] : memref<425984xi32, #tpu.memory_space<hbm>> -> memref<16384xi32, #tpu.memory_space<hbm>>
      %dma_wait3A_1886 = arith.constant 0 : i32
      %dma_wait3A_1887 = tpu.memref_slice %arg5[%run_scoped3A, %dma_wait3A_1886] : memref<2x16384xi32, #tpu.memory_space<vmem>> -> memref<1x16384xi32, #tpu.memory_space<vmem>>
      %dma_wait3A_1888 = tpu.memref_squeeze %dma_wait3A_1887 : memref<1x16384xi32, #tpu.memory_space<vmem>> -> memref<16384xi32, #tpu.memory_space<vmem>>
      %dma_wait3A_1889 = tpu.memref_slice %arg2[%mul3A_36] : memref<425984xi32, #tpu.memory_space<hbm>> -> memref<16384xi32, #tpu.memory_space<hbm>>
      tpu.wait_dma2 semaphore(%run_scoped3A_1873 : memref<!tpu.dma_semaphore, #tpu.memory_space<semaphore_mem>>) src(%dma_wait3A_1889 : memref<16384xi32, #tpu.memory_space<hbm>>) dst(%dma_wait3A_1888 : memref<16384xi32, #tpu.memory_space<vmem>>)
      tpu.yield
    }) : () -> ()
    %mul3A_37 = arith.constant 38461 : i32
    %mul3A_38 = arith.muli %select_n3A, %mul3A_37 : i32
    %mul3A_39 = arith.constant 1015808 : i32
    %mul3A_40 = arith.muli %select_n3A_34, %mul3A_39 : i32
    %add3A_41 = arith.addi %mul3A_38, %mul3A_40 : i32
    %broadcast_in_dim3A = vector.broadcast %add3A_41 : i32 to vector<16xi32>
    %scan3A = arith.constant 0 : i32
    %scan3A_42 = arith.constant 0 : i32
    %scan3A_43 = arith.constant 1024 : i32
    %scan3A_44 = arith.addi %scan3A_42, %scan3A_43 : i32
    %scan3A_45 = arith.constant 1 : i32
    scf.for %scan3A_1873 = %scan3A_42 to %scan3A_44 step %scan3A_45  : i32 {
      %mul3A_1874 = arith.constant 16 : i32
      %mul3A_1875 = arith.muli %scan3A_1873, %mul3A_1874 : i32
      %get3A = arith.constant 0 : i32
      %get3A_1876 = arith.index_cast %get3A : i32 to index
      %get3A_1877 = arith.index_cast %mul3A_1875 : i32 to index
      %get3A_1878 = tpu.vector_load %arg5[%get3A_1876, %get3A_1877] {strides = array<i32>} : memref<2x16384xi32, #tpu.memory_space<vmem>>, vector<16xi32>,
      %add3A_1879 = arith.addi %get3A_1878, %broadcast_in_dim3A : vector<16xi32>
      %swap3A = arith.constant 0 : i32
      %swap3A_1880 = arith.index_cast %swap3A : i32 to index
      %swap3A_1881 = arith.index_cast %mul3A_1875 : i32 to index
      %swap3A_1882 = tpu.vector_load %arg5[%swap3A_1880, %swap3A_1881] {strides = array<i32>} : memref<2x16384xi32, #tpu.memory_space<vmem>>, vector<16xi32>,
      tpu.vector_store %arg5[%swap3A_1880, %swap3A_1881], %add3A_1879 {strides = array<i32>} : memref<2x16384xi32, #tpu.memory_space<vmem>>, vector<16xi32>,
    }
    %scan3A_46 = arith.constant 1024 : i32
    %dma_start3A = arith.constant 0 : i32
    %dma_start3A_47 = arith.constant 0 : i32
    %dma_start3A_48 = arith.constant 0 : i32
    %dma_start3A_49 = tpu.memref_slice %arg6[%dma_start3A_47, %dma_start3A_48] : memref<2x16384xf32, #tpu.memory_space<vmem>> -> memref<1x16384xf32, #tpu.memory_space<vmem>>
    %dma_start3A_50 = tpu.memref_squeeze %dma_start3A_49 : memref<1x16384xf32, #tpu.memory_space<vmem>> -> memref<16384xf32, #tpu.memory_space<vmem>>
    %dma_start3A_51 = arith.constant 0 : i32
    %dma_start3A_52 = tpu.memref_slice %arg5[%dma_start3A, %dma_start3A_51] : memref<2x16384xi32, #tpu.memory_space<vmem>> -> memref<1x16384xi32, #tpu.memory_space<vmem>>
    %dma_start3A_53 = tpu.memref_squeeze %dma_start3A_52 : memref<1x16384xi32, #tpu.memory_space<vmem>> -> memref<16384xi32, #tpu.memory_space<vmem>>
    %dma_start3A_54 = arith.constant 0 : i32
    %dma_start3A_55 = tpu.memref_slice %arg3[%dma_start3A_54] : memref<16252928xf32, #tpu.memory_space<hbm>> -> memref<16252928xf32, #tpu.memory_space<hbm>>
    tpu.enqueue_indirect_dma source(%dma_start3A_55 : memref<16252928xf32, #tpu.memory_space<hbm>>) target(%dma_start3A_50 : memref<16384xf32, #tpu.memory_space<vmem>>) offsets(%dma_start3A_53 : memref<16384xi32, #tpu.memory_space<vmem>>) semaphore(%arg7 : memref<!tpu.dma_semaphore, #tpu.memory_space<semaphore_mem>>)
    %add3A_56 = arith.constant 1 : i32
    %add3A_57 = arith.addi %mul3A_2, %add3A_56 : i32
    %jit3A_58 = arith.constant 16 : i32
    %div3A_59 = arith.divsi %add3A_57, %jit3A_58 : i32
    %sign3A_60 = arith.constant 0 : i32
    %sign3A_61 = arith.cmpi sgt, %add3A_57, %sign3A_60 : i32
    %sign3A_62 = arith.extui %sign3A_61 : i1 to i32
    %sign3A_63 = arith.constant 0 : i32
    %sign3A_64 = arith.cmpi slt, %add3A_57, %sign3A_63 : i32
    %sign3A_65 = arith.extui %sign3A_64 : i1 to i32
    %sign3A_66 = arith.subi %sign3A_62, %sign3A_65 : i32
    %sign3A_67 = arith.constant 0 : i32
    %sign3A_68 = arith.cmpi sgt, %jit3A_58, %sign3A_67 : i32
    %sign3A_69 = arith.extui %sign3A_68 : i1 to i32
    %sign3A_70 = arith.constant 0 : i32
    %sign3A_71 = arith.cmpi slt, %jit3A_58, %sign3A_70 : i32
    %sign3A_72 = arith.extui %sign3A_71 : i1 to i32
    %sign3A_73 = arith.subi %sign3A_69, %sign3A_72 : i32
    %ne3A_74 = arith.cmpi ne, %sign3A_66, %sign3A_73 : i32
    %rem3A_75 = arith.remsi %add3A_57, %jit3A_58 : i32
    %ne3A_76 = arith.constant 0 : i32
    %ne3A_77 = arith.cmpi ne, %rem3A_75, %ne3A_76 : i32
    %and3A_78 = arith.andi %ne3A_74, %ne3A_77 : i1
    %sub3A_79 = arith.constant 1 : i32
    %sub3A_80 = arith.subi %div3A_59, %sub3A_79 : i32
    %select_n3A_81 = arith.select %and3A_78, %sub3A_80, %div3A_59 : i32
    %jit3A_82 = arith.constant 16 : i32
    %eq3A_83 = arith.constant 0 : i32
    %eq3A_84 = arith.cmpi eq, %jit3A_82, %eq3A_83 : i32
    %jit3A_85 = arith.constant 1 : i32
    %select_n3A_86 = arith.select %eq3A_84, %jit3A_85, %jit3A_82 : i32
    %rem3A_87 = arith.remsi %add3A_57, %select_n3A_86 : i32
    %ne3A_88 = arith.constant 0 : i32
    %ne3A_89 = arith.cmpi ne, %rem3A_87, %ne3A_88 : i32
    %lt3A_90 = arith.constant 0 : i32
    %lt3A_91 = arith.cmpi slt, %rem3A_87, %lt3A_90 : i32
    %lt3A_92 = arith.constant 0 : i32
    %lt3A_93 = arith.cmpi slt, %select_n3A_86, %lt3A_92 : i32
    %ne3A_94 = arith.xori %lt3A_91, %lt3A_93 : i1
    %and3A_95 = arith.andi %ne3A_94, %ne3A_89 : i1
    %add3A_96 = arith.addi %rem3A_87, %select_n3A_86 : i32
    %select_n3A_97 = arith.select %and3A_95, %add3A_96, %rem3A_87 : i32
    %mul3A_98 = arith.constant 16384 : i32
    %mul3A_99 = arith.muli %select_n3A_81, %mul3A_98 : i32
    %run_scoped3A_100 = arith.constant 1 : i32
    "tpu.region"() ({
      %run_scoped3A_1873 = tpu.sem_alloc : memref<!tpu.dma_semaphore, #tpu.memory_space<semaphore_mem>>
      %dma_start3A_1874 = arith.constant 0 : i32
      %dma_start3A_1875 = tpu.memref_slice %arg5[%run_scoped3A_100, %dma_start3A_1874] : memref<2x16384xi32, #tpu.memory_space<vmem>> -> memref<1x16384xi32, #tpu.memory_space<vmem>>
      %dma_start3A_1876 = tpu.memref_squeeze %dma_start3A_1875 : memref<1x16384xi32, #tpu.memory_space<vmem>> -> memref<16384xi32, #tpu.memory_space<vmem>>
      %dma_start3A_1877 = tpu.memref_slice %arg2[%mul3A_99] : memref<425984xi32, #tpu.memory_space<hbm>> -> memref<16384xi32, #tpu.memory_space<hbm>>
      %dma_start3A_1878 = arith.constant 0 : i32
      %dma_start3A_1879 = tpu.memref_slice %arg5[%run_scoped3A_100, %dma_start3A_1878] : memref<2x16384xi32, #tpu.memory_space<vmem>> -> memref<1x16384xi32, #tpu.memory_space<vmem>>
      %dma_start3A_1880 = tpu.memref_squeeze %dma_start3A_1879 : memref<1x16384xi32, #tpu.memory_space<vmem>> -> memref<16384xi32, #tpu.memory_space<vmem>>
      %dma_start3A_1881 = tpu.memref_slice %arg2[%mul3A_99] : memref<425984xi32, #tpu.memory_space<hbm>> -> memref<16384xi32, #tpu.memory_space<hbm>>
      tpu.enqueue_dma source(%dma_start3A_1881 : memref<16384xi32, #tpu.memory_space<hbm>>) target(%dma_start3A_1880 : memref<16384xi32, #tpu.memory_space<vmem>>) target_semaphore(%run_scoped3A_1873 : memref<!tpu.dma_semaphore, #tpu.memory_space<semaphore_mem>>)
      %dma_wait3A_1882 = arith.constant 0 : i32
      %dma_wait3A_1883 = tpu.memref_slice %arg5[%run_scoped3A_100, %dma_wait3A_1882] : memref<2x16384xi32, #tpu.memory_space<vmem>> -> memref<1x16384xi32, #tpu.memory_space<vmem>>
      %dma_wait3A_1884 = tpu.memref_squeeze %dma_wait3A_1883 : memref<1x16384xi32, #tpu.memory_space<vmem>> -> memref<16384xi32, #tpu.memory_space<vmem>>
      %dma_wait3A_1885 = tpu.memref_slice %arg2[%mul3A_99] : memref<425984xi32, #tpu.memory_space<hbm>> -> memref<16384xi32, #tpu.memory_space<hbm>>
      %dma_wait3A_1886 = arith.constant 0 : i32
      %dma_wait3A_1887 = tpu.memref_slice %arg5[%run_scoped3A_100, %dma_wait3A_1886] : memref<2x16384xi32, #tpu.memory_space<vmem>> -> memref<1x16384xi32, #tpu.memory_space<vmem>>
      %dma_wait3A_1888 = tpu.memref_squeeze %dma_wait3A_1887 : memref<1x16384xi32, #tpu.memory_space<vmem>> -> memref<16384xi32, #tpu.memory_space<vmem>>
      %dma_wait3A_1889 = tpu.memref_slice %arg2[%mul3A_99] : memref<425984xi32, #tpu.memory_space<hbm>> -> memref<16384xi32, #tpu.memory_space<hbm>>
      tpu.wait_dma2 semaphore(%run_scoped3A_1873 : memref<!tpu.dma_semaphore, #tpu.memory_space<semaphore_mem>>) src(%dma_wait3A_1889 : memref<16384xi32, #tpu.memory_space<hbm>>) dst(%dma_wait3A_1888 : memref<16384xi32, #tpu.memory_space<vmem>>)
      tpu.yield
    }) : () -> ()
    %mul3A_101 = arith.constant 38461 : i32
    %mul3A_102 = arith.muli %select_n3A_81, %mul3A_101 : i32
    %mul3A_103 = arith.constant 1015808 : i32
    %mul3A_104 = arith.muli %select_n3A_97, %mul3A_103 : i32
    %add3A_105 = arith.addi %mul3A_102, %mul3A_104 : i32
    %broadcast_in_dim3A_106 = vector.broadcast %add3A_105 : i32 to vector<16xi32>
    %scan3A_107 = arith.constant 0 : i32
    %scan3A_108 = arith.constant 0 : i32
    %scan3A_109 = arith.constant 1024 : i32
    %scan3A_110 = arith.addi %scan3A_108, %scan3A_109 : i32
    %scan3A_111 = arith.constant 1 : i32
    scf.for %scan3A_1873 = %scan3A_108 to %scan3A_110 step %scan3A_111  : i32 {
      %mul3A_1874 = arith.constant 16 : i32
      %mul3A_1875 = arith.muli %scan3A_1873, %mul3A_1874 : i32
      %get3A = arith.constant 1 : i32
      %get3A_1876 = arith.index_cast %get3A : i32 to index
      %get3A_1877 = arith.index_cast %mul3A_1875 : i32 to index
      %get3A_1878 = tpu.vector_load %arg5[%get3A_1876, %get3A_1877] {strides = array<i32>} : memref<2x16384xi32, #tpu.memory_space<vmem>>, vector<16xi32>,
      %add3A_1879 = arith.addi %get3A_1878, %broadcast_in_dim3A_106 : vector<16xi32>
      %swap3A = arith.constant 1 : i32
      %swap3A_1880 = arith.index_cast %swap3A : i32 to index
      %swap3A_1881 = arith.index_cast %mul3A_1875 : i32 to index
      %swap3A_1882 = tpu.vector_load %arg5[%swap3A_1880, %swap3A_1881] {strides = array<i32>} : memref<2x16384xi32, #tpu.memory_space<vmem>>, vector<16xi32>,
      tpu.vector_store %arg5[%swap3A_1880, %swap3A_1881], %add3A_1879 {strides = array<i32>} : memref<2x16384xi32, #tpu.memory_space<vmem>>, vector<16xi32>,
    }
    %scan3A_112 = arith.constant 1024 : i32
    %dma_wait3A = arith.constant 0 : i32
    %dma_wait3A_113 = arith.constant 0 : i32
    %dma_wait3A_114 = arith.constant 0 : i32
    %dma_wait3A_115 = tpu.memref_slice %arg6[%dma_wait3A_113, %dma_wait3A_114] : memref<2x16384xf32, #tpu.memory_space<vmem>> -> memref<1x16384xf32, #tpu.memory_space<vmem>>
    %dma_wait3A_116 = tpu.memref_squeeze %dma_wait3A_115 : memref<1x16384xf32, #tpu.memory_space<vmem>> -> memref<16384xf32, #tpu.memory_space<vmem>>
    %dma_wait3A_117 = arith.constant 0 : i32
    %dma_wait3A_118 = tpu.memref_slice %arg5[%dma_wait3A, %dma_wait3A_117] : memref<2x16384xi32, #tpu.memory_space<vmem>> -> memref<1x16384xi32, #tpu.memory_space<vmem>>
    %dma_wait3A_119 = tpu.memref_squeeze %dma_wait3A_118 : memref<1x16384xi32, #tpu.memory_space<vmem>> -> memref<16384xi32, #tpu.memory_space<vmem>>
    %dma_wait3A_120 = arith.constant 0 : i32
    %dma_wait3A_121 = tpu.memref_slice %arg3[%dma_wait3A_120] : memref<16252928xf32, #tpu.memory_space<hbm>> -> memref<16252928xf32, #tpu.memory_space<hbm>>
    tpu.wait_indirect_dma semaphore(%arg7 : memref<!tpu.dma_semaphore, #tpu.memory_space<semaphore_mem>>) src(%dma_wait3A_121 : memref<16252928xf32, #tpu.memory_space<hbm>>) dst(%dma_wait3A_116 : memref<16384xf32, #tpu.memory_space<vmem>>)
    %dma_start3A_122 = arith.constant 1 : i32
    %dma_start3A_123 = arith.constant 1 : i32
    %dma_start3A_124 = arith.constant 0 : i32
    %dma_start3A_125 = tpu.memref_slice %arg6[%dma_start3A_123, %dma_start3A_124] : memref<2x16384xf32, #tpu.memory_space<vmem>> -> memref<1x16384xf32, #tpu.memory_space<vmem>>
    %dma_start3A_126 = tpu.memref_squeeze %dma_start3A_125 : memref<1x16384xf32, #tpu.memory_space<vmem>> -> memref<16384xf32, #tpu.memory_space<vmem>>
    %dma_start3A_127 = arith.constant 0 : i32
    %dma_start3A_128 = tpu.memref_slice %arg5[%dma_start3A_122, %dma_start3A_127] : memref<2x16384xi32, #tpu.memory_space<vmem>> -> memref<1x16384xi32, #tpu.memory_space<vmem>>
    %dma_start3A_129 = tpu.memref_squeeze %dma_start3A_128 : memref<1x16384xi32, #tpu.memory_space<vmem>> -> memref<16384xi32, #tpu.memory_space<vmem>>
    %dma_start3A_130 = arith.constant 0 : i32
    %dma_start3A_131 = tpu.memref_slice %arg3[%dma_start3A_130] : memref<16252928xf32, #tpu.memory_space<hbm>> -> memref<16252928xf32, #tpu.memory_space<hbm>>
    tpu.enqueue_indirect_dma source(%dma_start3A_131 : memref<16252928xf32, #tpu.memory_space<hbm>>) target(%dma_start3A_126 : memref<16384xf32, #tpu.memory_space<vmem>>) offsets(%dma_start3A_129 : memref<16384xi32, #tpu.memory_space<vmem>>) semaphore(%arg8 : memref<!tpu.dma_semaphore, #tpu.memory_space<semaphore_mem>>)
    %add3A_132 = arith.constant 0 : i32
    %add3A_133 = arith.addi %mul3A_2, %add3A_132 : i32
    %jit3A_134 = arith.constant 16 : i32
    %div3A_135 = arith.divsi %add3A_133, %jit3A_134 : i32
    %sign3A_136 = arith.constant 0 : i32
    %sign3A_137 = arith.cmpi sgt, %add3A_133, %sign3A_136 : i32
    %sign3A_138 = arith.extui %sign3A_137 : i1 to i32
    %sign3A_139 = arith.constant 0 : i32
    %sign3A_140 = arith.cmpi slt, %add3A_133, %sign3A_139 : i32
    %sign3A_141 = arith.extui %sign3A_140 : i1 to i32
    %sign3A_142 = arith.subi %sign3A_138, %sign3A_141 : i32
    %sign3A_143 = arith.constant 0 : i32
    %sign3A_144 = arith.cmpi sgt, %jit3A_134, %sign3A_143 : i32
    %sign3A_145 = arith.extui %sign3A_144 : i1 to i32
    %sign3A_146 = arith.constant 0 : i32
    %sign3A_147 = arith.cmpi slt, %jit3A_134, %sign3A_146 : i32
    %sign3A_148 = arith.extui %sign3A_147 : i1 to i32
    %sign3A_149 = arith.subi %sign3A_145, %sign3A_148 : i32
    %ne3A_150 = arith.cmpi ne, %sign3A_142, %sign3A_149 : i32
    %rem3A_151 = arith.remsi %add3A_133, %jit3A_134 : i32
    %ne3A_152 = arith.constant 0 : i32
    %ne3A_153 = arith.cmpi ne, %rem3A_151, %ne3A_152 : i32
    %and3A_154 = arith.andi %ne3A_150, %ne3A_153 : i1
    %sub3A_155 = arith.constant 1 : i32
    %sub3A_156 = arith.subi %div3A_135, %sub3A_155 : i32
    %select_n3A_157 = arith.select %and3A_154, %sub3A_156, %div3A_135 : i32
    %jit3A_158 = arith.constant 16 : i32
    %eq3A_159 = arith.constant 0 : i32
    %eq3A_160 = arith.cmpi eq, %jit3A_158, %eq3A_159 : i32
    %jit3A_161 = arith.constant 1 : i32
    %select_n3A_162 = arith.select %eq3A_160, %jit3A_161, %jit3A_158 : i32
    %rem3A_163 = arith.remsi %add3A_133, %select_n3A_162 : i32
    %ne3A_164 = arith.constant 0 : i32
    %ne3A_165 = arith.cmpi ne, %rem3A_163, %ne3A_164 : i32
    %lt3A_166 = arith.constant 0 : i32
    %lt3A_167 = arith.cmpi slt, %rem3A_163, %lt3A_166 : i32
    %lt3A_168 = arith.constant 0 : i32
    %lt3A_169 = arith.cmpi slt, %select_n3A_162, %lt3A_168 : i32
    %ne3A_170 = arith.xori %lt3A_167, %lt3A_169 : i1
    %and3A_171 = arith.andi %ne3A_170, %ne3A_165 : i1
    %add3A_172 = arith.addi %rem3A_163, %select_n3A_162 : i32
    %select_n3A_173 = arith.select %and3A_171, %add3A_172, %rem3A_163 : i32
    %dma_start3A_174 = arith.constant 0 : i32
    %dma_start3A_175 = arith.constant 0 : i32
    %dma_start3A_176 = tpu.memref_slice %arg6[%dma_start3A_174, %dma_start3A_175] : memref<2x16384xf32, #tpu.memory_space<vmem>> -> memref<1x16384xf32, #tpu.memory_space<vmem>>
    %dma_start3A_177 = tpu.memref_squeeze %dma_start3A_176 : memref<1x16384xf32, #tpu.memory_space<vmem>> -> memref<16384xf32, #tpu.memory_space<vmem>>
    %dma_start3A_178 = arith.constant 0 : i32
    %dma_start3A_179 = tpu.memref_slice %arg4[%select_n3A_157, %select_n3A_173, %dma_start3A_178] : memref<26x16x16384xf32, #tpu.memory_space<hbm>> -> memref<1x1x16384xf32, #tpu.memory_space<hbm>>
    %dma_start3A_180 = tpu.memref_squeeze %dma_start3A_179 : memref<1x1x16384xf32, #tpu.memory_space<hbm>> -> memref<16384xf32, #tpu.memory_space<hbm>>
    %dma_start3A_181 = arith.constant 0 : i32
    %dma_start3A_182 = tpu.memref_slice %arg4[%select_n3A_157, %select_n3A_173, %dma_start3A_181] : memref<26x16x16384xf32, #tpu.memory_space<hbm>> -> memref<1x1x16384xf32, #tpu.memory_space<hbm>>
    %dma_start3A_183 = tpu.memref_squeeze %dma_start3A_182 : memref<1x1x16384xf32, #tpu.memory_space<hbm>> -> memref<16384xf32, #tpu.memory_space<hbm>>
    %dma_start3A_184 = arith.constant 0 : i32
    %dma_start3A_185 = tpu.memref_slice %arg6[%dma_start3A_174, %dma_start3A_184] : memref<2x16384xf32, #tpu.memory_space<vmem>> -> memref<1x16384xf32, #tpu.memory_space<vmem>>
    %dma_start3A_186 = tpu.memref_squeeze %dma_start3A_185 : memref<1x16384xf32, #tpu.memory_space<vmem>> -> memref<16384xf32, #tpu.memory_space<vmem>>
    tpu.enqueue_dma source(%dma_start3A_186 : memref<16384xf32, #tpu.memory_space<vmem>>) target(%dma_start3A_183 : memref<16384xf32, #tpu.memory_space<hbm>>) target_semaphore(%arg9 : memref<!tpu.dma_semaphore, #tpu.memory_space<semaphore_mem>>)
    %dma_wait3A_187 = arith.constant 0 : i32
    %dma_wait3A_188 = arith.constant 0 : i32
    %dma_wait3A_189 = tpu.memref_slice %arg6[%dma_wait3A_187, %dma_wait3A_188] : memref<2x16384xf32, #tpu.memory_space<vmem>> -> memref<1x16384xf32, #tpu.memory_space<vmem>>
    %dma_wait3A_190 = tpu.memref_squeeze %dma_wait3A_189 : memref<1x16384xf32, #tpu.memory_space<vmem>> -> memref<16384xf32, #tpu.memory_space<vmem>>
    %dma_wait3A_191 = arith.constant 0 : i32
    %dma_wait3A_192 = tpu.memref_slice %arg4[%select_n3A_157, %select_n3A_173, %dma_wait3A_191] : memref<26x16x16384xf32, #tpu.memory_space<hbm>> -> memref<1x1x16384xf32, #tpu.memory_space<hbm>>
    %dma_wait3A_193 = tpu.memref_squeeze %dma_wait3A_192 : memref<1x1x16384xf32, #tpu.memory_space<hbm>> -> memref<16384xf32, #tpu.memory_space<hbm>>
    %dma_wait3A_194 = arith.constant 0 : i32
    %dma_wait3A_195 = tpu.memref_slice %arg4[%select_n3A_157, %select_n3A_173, %dma_wait3A_194] : memref<26x16x16384xf32, #tpu.memory_space<hbm>> -> memref<1x1x16384xf32, #tpu.memory_space<hbm>>
    %dma_wait3A_196 = tpu.memref_squeeze %dma_wait3A_195 : memref<1x1x16384xf32, #tpu.memory_space<hbm>> -> memref<16384xf32, #tpu.memory_space<hbm>>
    %dma_wait3A_197 = arith.constant 0 : i32
    %dma_wait3A_198 = tpu.memref_slice %arg6[%dma_wait3A_187, %dma_wait3A_197] : memref<2x16384xf32, #tpu.memory_space<vmem>> -> memref<1x16384xf32, #tpu.memory_space<vmem>>
    %dma_wait3A_199 = tpu.memref_squeeze %dma_wait3A_198 : memref<1x16384xf32, #tpu.memory_space<vmem>> -> memref<16384xf32, #tpu.memory_space<vmem>>
    tpu.wait_dma2 semaphore(%arg9 : memref<!tpu.dma_semaphore, #tpu.memory_space<semaphore_mem>>) src(%dma_wait3A_199 : memref<16384xf32, #tpu.memory_space<vmem>>) dst(%dma_wait3A_196 : memref<16384xf32, #tpu.memory_space<hbm>>)
    %add3A_200 = arith.constant 2 : i32
    %add3A_201 = arith.addi %mul3A_2, %add3A_200 : i32
    %jit3A_202 = arith.constant 16 : i32
    %div3A_203 = arith.divsi %add3A_201, %jit3A_202 : i32
    %sign3A_204 = arith.constant 0 : i32
    %sign3A_205 = arith.cmpi sgt, %add3A_201, %sign3A_204 : i32
    %sign3A_206 = arith.extui %sign3A_205 : i1 to i32
    %sign3A_207 = arith.constant 0 : i32
    %sign3A_208 = arith.cmpi slt, %add3A_201, %sign3A_207 : i32
    %sign3A_209 = arith.extui %sign3A_208 : i1 to i32
    %sign3A_210 = arith.subi %sign3A_206, %sign3A_209 : i32
    %sign3A_211 = arith.constant 0 : i32
    %sign3A_212 = arith.cmpi sgt, %jit3A_202, %sign3A_211 : i32
    %sign3A_213 = arith.extui %sign3A_212 : i1 to i32
    %sign3A_214 = arith.constant 0 : i32
    %sign3A_215 = arith.cmpi slt, %jit3A_202, %sign3A_214 : i32
    %sign3A_216 = arith.extui %sign3A_215 : i1 to i32
    %sign3A_217 = arith.subi %sign3A_213, %sign3A_216 : i32
    %ne3A_218 = arith.cmpi ne, %sign3A_210, %sign3A_217 : i32
    %rem3A_219 = arith.remsi %add3A_201, %jit3A_202 : i32
    %ne3A_220 = arith.constant 0 : i32
    %ne3A_221 = arith.cmpi ne, %rem3A_219, %ne3A_220 : i32
    %and3A_222 = arith.andi %ne3A_218, %ne3A_221 : i1
    %sub3A_223 = arith.constant 1 : i32
    %sub3A_224 = arith.subi %div3A_203, %sub3A_223 : i32
    %select_n3A_225 = arith.select %and3A_222, %sub3A_224, %div3A_203 : i32
    %jit3A_226 = arith.constant 16 : i32
    %eq3A_227 = arith.constant 0 : i32
    %eq3A_228 = arith.cmpi eq, %jit3A_226, %eq3A_227 : i32
    %jit3A_229 = arith.constant 1 : i32
    %select_n3A_230 = arith.select %eq3A_228, %jit3A_229, %jit3A_226 : i32
    %rem3A_231 = arith.remsi %add3A_201, %select_n3A_230 : i32
    %ne3A_232 = arith.constant 0 : i32
    %ne3A_233 = arith.cmpi ne, %rem3A_231, %ne3A_232 : i32
    %lt3A_234 = arith.constant 0 : i32
    %lt3A_235 = arith.cmpi slt, %rem3A_231, %lt3A_234 : i32
    %lt3A_236 = arith.constant 0 : i32
    %lt3A_237 = arith.cmpi slt, %select_n3A_230, %lt3A_236 : i32
    %ne3A_238 = arith.xori %lt3A_235, %lt3A_237 : i1
    %and3A_239 = arith.andi %ne3A_238, %ne3A_233 : i1
    %add3A_240 = arith.addi %rem3A_231, %select_n3A_230 : i32
    %select_n3A_241 = arith.select %and3A_239, %add3A_240, %rem3A_231 : i32
    %mul3A_242 = arith.constant 16384 : i32
    %mul3A_243 = arith.muli %select_n3A_225, %mul3A_242 : i32
    %run_scoped3A_244 = arith.constant 0 : i32
    "tpu.region"() ({
      %run_scoped3A_1873 = tpu.sem_alloc : memref<!tpu.dma_semaphore, #tpu.memory_space<semaphore_mem>>
      %dma_start3A_1874 = arith.constant 0 : i32
      %dma_start3A_1875 = tpu.memref_slice %arg5[%run_scoped3A_244, %dma_start3A_1874] : memref<2x16384xi32, #tpu.memory_space<vmem>> -> memref<1x16384xi32, #tpu.memory_space<vmem>>
      %dma_start3A_1876 = tpu.memref_squeeze %dma_start3A_1875 : memref<1x16384xi32, #tpu.memory_space<vmem>> -> memref<16384xi32, #tpu.memory_space<vmem>>
      %dma_start3A_1877 = tpu.memref_slice %arg2[%mul3A_243] : memref<425984xi32, #tpu.memory_space<hbm>> -> memref<16384xi32, #tpu.memory_space<hbm>>
      %dma_start3A_1878 = arith.constant 0 : i32
      %dma_start3A_1879 = tpu.memref_slice %arg5[%run_scoped3A_244, %dma_start3A_1878] : memref<2x16384xi32, #tpu.memory_space<vmem>> -> memref<1x16384xi32, #tpu.memory_space<vmem>>
      %dma_start3A_1880 = tpu.memref_squeeze %dma_start3A_1879 : memref<1x16384xi32, #tpu.memory_space<vmem>> -> memref<16384xi32, #tpu.memory_space<vmem>>
      %dma_start3A_1881 = tpu.memref_slice %arg2[%mul3A_243] : memref<425984xi32, #tpu.memory_space<hbm>> -> memref<16384xi32, #tpu.memory_space<hbm>>
      tpu.enqueue_dma source(%dma_start3A_1881 : memref<16384xi32, #tpu.memory_space<hbm>>) target(%dma_start3A_1880 : memref<16384xi32, #tpu.memory_space<vmem>>) target_semaphore(%run_scoped3A_1873 : memref<!tpu.dma_semaphore, #tpu.memory_space<semaphore_mem>>)
      %dma_wait3A_1882 = arith.constant 0 : i32
      %dma_wait3A_1883 = tpu.memref_slice %arg5[%run_scoped3A_244, %dma_wait3A_1882] : memref<2x16384xi32, #tpu.memory_space<vmem>> -> memref<1x16384xi32, #tpu.memory_space<vmem>>
      %dma_wait3A_1884 = tpu.memref_squeeze %dma_wait3A_1883 : memref<1x16384xi32, #tpu.memory_space<vmem>> -> memref<16384xi32, #tpu.memory_space<vmem>>
      %dma_wait3A_1885 = tpu.memref_slice %arg2[%mul3A_243] : memref<425984xi32, #tpu.memory_space<hbm>> -> memref<16384xi32, #tpu.memory_space<hbm>>
      %dma_wait3A_1886 = arith.constant 0 : i32
      %dma_wait3A_1887 = tpu.memref_slice %arg5[%run_scoped3A_244, %dma_wait3A_1886] : memref<2x16384xi32, #tpu.memory_space<vmem>> -> memref<1x16384xi32, #tpu.memory_space<vmem>>
      %dma_wait3A_1888 = tpu.memref_squeeze %dma_wait3A_1887 : memref<1x16384xi32, #tpu.memory_space<vmem>> -> memref<16384xi32, #tpu.memory_space<vmem>>
      %dma_wait3A_1889 = tpu.memref_slice %arg2[%mul3A_243] : memref<425984xi32, #tpu.memory_space<hbm>> -> memref<16384xi32, #tpu.memory_space<hbm>>
      tpu.wait_dma2 semaphore(%run_scoped3A_1873 : memref<!tpu.dma_semaphore, #tpu.memory_space<semaphore_mem>>) src(%dma_wait3A_1889 : memref<16384xi32, #tpu.memory_space<hbm>>) dst(%dma_wait3A_1888 : memref<16384xi32, #tpu.memory_space<vmem>>)
      tpu.yield
    }) : () -> ()
    %mul3A_245 = arith.constant 38461 : i32
    %mul3A_246 = arith.muli %select_n3A_225, %mul3A_245 : i32
    %mul3A_247 = arith.constant 1015808 : i32
    %mul3A_248 = arith.muli %select_n3A_241, %mul3A_247 : i32
    %add3A_249 = arith.addi %mul3A_246, %mul3A_248 : i32
    %broadcast_in_dim3A_250 = vector.broadcast %add3A_249 : i32 to vector<16xi32>
    %scan3A_251 = arith.constant 0 : i32
    %scan3A_252 = arith.constant 0 : i32
    %scan3A_253 = arith.constant 1024 : i32
    %scan3A_254 = arith.addi %scan3A_252, %scan3A_253 : i32
    %scan3A_255 = arith.constant 1 : i32
    scf.for %scan3A_1873 = %scan3A_252 to %scan3A_254 step %scan3A_255  : i32 {
      %mul3A_1874 = arith.constant 16 : i32
      %mul3A_1875 = arith.muli %scan3A_1873, %mul3A_1874 : i32
      %get3A = arith.constant 0 : i32
      %get3A_1876 = arith.index_cast %get3A : i32 to index
      %get3A_1877 = arith.index_cast %mul3A_1875 : i32 to index
      %get3A_1878 = tpu.vector_load %arg5[%get3A_1876, %get3A_1877] {strides = array<i32>} : memref<2x16384xi32, #tpu.memory_space<vmem>>, vector<16xi32>,
      %add3A_1879 = arith.addi %get3A_1878, %broadcast_in_dim3A_250 : vector<16xi32>
      %swap3A = arith.constant 0 : i32
      %swap3A_1880 = arith.index_cast %swap3A : i32 to index
      %swap3A_1881 = arith.index_cast %mul3A_1875 : i32 to index
      %swap3A_1882 = tpu.vector_load %arg5[%swap3A_1880, %swap3A_1881] {strides = array<i32>} : memref<2x16384xi32, #tpu.memory_space<vmem>>, vector<16xi32>,
      tpu.vector_store %arg5[%swap3A_1880, %swap3A_1881], %add3A_1879 {strides = array<i32>} : memref<2x16384xi32, #tpu.memory_space<vmem>>, vector<16xi32>,
    }
    %scan3A_256 = arith.constant 1024 : i32
    %dma_wait3A_257 = arith.constant 1 : i32
    %dma_wait3A_258 = arith.constant 1 : i32
    %dma_wait3A_259 = arith.constant 0 : i32
    %dma_wait3A_260 = tpu.memref_slice %arg6[%dma_wait3A_258, %dma_wait3A_259] : memref<2x16384xf32, #tpu.memory_space<vmem>> -> memref<1x16384xf32, #tpu.memory_space<vmem>>
    %dma_wait3A_261 = tpu.memref_squeeze %dma_wait3A_260 : memref<1x16384xf32, #tpu.memory_space<vmem>> -> memref<16384xf32, #tpu.memory_space<vmem>>
    %dma_wait3A_262 = arith.constant 0 : i32
    %dma_wait3A_263 = tpu.memref_slice %arg5[%dma_wait3A_257, %dma_wait3A_262] : memref<2x16384xi32, #tpu.memory_space<vmem>> -> memref<1x16384xi32, #tpu.memory_space<vmem>>
    %dma_wait3A_264 = tpu.memref_squeeze %dma_wait3A_263 : memref<1x16384xi32, #tpu.memory_space<vmem>> -> memref<16384xi32, #tpu.memory_space<vmem>>
    %dma_wait3A_265 = arith.constant 0 : i32
    %dma_wait3A_266 = tpu.memref_slice %arg3[%dma_wait3A_265] : memref<16252928xf32, #tpu.memory_space<hbm>> -> memref<16252928xf32, #tpu.memory_space<hbm>>
    tpu.wait_indirect_dma semaphore(%arg8 : memref<!tpu.dma_semaphore, #tpu.memory_space<semaphore_mem>>) src(%dma_wait3A_266 : memref<16252928xf32, #tpu.memory_space<hbm>>) dst(%dma_wait3A_261 : memref<16384xf32, #tpu.memory_space<vmem>>)
    %dma_start3A_267 = arith.constant 0 : i32
    %dma_start3A_268 = arith.constant 0 : i32
    %dma_start3A_269 = arith.constant 0 : i32
    %dma_start3A_270 = tpu.memref_slice %arg6[%dma_start3A_268, %dma_start3A_269] : memref<2x16384xf32, #tpu.memory_space<vmem>> -> memref<1x16384xf32, #tpu.memory_space<vmem>>
    %dma_start3A_271 = tpu.memref_squeeze %dma_start3A_270 : memref<1x16384xf32, #tpu.memory_space<vmem>> -> memref<16384xf32, #tpu.memory_space<vmem>>
    %dma_start3A_272 = arith.constant 0 : i32
    %dma_start3A_273 = tpu.memref_slice %arg5[%dma_start3A_267, %dma_start3A_272] : memref<2x16384xi32, #tpu.memory_space<vmem>> -> memref<1x16384xi32, #tpu.memory_space<vmem>>
    %dma_start3A_274 = tpu.memref_squeeze %dma_start3A_273 : memref<1x16384xi32, #tpu.memory_space<vmem>> -> memref<16384xi32, #tpu.memory_space<vmem>>
    %dma_start3A_275 = arith.constant 0 : i32
    %dma_start3A_276 = tpu.memref_slice %arg3[%dma_start3A_275] : memref<16252928xf32, #tpu.memory_space<hbm>> -> memref<16252928xf32, #tpu.memory_space<hbm>>
    tpu.enqueue_indirect_dma source(%dma_start3A_276 : memref<16252928xf32, #tpu.memory_space<hbm>>) target(%dma_start3A_271 : memref<16384xf32, #tpu.memory_space<vmem>>) offsets(%dma_start3A_274 : memref<16384xi32, #tpu.memory_space<vmem>>) semaphore(%arg7 : memref<!tpu.dma_semaphore, #tpu.memory_space<semaphore_mem>>)
    %add3A_277 = arith.constant 1 : i32
    %add3A_278 = arith.addi %mul3A_2, %add3A_277 : i32
    %jit3A_279 = arith.constant 16 : i32
    %div3A_280 = arith.divsi %add3A_278, %jit3A_279 : i32
    %sign3A_281 = arith.constant 0 : i32
    %sign3A_282 = arith.cmpi sgt, %add3A_278, %sign3A_281 : i32
    %sign3A_283 = arith.extui %sign3A_282 : i1 to i32
    %sign3A_284 = arith.constant 0 : i32
    %sign3A_285 = arith.cmpi slt, %add3A_278, %sign3A_284 : i32
    %sign3A_286 = arith.extui %sign3A_285 : i1 to i32
    %sign3A_287 = arith.subi %sign3A_283, %sign3A_286 : i32
    %sign3A_288 = arith.constant 0 : i32
    %sign3A_289 = arith.cmpi sgt, %jit3A_279, %sign3A_288 : i32
    %sign3A_290 = arith.extui %sign3A_289 : i1 to i32
    %sign3A_291 = arith.constant 0 : i32
    %sign3A_292 = arith.cmpi slt, %jit3A_279, %sign3A_291 : i32
    %sign3A_293 = arith.extui %sign3A_292 : i1 to i32
    %sign3A_294 = arith.subi %sign3A_290, %sign3A_293 : i32
    %ne3A_295 = arith.cmpi ne, %sign3A_287, %sign3A_294 : i32
    %rem3A_296 = arith.remsi %add3A_278, %jit3A_279 : i32
    %ne3A_297 = arith.constant 0 : i32
    %ne3A_298 = arith.cmpi ne, %rem3A_296, %ne3A_297 : i32
    %and3A_299 = arith.andi %ne3A_295, %ne3A_298 : i1
    %sub3A_300 = arith.constant 1 : i32
    %sub3A_301 = arith.subi %div3A_280, %sub3A_300 : i32
    %select_n3A_302 = arith.select %and3A_299, %sub3A_301, %div3A_280 : i32
    %jit3A_303 = arith.constant 16 : i32
    %eq3A_304 = arith.constant 0 : i32
    %eq3A_305 = arith.cmpi eq, %jit3A_303, %eq3A_304 : i32
    %jit3A_306 = arith.constant 1 : i32
    %select_n3A_307 = arith.select %eq3A_305, %jit3A_306, %jit3A_303 : i32
    %rem3A_308 = arith.remsi %add3A_278, %select_n3A_307 : i32
    %ne3A_309 = arith.constant 0 : i32
    %ne3A_310 = arith.cmpi ne, %rem3A_308, %ne3A_309 : i32
    %lt3A_311 = arith.constant 0 : i32
    %lt3A_312 = arith.cmpi slt, %rem3A_308, %lt3A_311 : i32
    %lt3A_313 = arith.constant 0 : i32
    %lt3A_314 = arith.cmpi slt, %select_n3A_307, %lt3A_313 : i32
    %ne3A_315 = arith.xori %lt3A_312, %lt3A_314 : i1
    %and3A_316 = arith.andi %ne3A_315, %ne3A_310 : i1
    %add3A_317 = arith.addi %rem3A_308, %select_n3A_307 : i32
    %select_n3A_318 = arith.select %and3A_316, %add3A_317, %rem3A_308 : i32
    %dma_start3A_319 = arith.constant 1 : i32
    %dma_start3A_320 = arith.constant 0 : i32
    %dma_start3A_321 = tpu.memref_slice %arg6[%dma_start3A_319, %dma_start3A_320] : memref<2x16384xf32, #tpu.memory_space<vmem>> -> memref<1x16384xf32, #tpu.memory_space<vmem>>
    %dma_start3A_322 = tpu.memref_squeeze %dma_start3A_321 : memref<1x16384xf32, #tpu.memory_space<vmem>> -> memref<16384xf32, #tpu.memory_space<vmem>>
    %dma_start3A_323 = arith.constant 0 : i32
    %dma_start3A_324 = tpu.memref_slice %arg4[%select_n3A_302, %select_n3A_318, %dma_start3A_323] : memref<26x16x16384xf32, #tpu.memory_space<hbm>> -> memref<1x1x16384xf32, #tpu.memory_space<hbm>>
    %dma_start3A_325 = tpu.memref_squeeze %dma_start3A_324 : memref<1x1x16384xf32, #tpu.memory_space<hbm>> -> memref<16384xf32, #tpu.memory_space<hbm>>
    %dma_start3A_326 = arith.constant 0 : i32
    %dma_start3A_327 = tpu.memref_slice %arg4[%select_n3A_302, %select_n3A_318, %dma_start3A_326] : memref<26x16x16384xf32, #tpu.memory_space<hbm>> -> memref<1x1x16384xf32, #tpu.memory_space<hbm>>
    %dma_start3A_328 = tpu.memref_squeeze %dma_start3A_327 : memref<1x1x16384xf32, #tpu.memory_space<hbm>> -> memref<16384xf32, #tpu.memory_space<hbm>>
    %dma_start3A_329 = arith.constant 0 : i32
    %dma_start3A_330 = tpu.memref_slice %arg6[%dma_start3A_319, %dma_start3A_329] : memref<2x16384xf32, #tpu.memory_space<vmem>> -> memref<1x16384xf32, #tpu.memory_space<vmem>>
    %dma_start3A_331 = tpu.memref_squeeze %dma_start3A_330 : memref<1x16384xf32, #tpu.memory_space<vmem>> -> memref<16384xf32, #tpu.memory_space<vmem>>
    tpu.enqueue_dma source(%dma_start3A_331 : memref<16384xf32, #tpu.memory_space<vmem>>) target(%dma_start3A_328 : memref<16384xf32, #tpu.memory_space<hbm>>) target_semaphore(%arg10 : memref<!tpu.dma_semaphore, #tpu.memory_space<semaphore_mem>>)
    %dma_wait3A_332 = arith.constant 1 : i32
    %dma_wait3A_333 = arith.constant 0 : i32
    %dma_wait3A_334 = tpu.memref_slice %arg6[%dma_wait3A_332, %dma_wait3A_333] : memref<2x16384xf32, #tpu.memory_space<vmem>> -> memref<1x16384xf32, #tpu.memory_space<vmem>>
    %dma_wait3A_335 = tpu.memref_squeeze %dma_wait3A_334 : memref<1x16384xf32, #tpu.memory_space<vmem>> -> memref<16384xf32, #tpu.memory_space<vmem>>
    %dma_wait3A_336 = arith.constant 0 : i32
    %dma_wait3A_337 = tpu.memref_slice %arg4[%select_n3A_302, %select_n3A_318, %dma_wait3A_336] : memref<26x16x16384xf32, #tpu.memory_space<hbm>> -> memref<1x1x16384xf32, #tpu.memory_space<hbm>>
    %dma_wait3A_338 = tpu.memref_squeeze %dma_wait3A_337 : memref<1x1x16384xf32, #tpu.memory_space<hbm>> -> memref<16384xf32, #tpu.memory_space<hbm>>
    %dma_wait3A_339 = arith.constant 0 : i32
    %dma_wait3A_340 = tpu.memref_slice %arg4[%select_n3A_302, %select_n3A_318, %dma_wait3A_339] : memref<26x16x16384xf32, #tpu.memory_space<hbm>> -> memref<1x1x16384xf32, #tpu.memory_space<hbm>>
    %dma_wait3A_341 = tpu.memref_squeeze %dma_wait3A_340 : memref<1x1x16384xf32, #tpu.memory_space<hbm>> -> memref<16384xf32, #tpu.memory_space<hbm>>
    %dma_wait3A_342 = arith.constant 0 : i32
    %dma_wait3A_343 = tpu.memref_slice %arg6[%dma_wait3A_332, %dma_wait3A_342] : memref<2x16384xf32, #tpu.memory_space<vmem>> -> memref<1x16384xf32, #tpu.memory_space<vmem>>
    %dma_wait3A_344 = tpu.memref_squeeze %dma_wait3A_343 : memref<1x16384xf32, #tpu.memory_space<vmem>> -> memref<16384xf32, #tpu.memory_space<vmem>>
    tpu.wait_dma2 semaphore(%arg10 : memref<!tpu.dma_semaphore, #tpu.memory_space<semaphore_mem>>) src(%dma_wait3A_344 : memref<16384xf32, #tpu.memory_space<vmem>>) dst(%dma_wait3A_341 : memref<16384xf32, #tpu.memory_space<hbm>>)
    %add3A_345 = arith.constant 3 : i32
    %add3A_346 = arith.addi %mul3A_2, %add3A_345 : i32
    %jit3A_347 = arith.constant 16 : i32
    %div3A_348 = arith.divsi %add3A_346, %jit3A_347 : i32
    %sign3A_349 = arith.constant 0 : i32
    %sign3A_350 = arith.cmpi sgt, %add3A_346, %sign3A_349 : i32
    %sign3A_351 = arith.extui %sign3A_350 : i1 to i32
    %sign3A_352 = arith.constant 0 : i32
    %sign3A_353 = arith.cmpi slt, %add3A_346, %sign3A_352 : i32
    %sign3A_354 = arith.extui %sign3A_353 : i1 to i32
    %sign3A_355 = arith.subi %sign3A_351, %sign3A_354 : i32
    %sign3A_356 = arith.constant 0 : i32
    %sign3A_357 = arith.cmpi sgt, %jit3A_347, %sign3A_356 : i32
    %sign3A_358 = arith.extui %sign3A_357 : i1 to i32
    %sign3A_359 = arith.constant 0 : i32
    %sign3A_360 = arith.cmpi slt, %jit3A_347, %sign3A_359 : i32
    %sign3A_361 = arith.extui %sign3A_360 : i1 to i32
    %sign3A_362 = arith.subi %sign3A_358, %sign3A_361 : i32
    %ne3A_363 = arith.cmpi ne, %sign3A_355, %sign3A_362 : i32
    %rem3A_364 = arith.remsi %add3A_346, %jit3A_347 : i32
    %ne3A_365 = arith.constant 0 : i32
    %ne3A_366 = arith.cmpi ne, %rem3A_364, %ne3A_365 : i32
    %and3A_367 = arith.andi %ne3A_363, %ne3A_366 : i1
    %sub3A_368 = arith.constant 1 : i32
    %sub3A_369 = arith.subi %div3A_348, %sub3A_368 : i32
    %select_n3A_370 = arith.select %and3A_367, %sub3A_369, %div3A_348 : i32
    %jit3A_371 = arith.constant 16 : i32
    %eq3A_372 = arith.constant 0 : i32
    %eq3A_373 = arith.cmpi eq, %jit3A_371, %eq3A_372 : i32
    %jit3A_374 = arith.constant 1 : i32
    %select_n3A_375 = arith.select %eq3A_373, %jit3A_374, %jit3A_371 : i32
    %rem3A_376 = arith.remsi %add3A_346, %select_n3A_375 : i32
    %ne3A_377 = arith.constant 0 : i32
    %ne3A_378 = arith.cmpi ne, %rem3A_376, %ne3A_377 : i32
    %lt3A_379 = arith.constant 0 : i32
    %lt3A_380 = arith.cmpi slt, %rem3A_376, %lt3A_379 : i32
    %lt3A_381 = arith.constant 0 : i32
    %lt3A_382 = arith.cmpi slt, %select_n3A_375, %lt3A_381 : i32
    %ne3A_383 = arith.xori %lt3A_380, %lt3A_382 : i1
    %and3A_384 = arith.andi %ne3A_383, %ne3A_378 : i1
    %add3A_385 = arith.addi %rem3A_376, %select_n3A_375 : i32
    %select_n3A_386 = arith.select %and3A_384, %add3A_385, %rem3A_376 : i32
    %mul3A_387 = arith.constant 16384 : i32
    %mul3A_388 = arith.muli %select_n3A_370, %mul3A_387 : i32
    %run_scoped3A_389 = arith.constant 1 : i32
    "tpu.region"() ({
      %run_scoped3A_1873 = tpu.sem_alloc : memref<!tpu.dma_semaphore, #tpu.memory_space<semaphore_mem>>
      %dma_start3A_1874 = arith.constant 0 : i32
      %dma_start3A_1875 = tpu.memref_slice %arg5[%run_scoped3A_389, %dma_start3A_1874] : memref<2x16384xi32, #tpu.memory_space<vmem>> -> memref<1x16384xi32, #tpu.memory_space<vmem>>
      %dma_start3A_1876 = tpu.memref_squeeze %dma_start3A_1875 : memref<1x16384xi32, #tpu.memory_space<vmem>> -> memref<16384xi32, #tpu.memory_space<vmem>>
      %dma_start3A_1877 = tpu.memref_slice %arg2[%mul3A_388] : memref<425984xi32, #tpu.memory_space<hbm>> -> memref<16384xi32, #tpu.memory_space<hbm>>
      %dma_start3A_1878 = arith.constant 0 : i32
      %dma_start3A_1879 = tpu.memref_slice %arg5[%run_scoped3A_389, %dma_start3A_1878] : memref<2x16384xi32, #tpu.memory_space<vmem>> -> memref<1x16384xi32, #tpu.memory_space<vmem>>
      %dma_start3A_1880 = tpu.memref_squeeze %dma_start3A_1879 : memref<1x16384xi32, #tpu.memory_space<vmem>> -> memref<16384xi32, #tpu.memory_space<vmem>>
      %dma_start3A_1881 = tpu.memref_slice %arg2[%mul3A_388] : memref<425984xi32, #tpu.memory_space<hbm>> -> memref<16384xi32, #tpu.memory_space<hbm>>
      tpu.enqueue_dma source(%dma_start3A_1881 : memref<16384xi32, #tpu.memory_space<hbm>>) target(%dma_start3A_1880 : memref<16384xi32, #tpu.memory_space<vmem>>) target_semaphore(%run_scoped3A_1873 : memref<!tpu.dma_semaphore, #tpu.memory_space<semaphore_mem>>)
      %dma_wait3A_1882 = arith.constant 0 : i32
      %dma_wait3A_1883 = tpu.memref_slice %arg5[%run_scoped3A_389, %dma_wait3A_1882] : memref<2x16384xi32, #tpu.memory_space<vmem>> -> memref<1x16384xi32, #tpu.memory_space<vmem>>
      %dma_wait3A_1884 = tpu.memref_squeeze %dma_wait3A_1883 : memref<1x16384xi32, #tpu.memory_space<vmem>> -> memref<16384xi32, #tpu.memory_space<vmem>>
      %dma_wait3A_1885 = tpu.memref_slice %arg2[%mul3A_388] : memref<425984xi32, #tpu.memory_space<hbm>> -> memref<16384xi32, #tpu.memory_space<hbm>>
      %dma_wait3A_1886 = arith.constant 0 : i32
      %dma_wait3A_1887 = tpu.memref_slice %arg5[%run_scoped3A_389, %dma_wait3A_1886] : memref<2x16384xi32, #tpu.memory_space<vmem>> -> memref<1x16384xi32, #tpu.memory_space<vmem>>
      %dma_wait3A_1888 = tpu.memref_squeeze %dma_wait3A_1887 : memref<1x16384xi32, #tpu.memory_space<vmem>> -> memref<16384xi32, #tpu.memory_space<vmem>>
      %dma_wait3A_1889 = tpu.memref_slice %arg2[%mul3A_388] : memref<425984xi32, #tpu.memory_space<hbm>> -> memref<16384xi32, #tpu.memory_space<hbm>>
      tpu.wait_dma2 semaphore(%run_scoped3A_1873 : memref<!tpu.dma_semaphore, #tpu.memory_space<semaphore_mem>>) src(%dma_wait3A_1889 : memref<16384xi32, #tpu.memory_space<hbm>>) dst(%dma_wait3A_1888 : memref<16384xi32, #tpu.memory_space<vmem>>)
      tpu.yield
    }) : () -> ()
    %mul3A_390 = arith.constant 38461 : i32
    %mul3A_391 = arith.muli %select_n3A_370, %mul3A_390 : i32
    %mul3A_392 = arith.constant 1015808 : i32
    %mul3A_393 = arith.muli %select_n3A_386, %mul3A_392 : i32
    %add3A_394 = arith.addi %mul3A_391, %mul3A_393 : i32
    %broadcast_in_dim3A_395 = vector.broadcast %add3A_394 : i32 to vector<16xi32>
    %scan3A_396 = arith.constant 0 : i32
    %scan3A_397 = arith.constant 0 : i32
    %scan3A_398 = arith.constant 1024 : i32
    %scan3A_399 = arith.addi %scan3A_397, %scan3A_398 : i32
    %scan3A_400 = arith.constant 1 : i32
    scf.for %scan3A_1873 = %scan3A_397 to %scan3A_399 step %scan3A_400  : i32 {
      %mul3A_1874 = arith.constant 16 : i32
      %mul3A_1875 = arith.muli %scan3A_1873, %mul3A_1874 : i32
      %get3A = arith.constant 1 : i32
      %get3A_1876 = arith.index_cast %get3A : i32 to index
      %get3A_1877 = arith.index_cast %mul3A_1875 : i32 to index
      %get3A_1878 = tpu.vector_load %arg5[%get3A_1876, %get3A_1877] {strides = array<i32>} : memref<2x16384xi32, #tpu.memory_space<vmem>>, vector<16xi32>,
      %add3A_1879 = arith.addi %get3A_1878, %broadcast_in_dim3A_395 : vector<16xi32>
      %swap3A = arith.constant 1 : i32
      %swap3A_1880 = arith.index_cast %swap3A : i32 to index
      %swap3A_1881 = arith.index_cast %mul3A_1875 : i32 to index
      %swap3A_1882 = tpu.vector_load %arg5[%swap3A_1880, %swap3A_1881] {strides = array<i32>} : memref<2x16384xi32, #tpu.memory_space<vmem>>, vector<16xi32>,
      tpu.vector_store %arg5[%swap3A_1880, %swap3A_1881], %add3A_1879 {strides = array<i32>} : memref<2x16384xi32, #tpu.memory_space<vmem>>, vector<16xi32>,
    }
    %scan3A_401 = arith.constant 1024 : i32
    %dma_wait3A_402 = arith.constant 0 : i32
    %dma_wait3A_403 = arith.constant 0 : i32
    %dma_wait3A_404 = arith.constant 0 : i32
    %dma_wait3A_405 = tpu.memref_slice %arg6[%dma_wait3A_403, %dma_wait3A_404] : memref<2x16384xf32, #tpu.memory_space<vmem>> -> memref<1x16384xf32, #tpu.memory_space<vmem>>
    %dma_wait3A_406 = tpu.memref_squeeze %dma_wait3A_405 : memref<1x16384xf32, #tpu.memory_space<vmem>> -> memref<16384xf32, #tpu.memory_space<vmem>>
    %dma_wait3A_407 = arith.constant 0 : i32
    %dma_wait3A_408 = tpu.memref_slice %arg5[%dma_wait3A_402, %dma_wait3A_407] : memref<2x16384xi32, #tpu.memory_space<vmem>> -> memref<1x16384xi32, #tpu.memory_space<vmem>>
    %dma_wait3A_409 = tpu.memref_squeeze %dma_wait3A_408 : memref<1x16384xi32, #tpu.memory_space<vmem>> -> memref<16384xi32, #tpu.memory_space<vmem>>
    %dma_wait3A_410 = arith.constant 0 : i32
    %dma_wait3A_411 = tpu.memref_slice %arg3[%dma_wait3A_410] : memref<16252928xf32, #tpu.memory_space<hbm>> -> memref<16252928xf32, #tpu.memory_space<hbm>>
    tpu.wait_indirect_dma semaphore(%arg7 : memref<!tpu.dma_semaphore, #tpu.memory_space<semaphore_mem>>) src(%dma_wait3A_411 : memref<16252928xf32, #tpu.memory_space<hbm>>) dst(%dma_wait3A_406 : memref<16384xf32, #tpu.memory_space<vmem>>)
    %dma_start3A_412 = arith.constant 1 : i32
    %dma_start3A_413 = arith.constant 1 : i32
    %dma_start3A_414 = arith.constant 0 : i32
    %dma_start3A_415 = tpu.memref_slice %arg6[%dma_start3A_413, %dma_start3A_414] : memref<2x16384xf32, #tpu.memory_space<vmem>> -> memref<1x16384xf32, #tpu.memory_space<vmem>>
    %dma_start3A_416 = tpu.memref_squeeze %dma_start3A_415 : memref<1x16384xf32, #tpu.memory_space<vmem>> -> memref<16384xf32, #tpu.memory_space<vmem>>
    %dma_start3A_417 = arith.constant 0 : i32
    %dma_start3A_418 = tpu.memref_slice %arg5[%dma_start3A_412, %dma_start3A_417] : memref<2x16384xi32, #tpu.memory_space<vmem>> -> memref<1x16384xi32, #tpu.memory_space<vmem>>
    %dma_start3A_419 = tpu.memref_squeeze %dma_start3A_418 : memref<1x16384xi32, #tpu.memory_space<vmem>> -> memref<16384xi32, #tpu.memory_space<vmem>>
    %dma_start3A_420 = arith.constant 0 : i32
    %dma_start3A_421 = tpu.memref_slice %arg3[%dma_start3A_420] : memref<16252928xf32, #tpu.memory_space<hbm>> -> memref<16252928xf32, #tpu.memory_space<hbm>>
    tpu.enqueue_indirect_dma source(%dma_start3A_421 : memref<16252928xf32, #tpu.memory_space<hbm>>) target(%dma_start3A_416 : memref<16384xf32, #tpu.memory_space<vmem>>) offsets(%dma_start3A_419 : memref<16384xi32, #tpu.memory_space<vmem>>) semaphore(%arg8 : memref<!tpu.dma_semaphore, #tpu.memory_space<semaphore_mem>>)
    %add3A_422 = arith.constant 2 : i32
    %add3A_423 = arith.addi %mul3A_2, %add3A_422 : i32
    %jit3A_424 = arith.constant 16 : i32
    %div3A_425 = arith.divsi %add3A_423, %jit3A_424 : i32
    %sign3A_426 = arith.constant 0 : i32
    %sign3A_427 = arith.cmpi sgt, %add3A_423, %sign3A_426 : i32
    %sign3A_428 = arith.extui %sign3A_427 : i1 to i32
    %sign3A_429 = arith.constant 0 : i32
    %sign3A_430 = arith.cmpi slt, %add3A_423, %sign3A_429 : i32
    %sign3A_431 = arith.extui %sign3A_430 : i1 to i32
    %sign3A_432 = arith.subi %sign3A_428, %sign3A_431 : i32
    %sign3A_433 = arith.constant 0 : i32
    %sign3A_434 = arith.cmpi sgt, %jit3A_424, %sign3A_433 : i32
    %sign3A_435 = arith.extui %sign3A_434 : i1 to i32
    %sign3A_436 = arith.constant 0 : i32
    %sign3A_437 = arith.cmpi slt, %jit3A_424, %sign3A_436 : i32
    %sign3A_438 = arith.extui %sign3A_437 : i1 to i32
    %sign3A_439 = arith.subi %sign3A_435, %sign3A_438 : i32
    %ne3A_440 = arith.cmpi ne, %sign3A_432, %sign3A_439 : i32
    %rem3A_441 = arith.remsi %add3A_423, %jit3A_424 : i32
    %ne3A_442 = arith.constant 0 : i32
    %ne3A_443 = arith.cmpi ne, %rem3A_441, %ne3A_442 : i32
    %and3A_444 = arith.andi %ne3A_440, %ne3A_443 : i1
    %sub3A_445 = arith.constant 1 : i32
    %sub3A_446 = arith.subi %div3A_425, %sub3A_445 : i32
    %select_n3A_447 = arith.select %and3A_444, %sub3A_446, %div3A_425 : i32
    %jit3A_448 = arith.constant 16 : i32
    %eq3A_449 = arith.constant 0 : i32
    %eq3A_450 = arith.cmpi eq, %jit3A_448, %eq3A_449 : i32
    %jit3A_451 = arith.constant 1 : i32
    %select_n3A_452 = arith.select %eq3A_450, %jit3A_451, %jit3A_448 : i32
    %rem3A_453 = arith.remsi %add3A_423, %select_n3A_452 : i32
    %ne3A_454 = arith.constant 0 : i32
    %ne3A_455 = arith.cmpi ne, %rem3A_453, %ne3A_454 : i32
    %lt3A_456 = arith.constant 0 : i32
    %lt3A_457 = arith.cmpi slt, %rem3A_453, %lt3A_456 : i32
    %lt3A_458 = arith.constant 0 : i32
    %lt3A_459 = arith.cmpi slt, %select_n3A_452, %lt3A_458 : i32
    %ne3A_460 = arith.xori %lt3A_457, %lt3A_459 : i1
    %and3A_461 = arith.andi %ne3A_460, %ne3A_455 : i1
    %add3A_462 = arith.addi %rem3A_453, %select_n3A_452 : i32
    %select_n3A_463 = arith.select %and3A_461, %add3A_462, %rem3A_453 : i32
    %dma_start3A_464 = arith.constant 0 : i32
    %dma_start3A_465 = arith.constant 0 : i32
    %dma_start3A_466 = tpu.memref_slice %arg6[%dma_start3A_464, %dma_start3A_465] : memref<2x16384xf32, #tpu.memory_space<vmem>> -> memref<1x16384xf32, #tpu.memory_space<vmem>>
    %dma_start3A_467 = tpu.memref_squeeze %dma_start3A_466 : memref<1x16384xf32, #tpu.memory_space<vmem>> -> memref<16384xf32, #tpu.memory_space<vmem>>
    %dma_start3A_468 = arith.constant 0 : i32
    %dma_start3A_469 = tpu.memref_slice %arg4[%select_n3A_447, %select_n3A_463, %dma_start3A_468] : memref<26x16x16384xf32, #tpu.memory_space<hbm>> -> memref<1x1x16384xf32, #tpu.memory_space<hbm>>
    %dma_start3A_470 = tpu.memref_squeeze %dma_start3A_469 : memref<1x1x16384xf32, #tpu.memory_space<hbm>> -> memref<16384xf32, #tpu.memory_space<hbm>>
    %dma_start3A_471 = arith.constant 0 : i32
    %dma_start3A_472 = tpu.memref_slice %arg4[%select_n3A_447, %select_n3A_463, %dma_start3A_471] : memref<26x16x16384xf32, #tpu.memory_space<hbm>> -> memref<1x1x16384xf32, #tpu.memory_space<hbm>>
    %dma_start3A_473 = tpu.memref_squeeze %dma_start3A_472 : memref<1x1x16384xf32, #tpu.memory_space<hbm>> -> memref<16384xf32, #tpu.memory_space<hbm>>
    %dma_start3A_474 = arith.constant 0 : i32
    %dma_start3A_475 = tpu.memref_slice %arg6[%dma_start3A_464, %dma_start3A_474] : memref<2x16384xf32, #tpu.memory_space<vmem>> -> memref<1x16384xf32, #tpu.memory_space<vmem>>
    %dma_start3A_476 = tpu.memref_squeeze %dma_start3A_475 : memref<1x16384xf32, #tpu.memory_space<vmem>> -> memref<16384xf32, #tpu.memory_space<vmem>>
    tpu.enqueue_dma source(%dma_start3A_476 : memref<16384xf32, #tpu.memory_space<vmem>>) target(%dma_start3A_473 : memref<16384xf32, #tpu.memory_space<hbm>>) target_semaphore(%arg9 : memref<!tpu.dma_semaphore, #tpu.memory_space<semaphore_mem>>)
    %dma_wait3A_477 = arith.constant 0 : i32
    %dma_wait3A_478 = arith.constant 0 : i32
    %dma_wait3A_479 = tpu.memref_slice %arg6[%dma_wait3A_477, %dma_wait3A_478] : memref<2x16384xf32, #tpu.memory_space<vmem>> -> memref<1x16384xf32, #tpu.memory_space<vmem>>
    %dma_wait3A_480 = tpu.memref_squeeze %dma_wait3A_479 : memref<1x16384xf32, #tpu.memory_space<vmem>> -> memref<16384xf32, #tpu.memory_space<vmem>>
    %dma_wait3A_481 = arith.constant 0 : i32
    %dma_wait3A_482 = tpu.memref_slice %arg4[%select_n3A_447, %select_n3A_463, %dma_wait3A_481] : memref<26x16x16384xf32, #tpu.memory_space<hbm>> -> memref<1x1x16384xf32, #tpu.memory_space<hbm>>
    %dma_wait3A_483 = tpu.memref_squeeze %dma_wait3A_482 : memref<1x1x16384xf32, #tpu.memory_space<hbm>> -> memref<16384xf32, #tpu.memory_space<hbm>>
    %dma_wait3A_484 = arith.constant 0 : i32
    %dma_wait3A_485 = tpu.memref_slice %arg4[%select_n3A_447, %select_n3A_463, %dma_wait3A_484] : memref<26x16x16384xf32, #tpu.memory_space<hbm>> -> memref<1x1x16384xf32, #tpu.memory_space<hbm>>
    %dma_wait3A_486 = tpu.memref_squeeze %dma_wait3A_485 : memref<1x1x16384xf32, #tpu.memory_space<hbm>> -> memref<16384xf32, #tpu.memory_space<hbm>>
    %dma_wait3A_487 = arith.constant 0 : i32
    %dma_wait3A_488 = tpu.memref_slice %arg6[%dma_wait3A_477, %dma_wait3A_487] : memref<2x16384xf32, #tpu.memory_space<vmem>> -> memref<1x16384xf32, #tpu.memory_space<vmem>>
    %dma_wait3A_489 = tpu.memref_squeeze %dma_wait3A_488 : memref<1x16384xf32, #tpu.memory_space<vmem>> -> memref<16384xf32, #tpu.memory_space<vmem>>
    tpu.wait_dma2 semaphore(%arg9 : memref<!tpu.dma_semaphore, #tpu.memory_space<semaphore_mem>>) src(%dma_wait3A_489 : memref<16384xf32, #tpu.memory_space<vmem>>) dst(%dma_wait3A_486 : memref<16384xf32, #tpu.memory_space<hbm>>)
    %add3A_490 = arith.constant 4 : i32
    %add3A_491 = arith.addi %mul3A_2, %add3A_490 : i32
    %jit3A_492 = arith.constant 16 : i32
    %div3A_493 = arith.divsi %add3A_491, %jit3A_492 : i32
    %sign3A_494 = arith.constant 0 : i32
    %sign3A_495 = arith.cmpi sgt, %add3A_491, %sign3A_494 : i32
    %sign3A_496 = arith.extui %sign3A_495 : i1 to i32
    %sign3A_497 = arith.constant 0 : i32
    %sign3A_498 = arith.cmpi slt, %add3A_491, %sign3A_497 : i32
    %sign3A_499 = arith.extui %sign3A_498 : i1 to i32
    %sign3A_500 = arith.subi %sign3A_496, %sign3A_499 : i32
    %sign3A_501 = arith.constant 0 : i32
    %sign3A_502 = arith.cmpi sgt, %jit3A_492, %sign3A_501 : i32
    %sign3A_503 = arith.extui %sign3A_502 : i1 to i32
    %sign3A_504 = arith.constant 0 : i32
    %sign3A_505 = arith.cmpi slt, %jit3A_492, %sign3A_504 : i32
    %sign3A_506 = arith.extui %sign3A_505 : i1 to i32
    %sign3A_507 = arith.subi %sign3A_503, %sign3A_506 : i32
    %ne3A_508 = arith.cmpi ne, %sign3A_500, %sign3A_507 : i32
    %rem3A_509 = arith.remsi %add3A_491, %jit3A_492 : i32
    %ne3A_510 = arith.constant 0 : i32
    %ne3A_511 = arith.cmpi ne, %rem3A_509, %ne3A_510 : i32
    %and3A_512 = arith.andi %ne3A_508, %ne3A_511 : i1
    %sub3A_513 = arith.constant 1 : i32
    %sub3A_514 = arith.subi %div3A_493, %sub3A_513 : i32
    %select_n3A_515 = arith.select %and3A_512, %sub3A_514, %div3A_493 : i32
    %jit3A_516 = arith.constant 16 : i32
    %eq3A_517 = arith.constant 0 : i32
    %eq3A_518 = arith.cmpi eq, %jit3A_516, %eq3A_517 : i32
    %jit3A_519 = arith.constant 1 : i32
    %select_n3A_520 = arith.select %eq3A_518, %jit3A_519, %jit3A_516 : i32
    %rem3A_521 = arith.remsi %add3A_491, %select_n3A_520 : i32
    %ne3A_522 = arith.constant 0 : i32
    %ne3A_523 = arith.cmpi ne, %rem3A_521, %ne3A_522 : i32
    %lt3A_524 = arith.constant 0 : i32
    %lt3A_525 = arith.cmpi slt, %rem3A_521, %lt3A_524 : i32
    %lt3A_526 = arith.constant 0 : i32
    %lt3A_527 = arith.cmpi slt, %select_n3A_520, %lt3A_526 : i32
    %ne3A_528 = arith.xori %lt3A_525, %lt3A_527 : i1
    %and3A_529 = arith.andi %ne3A_528, %ne3A_523 : i1
    %add3A_530 = arith.addi %rem3A_521, %select_n3A_520 : i32
    %select_n3A_531 = arith.select %and3A_529, %add3A_530, %rem3A_521 : i32
    %mul3A_532 = arith.constant 16384 : i32
    %mul3A_533 = arith.muli %select_n3A_515, %mul3A_532 : i32
    %run_scoped3A_534 = arith.constant 0 : i32
    "tpu.region"() ({
      %run_scoped3A_1873 = tpu.sem_alloc : memref<!tpu.dma_semaphore, #tpu.memory_space<semaphore_mem>>
      %dma_start3A_1874 = arith.constant 0 : i32
      %dma_start3A_1875 = tpu.memref_slice %arg5[%run_scoped3A_534, %dma_start3A_1874] : memref<2x16384xi32, #tpu.memory_space<vmem>> -> memref<1x16384xi32, #tpu.memory_space<vmem>>
      %dma_start3A_1876 = tpu.memref_squeeze %dma_start3A_1875 : memref<1x16384xi32, #tpu.memory_space<vmem>> -> memref<16384xi32, #tpu.memory_space<vmem>>
      %dma_start3A_1877 = tpu.memref_slice %arg2[%mul3A_533] : memref<425984xi32, #tpu.memory_space<hbm>> -> memref<16384xi32, #tpu.memory_space<hbm>>
      %dma_start3A_1878 = arith.constant 0 : i32
      %dma_start3A_1879 = tpu.memref_slice %arg5[%run_scoped3A_534, %dma_start3A_1878] : memref<2x16384xi32, #tpu.memory_space<vmem>> -> memref<1x16384xi32, #tpu.memory_space<vmem>>
      %dma_start3A_1880 = tpu.memref_squeeze %dma_start3A_1879 : memref<1x16384xi32, #tpu.memory_space<vmem>> -> memref<16384xi32, #tpu.memory_space<vmem>>
      %dma_start3A_1881 = tpu.memref_slice %arg2[%mul3A_533] : memref<425984xi32, #tpu.memory_space<hbm>> -> memref<16384xi32, #tpu.memory_space<hbm>>
      tpu.enqueue_dma source(%dma_start3A_1881 : memref<16384xi32, #tpu.memory_space<hbm>>) target(%dma_start3A_1880 : memref<16384xi32, #tpu.memory_space<vmem>>) target_semaphore(%run_scoped3A_1873 : memref<!tpu.dma_semaphore, #tpu.memory_space<semaphore_mem>>)
      %dma_wait3A_1882 = arith.constant 0 : i32
      %dma_wait3A_1883 = tpu.memref_slice %arg5[%run_scoped3A_534, %dma_wait3A_1882] : memref<2x16384xi32, #tpu.memory_space<vmem>> -> memref<1x16384xi32, #tpu.memory_space<vmem>>
      %dma_wait3A_1884 = tpu.memref_squeeze %dma_wait3A_1883 : memref<1x16384xi32, #tpu.memory_space<vmem>> -> memref<16384xi32, #tpu.memory_space<vmem>>
      %dma_wait3A_1885 = tpu.memref_slice %arg2[%mul3A_533] : memref<425984xi32, #tpu.memory_space<hbm>> -> memref<16384xi32, #tpu.memory_space<hbm>>
      %dma_wait3A_1886 = arith.constant 0 : i32
      %dma_wait3A_1887 = tpu.memref_slice %arg5[%run_scoped3A_534, %dma_wait3A_1886] : memref<2x16384xi32, #tpu.memory_space<vmem>> -> memref<1x16384xi32, #tpu.memory_space<vmem>>
      %dma_wait3A_1888 = tpu.memref_squeeze %dma_wait3A_1887 : memref<1x16384xi32, #tpu.memory_space<vmem>> -> memref<16384xi32, #tpu.memory_space<vmem>>
      %dma_wait3A_1889 = tpu.memref_slice %arg2[%mul3A_533] : memref<425984xi32, #tpu.memory_space<hbm>> -> memref<16384xi32, #tpu.memory_space<hbm>>
      tpu.wait_dma2 semaphore(%run_scoped3A_1873 : memref<!tpu.dma_semaphore, #tpu.memory_space<semaphore_mem>>) src(%dma_wait3A_1889 : memref<16384xi32, #tpu.memory_space<hbm>>) dst(%dma_wait3A_1888 : memref<16384xi32, #tpu.memory_space<vmem>>)
      tpu.yield
    }) : () -> ()
    %mul3A_535 = arith.constant 38461 : i32
    %mul3A_536 = arith.muli %select_n3A_515, %mul3A_535 : i32
    %mul3A_537 = arith.constant 1015808 : i32
    %mul3A_538 = arith.muli %select_n3A_531, %mul3A_537 : i32
    %add3A_539 = arith.addi %mul3A_536, %mul3A_538 : i32
    %broadcast_in_dim3A_540 = vector.broadcast %add3A_539 : i32 to vector<16xi32>
    %scan3A_541 = arith.constant 0 : i32
    %scan3A_542 = arith.constant 0 : i32
    %scan3A_543 = arith.constant 1024 : i32
    %scan3A_544 = arith.addi %scan3A_542, %scan3A_543 : i32
    %scan3A_545 = arith.constant 1 : i32
    scf.for %scan3A_1873 = %scan3A_542 to %scan3A_544 step %scan3A_545  : i32 {
      %mul3A_1874 = arith.constant 16 : i32
      %mul3A_1875 = arith.muli %scan3A_1873, %mul3A_1874 : i32
      %get3A = arith.constant 0 : i32
      %get3A_1876 = arith.index_cast %get3A : i32 to index
      %get3A_1877 = arith.index_cast %mul3A_1875 : i32 to index
      %get3A_1878 = tpu.vector_load %arg5[%get3A_1876, %get3A_1877] {strides = array<i32>} : memref<2x16384xi32, #tpu.memory_space<vmem>>, vector<16xi32>,
      %add3A_1879 = arith.addi %get3A_1878, %broadcast_in_dim3A_540 : vector<16xi32>
      %swap3A = arith.constant 0 : i32
      %swap3A_1880 = arith.index_cast %swap3A : i32 to index
      %swap3A_1881 = arith.index_cast %mul3A_1875 : i32 to index
      %swap3A_1882 = tpu.vector_load %arg5[%swap3A_1880, %swap3A_1881] {strides = array<i32>} : memref<2x16384xi32, #tpu.memory_space<vmem>>, vector<16xi32>,
      tpu.vector_store %arg5[%swap3A_1880, %swap3A_1881], %add3A_1879 {strides = array<i32>} : memref<2x16384xi32, #tpu.memory_space<vmem>>, vector<16xi32>,
    }
    %scan3A_546 = arith.constant 1024 : i32
    %dma_wait3A_547 = arith.constant 1 : i32
    %dma_wait3A_548 = arith.constant 1 : i32
    %dma_wait3A_549 = arith.constant 0 : i32
    %dma_wait3A_550 = tpu.memref_slice %arg6[%dma_wait3A_548, %dma_wait3A_549] : memref<2x16384xf32, #tpu.memory_space<vmem>> -> memref<1x16384xf32, #tpu.memory_space<vmem>>
    %dma_wait3A_551 = tpu.memref_squeeze %dma_wait3A_550 : memref<1x16384xf32, #tpu.memory_space<vmem>> -> memref<16384xf32, #tpu.memory_space<vmem>>
    %dma_wait3A_552 = arith.constant 0 : i32
    %dma_wait3A_553 = tpu.memref_slice %arg5[%dma_wait3A_547, %dma_wait3A_552] : memref<2x16384xi32, #tpu.memory_space<vmem>> -> memref<1x16384xi32, #tpu.memory_space<vmem>>
    %dma_wait3A_554 = tpu.memref_squeeze %dma_wait3A_553 : memref<1x16384xi32, #tpu.memory_space<vmem>> -> memref<16384xi32, #tpu.memory_space<vmem>>
    %dma_wait3A_555 = arith.constant 0 : i32
    %dma_wait3A_556 = tpu.memref_slice %arg3[%dma_wait3A_555] : memref<16252928xf32, #tpu.memory_space<hbm>> -> memref<16252928xf32, #tpu.memory_space<hbm>>
    tpu.wait_indirect_dma semaphore(%arg8 : memref<!tpu.dma_semaphore, #tpu.memory_space<semaphore_mem>>) src(%dma_wait3A_556 : memref<16252928xf32, #tpu.memory_space<hbm>>) dst(%dma_wait3A_551 : memref<16384xf32, #tpu.memory_space<vmem>>)
    %dma_start3A_557 = arith.constant 0 : i32
    %dma_start3A_558 = arith.constant 0 : i32
    %dma_start3A_559 = arith.constant 0 : i32
    %dma_start3A_560 = tpu.memref_slice %arg6[%dma_start3A_558, %dma_start3A_559] : memref<2x16384xf32, #tpu.memory_space<vmem>> -> memref<1x16384xf32, #tpu.memory_space<vmem>>
    %dma_start3A_561 = tpu.memref_squeeze %dma_start3A_560 : memref<1x16384xf32, #tpu.memory_space<vmem>> -> memref<16384xf32, #tpu.memory_space<vmem>>
    %dma_start3A_562 = arith.constant 0 : i32
    %dma_start3A_563 = tpu.memref_slice %arg5[%dma_start3A_557, %dma_start3A_562] : memref<2x16384xi32, #tpu.memory_space<vmem>> -> memref<1x16384xi32, #tpu.memory_space<vmem>>
    %dma_start3A_564 = tpu.memref_squeeze %dma_start3A_563 : memref<1x16384xi32, #tpu.memory_space<vmem>> -> memref<16384xi32, #tpu.memory_space<vmem>>
    %dma_start3A_565 = arith.constant 0 : i32
    %dma_start3A_566 = tpu.memref_slice %arg3[%dma_start3A_565] : memref<16252928xf32, #tpu.memory_space<hbm>> -> memref<16252928xf32, #tpu.memory_space<hbm>>
    tpu.enqueue_indirect_dma source(%dma_start3A_566 : memref<16252928xf32, #tpu.memory_space<hbm>>) target(%dma_start3A_561 : memref<16384xf32, #tpu.memory_space<vmem>>) offsets(%dma_start3A_564 : memref<16384xi32, #tpu.memory_space<vmem>>) semaphore(%arg7 : memref<!tpu.dma_semaphore, #tpu.memory_space<semaphore_mem>>)
    %add3A_567 = arith.constant 3 : i32
    %add3A_568 = arith.addi %mul3A_2, %add3A_567 : i32
    %jit3A_569 = arith.constant 16 : i32
    %div3A_570 = arith.divsi %add3A_568, %jit3A_569 : i32
    %sign3A_571 = arith.constant 0 : i32
    %sign3A_572 = arith.cmpi sgt, %add3A_568, %sign3A_571 : i32
    %sign3A_573 = arith.extui %sign3A_572 : i1 to i32
    %sign3A_574 = arith.constant 0 : i32
    %sign3A_575 = arith.cmpi slt, %add3A_568, %sign3A_574 : i32
    %sign3A_576 = arith.extui %sign3A_575 : i1 to i32
    %sign3A_577 = arith.subi %sign3A_573, %sign3A_576 : i32
    %sign3A_578 = arith.constant 0 : i32
    %sign3A_579 = arith.cmpi sgt, %jit3A_569, %sign3A_578 : i32
    %sign3A_580 = arith.extui %sign3A_579 : i1 to i32
    %sign3A_581 = arith.constant 0 : i32
    %sign3A_582 = arith.cmpi slt, %jit3A_569, %sign3A_581 : i32
    %sign3A_583 = arith.extui %sign3A_582 : i1 to i32
    %sign3A_584 = arith.subi %sign3A_580, %sign3A_583 : i32
    %ne3A_585 = arith.cmpi ne, %sign3A_577, %sign3A_584 : i32
    %rem3A_586 = arith.remsi %add3A_568, %jit3A_569 : i32
    %ne3A_587 = arith.constant 0 : i32
    %ne3A_588 = arith.cmpi ne, %rem3A_586, %ne3A_587 : i32
    %and3A_589 = arith.andi %ne3A_585, %ne3A_588 : i1
    %sub3A_590 = arith.constant 1 : i32
    %sub3A_591 = arith.subi %div3A_570, %sub3A_590 : i32
    %select_n3A_592 = arith.select %and3A_589, %sub3A_591, %div3A_570 : i32
    %jit3A_593 = arith.constant 16 : i32
    %eq3A_594 = arith.constant 0 : i32
    %eq3A_595 = arith.cmpi eq, %jit3A_593, %eq3A_594 : i32
    %jit3A_596 = arith.constant 1 : i32
    %select_n3A_597 = arith.select %eq3A_595, %jit3A_596, %jit3A_593 : i32
    %rem3A_598 = arith.remsi %add3A_568, %select_n3A_597 : i32
    %ne3A_599 = arith.constant 0 : i32
    %ne3A_600 = arith.cmpi ne, %rem3A_598, %ne3A_599 : i32
    %lt3A_601 = arith.constant 0 : i32
    %lt3A_602 = arith.cmpi slt, %rem3A_598, %lt3A_601 : i32
    %lt3A_603 = arith.constant 0 : i32
    %lt3A_604 = arith.cmpi slt, %select_n3A_597, %lt3A_603 : i32
    %ne3A_605 = arith.xori %lt3A_602, %lt3A_604 : i1
    %and3A_606 = arith.andi %ne3A_605, %ne3A_600 : i1
    %add3A_607 = arith.addi %rem3A_598, %select_n3A_597 : i32
    %select_n3A_608 = arith.select %and3A_606, %add3A_607, %rem3A_598 : i32
    %dma_start3A_609 = arith.constant 1 : i32
    %dma_start3A_610 = arith.constant 0 : i32
    %dma_start3A_611 = tpu.memref_slice %arg6[%dma_start3A_609, %dma_start3A_610] : memref<2x16384xf32, #tpu.memory_space<vmem>> -> memref<1x16384xf32, #tpu.memory_space<vmem>>
    %dma_start3A_612 = tpu.memref_squeeze %dma_start3A_611 : memref<1x16384xf32, #tpu.memory_space<vmem>> -> memref<16384xf32, #tpu.memory_space<vmem>>
    %dma_start3A_613 = arith.constant 0 : i32
    %dma_start3A_614 = tpu.memref_slice %arg4[%select_n3A_592, %select_n3A_608, %dma_start3A_613] : memref<26x16x16384xf32, #tpu.memory_space<hbm>> -> memref<1x1x16384xf32, #tpu.memory_space<hbm>>
    %dma_start3A_615 = tpu.memref_squeeze %dma_start3A_614 : memref<1x1x16384xf32, #tpu.memory_space<hbm>> -> memref<16384xf32, #tpu.memory_space<hbm>>
    %dma_start3A_616 = arith.constant 0 : i32
    %dma_start3A_617 = tpu.memref_slice %arg4[%select_n3A_592, %select_n3A_608, %dma_start3A_616] : memref<26x16x16384xf32, #tpu.memory_space<hbm>> -> memref<1x1x16384xf32, #tpu.memory_space<hbm>>
    %dma_start3A_618 = tpu.memref_squeeze %dma_start3A_617 : memref<1x1x16384xf32, #tpu.memory_space<hbm>> -> memref<16384xf32, #tpu.memory_space<hbm>>
    %dma_start3A_619 = arith.constant 0 : i32
    %dma_start3A_620 = tpu.memref_slice %arg6[%dma_start3A_609, %dma_start3A_619] : memref<2x16384xf32, #tpu.memory_space<vmem>> -> memref<1x16384xf32, #tpu.memory_space<vmem>>
    %dma_start3A_621 = tpu.memref_squeeze %dma_start3A_620 : memref<1x16384xf32, #tpu.memory_space<vmem>> -> memref<16384xf32, #tpu.memory_space<vmem>>
    tpu.enqueue_dma source(%dma_start3A_621 : memref<16384xf32, #tpu.memory_space<vmem>>) target(%dma_start3A_618 : memref<16384xf32, #tpu.memory_space<hbm>>) target_semaphore(%arg10 : memref<!tpu.dma_semaphore, #tpu.memory_space<semaphore_mem>>)
    %dma_wait3A_622 = arith.constant 1 : i32
    %dma_wait3A_623 = arith.constant 0 : i32
    %dma_wait3A_624 = tpu.memref_slice %arg6[%dma_wait3A_622, %dma_wait3A_623] : memref<2x16384xf32, #tpu.memory_space<vmem>> -> memref<1x16384xf32, #tpu.memory_space<vmem>>
    %dma_wait3A_625 = tpu.memref_squeeze %dma_wait3A_624 : memref<1x16384xf32, #tpu.memory_space<vmem>> -> memref<16384xf32, #tpu.memory_space<vmem>>
    %dma_wait3A_626 = arith.constant 0 : i32
    %dma_wait3A_627 = tpu.memref_slice %arg4[%select_n3A_592, %select_n3A_608, %dma_wait3A_626] : memref<26x16x16384xf32, #tpu.memory_space<hbm>> -> memref<1x1x16384xf32, #tpu.memory_space<hbm>>
    %dma_wait3A_628 = tpu.memref_squeeze %dma_wait3A_627 : memref<1x1x16384xf32, #tpu.memory_space<hbm>> -> memref<16384xf32, #tpu.memory_space<hbm>>
    %dma_wait3A_629 = arith.constant 0 : i32
    %dma_wait3A_630 = tpu.memref_slice %arg4[%select_n3A_592, %select_n3A_608, %dma_wait3A_629] : memref<26x16x16384xf32, #tpu.memory_space<hbm>> -> memref<1x1x16384xf32, #tpu.memory_space<hbm>>
    %dma_wait3A_631 = tpu.memref_squeeze %dma_wait3A_630 : memref<1x1x16384xf32, #tpu.memory_space<hbm>> -> memref<16384xf32, #tpu.memory_space<hbm>>
    %dma_wait3A_632 = arith.constant 0 : i32
    %dma_wait3A_633 = tpu.memref_slice %arg6[%dma_wait3A_622, %dma_wait3A_632] : memref<2x16384xf32, #tpu.memory_space<vmem>> -> memref<1x16384xf32, #tpu.memory_space<vmem>>
    %dma_wait3A_634 = tpu.memref_squeeze %dma_wait3A_633 : memref<1x16384xf32, #tpu.memory_space<vmem>> -> memref<16384xf32, #tpu.memory_space<vmem>>
    tpu.wait_dma2 semaphore(%arg10 : memref<!tpu.dma_semaphore, #tpu.memory_space<semaphore_mem>>) src(%dma_wait3A_634 : memref<16384xf32, #tpu.memory_space<vmem>>) dst(%dma_wait3A_631 : memref<16384xf32, #tpu.memory_space<hbm>>)
    %add3A_635 = arith.constant 5 : i32
    %add3A_636 = arith.addi %mul3A_2, %add3A_635 : i32
    %jit3A_637 = arith.constant 16 : i32
    %div3A_638 = arith.divsi %add3A_636, %jit3A_637 : i32
    %sign3A_639 = arith.constant 0 : i32
    %sign3A_640 = arith.cmpi sgt, %add3A_636, %sign3A_639 : i32
    %sign3A_641 = arith.extui %sign3A_640 : i1 to i32
    %sign3A_642 = arith.constant 0 : i32
    %sign3A_643 = arith.cmpi slt, %add3A_636, %sign3A_642 : i32
    %sign3A_644 = arith.extui %sign3A_643 : i1 to i32
    %sign3A_645 = arith.subi %sign3A_641, %sign3A_644 : i32
    %sign3A_646 = arith.constant 0 : i32
    %sign3A_647 = arith.cmpi sgt, %jit3A_637, %sign3A_646 : i32
    %sign3A_648 = arith.extui %sign3A_647 : i1 to i32
    %sign3A_649 = arith.constant 0 : i32
    %sign3A_650 = arith.cmpi slt, %jit3A_637, %sign3A_649 : i32
    %sign3A_651 = arith.extui %sign3A_650 : i1 to i32
    %sign3A_652 = arith.subi %sign3A_648, %sign3A_651 : i32
    %ne3A_653 = arith.cmpi ne, %sign3A_645, %sign3A_652 : i32
    %rem3A_654 = arith.remsi %add3A_636, %jit3A_637 : i32
    %ne3A_655 = arith.constant 0 : i32
    %ne3A_656 = arith.cmpi ne, %rem3A_654, %ne3A_655 : i32
    %and3A_657 = arith.andi %ne3A_653, %ne3A_656 : i1
    %sub3A_658 = arith.constant 1 : i32
    %sub3A_659 = arith.subi %div3A_638, %sub3A_658 : i32
    %select_n3A_660 = arith.select %and3A_657, %sub3A_659, %div3A_638 : i32
    %jit3A_661 = arith.constant 16 : i32
    %eq3A_662 = arith.constant 0 : i32
    %eq3A_663 = arith.cmpi eq, %jit3A_661, %eq3A_662 : i32
    %jit3A_664 = arith.constant 1 : i32
    %select_n3A_665 = arith.select %eq3A_663, %jit3A_664, %jit3A_661 : i32
    %rem3A_666 = arith.remsi %add3A_636, %select_n3A_665 : i32
    %ne3A_667 = arith.constant 0 : i32
    %ne3A_668 = arith.cmpi ne, %rem3A_666, %ne3A_667 : i32
    %lt3A_669 = arith.constant 0 : i32
    %lt3A_670 = arith.cmpi slt, %rem3A_666, %lt3A_669 : i32
    %lt3A_671 = arith.constant 0 : i32
    %lt3A_672 = arith.cmpi slt, %select_n3A_665, %lt3A_671 : i32
    %ne3A_673 = arith.xori %lt3A_670, %lt3A_672 : i1
    %and3A_674 = arith.andi %ne3A_673, %ne3A_668 : i1
    %add3A_675 = arith.addi %rem3A_666, %select_n3A_665 : i32
    %select_n3A_676 = arith.select %and3A_674, %add3A_675, %rem3A_666 : i32
    %mul3A_677 = arith.constant 16384 : i32
    %mul3A_678 = arith.muli %select_n3A_660, %mul3A_677 : i32
    %run_scoped3A_679 = arith.constant 1 : i32
    "tpu.region"() ({
      %run_scoped3A_1873 = tpu.sem_alloc : memref<!tpu.dma_semaphore, #tpu.memory_space<semaphore_mem>>
      %dma_start3A_1874 = arith.constant 0 : i32
      %dma_start3A_1875 = tpu.memref_slice %arg5[%run_scoped3A_679, %dma_start3A_1874] : memref<2x16384xi32, #tpu.memory_space<vmem>> -> memref<1x16384xi32, #tpu.memory_space<vmem>>
      %dma_start3A_1876 = tpu.memref_squeeze %dma_start3A_1875 : memref<1x16384xi32, #tpu.memory_space<vmem>> -> memref<16384xi32, #tpu.memory_space<vmem>>
      %dma_start3A_1877 = tpu.memref_slice %arg2[%mul3A_678] : memref<425984xi32, #tpu.memory_space<hbm>> -> memref<16384xi32, #tpu.memory_space<hbm>>
      %dma_start3A_1878 = arith.constant 0 : i32
      %dma_start3A_1879 = tpu.memref_slice %arg5[%run_scoped3A_679, %dma_start3A_1878] : memref<2x16384xi32, #tpu.memory_space<vmem>> -> memref<1x16384xi32, #tpu.memory_space<vmem>>
      %dma_start3A_1880 = tpu.memref_squeeze %dma_start3A_1879 : memref<1x16384xi32, #tpu.memory_space<vmem>> -> memref<16384xi32, #tpu.memory_space<vmem>>
      %dma_start3A_1881 = tpu.memref_slice %arg2[%mul3A_678] : memref<425984xi32, #tpu.memory_space<hbm>> -> memref<16384xi32, #tpu.memory_space<hbm>>
      tpu.enqueue_dma source(%dma_start3A_1881 : memref<16384xi32, #tpu.memory_space<hbm>>) target(%dma_start3A_1880 : memref<16384xi32, #tpu.memory_space<vmem>>) target_semaphore(%run_scoped3A_1873 : memref<!tpu.dma_semaphore, #tpu.memory_space<semaphore_mem>>)
      %dma_wait3A_1882 = arith.constant 0 : i32
      %dma_wait3A_1883 = tpu.memref_slice %arg5[%run_scoped3A_679, %dma_wait3A_1882] : memref<2x16384xi32, #tpu.memory_space<vmem>> -> memref<1x16384xi32, #tpu.memory_space<vmem>>
      %dma_wait3A_1884 = tpu.memref_squeeze %dma_wait3A_1883 : memref<1x16384xi32, #tpu.memory_space<vmem>> -> memref<16384xi32, #tpu.memory_space<vmem>>
      %dma_wait3A_1885 = tpu.memref_slice %arg2[%mul3A_678] : memref<425984xi32, #tpu.memory_space<hbm>> -> memref<16384xi32, #tpu.memory_space<hbm>>
      %dma_wait3A_1886 = arith.constant 0 : i32
      %dma_wait3A_1887 = tpu.memref_slice %arg5[%run_scoped3A_679, %dma_wait3A_1886] : memref<2x16384xi32, #tpu.memory_space<vmem>> -> memref<1x16384xi32, #tpu.memory_space<vmem>>
      %dma_wait3A_1888 = tpu.memref_squeeze %dma_wait3A_1887 : memref<1x16384xi32, #tpu.memory_space<vmem>> -> memref<16384xi32, #tpu.memory_space<vmem>>
      %dma_wait3A_1889 = tpu.memref_slice %arg2[%mul3A_678] : memref<425984xi32, #tpu.memory_space<hbm>> -> memref<16384xi32, #tpu.memory_space<hbm>>
      tpu.wait_dma2 semaphore(%run_scoped3A_1873 : memref<!tpu.dma_semaphore, #tpu.memory_space<semaphore_mem>>) src(%dma_wait3A_1889 : memref<16384xi32, #tpu.memory_space<hbm>>) dst(%dma_wait3A_1888 : memref<16384xi32, #tpu.memory_space<vmem>>)
      tpu.yield
    }) : () -> ()
    %mul3A_680 = arith.constant 38461 : i32
    %mul3A_681 = arith.muli %select_n3A_660, %mul3A_680 : i32
    %mul3A_682 = arith.constant 1015808 : i32
    %mul3A_683 = arith.muli %select_n3A_676, %mul3A_682 : i32
    %add3A_684 = arith.addi %mul3A_681, %mul3A_683 : i32
    %broadcast_in_dim3A_685 = vector.broadcast %add3A_684 : i32 to vector<16xi32>
    %scan3A_686 = arith.constant 0 : i32
    %scan3A_687 = arith.constant 0 : i32
    %scan3A_688 = arith.constant 1024 : i32
    %scan3A_689 = arith.addi %scan3A_687, %scan3A_688 : i32
    %scan3A_690 = arith.constant 1 : i32
    scf.for %scan3A_1873 = %scan3A_687 to %scan3A_689 step %scan3A_690  : i32 {
      %mul3A_1874 = arith.constant 16 : i32
      %mul3A_1875 = arith.muli %scan3A_1873, %mul3A_1874 : i32
      %get3A = arith.constant 1 : i32
      %get3A_1876 = arith.index_cast %get3A : i32 to index
      %get3A_1877 = arith.index_cast %mul3A_1875 : i32 to index
      %get3A_1878 = tpu.vector_load %arg5[%get3A_1876, %get3A_1877] {strides = array<i32>} : memref<2x16384xi32, #tpu.memory_space<vmem>>, vector<16xi32>,
      %add3A_1879 = arith.addi %get3A_1878, %broadcast_in_dim3A_685 : vector<16xi32>
      %swap3A = arith.constant 1 : i32
      %swap3A_1880 = arith.index_cast %swap3A : i32 to index
      %swap3A_1881 = arith.index_cast %mul3A_1875 : i32 to index
      %swap3A_1882 = tpu.vector_load %arg5[%swap3A_1880, %swap3A_1881] {strides = array<i32>} : memref<2x16384xi32, #tpu.memory_space<vmem>>, vector<16xi32>,
      tpu.vector_store %arg5[%swap3A_1880, %swap3A_1881], %add3A_1879 {strides = array<i32>} : memref<2x16384xi32, #tpu.memory_space<vmem>>, vector<16xi32>,
    }
    %scan3A_691 = arith.constant 1024 : i32
    %dma_wait3A_692 = arith.constant 0 : i32
    %dma_wait3A_693 = arith.constant 0 : i32
    %dma_wait3A_694 = arith.constant 0 : i32
    %dma_wait3A_695 = tpu.memref_slice %arg6[%dma_wait3A_693, %dma_wait3A_694] : memref<2x16384xf32, #tpu.memory_space<vmem>> -> memref<1x16384xf32, #tpu.memory_space<vmem>>
    %dma_wait3A_696 = tpu.memref_squeeze %dma_wait3A_695 : memref<1x16384xf32, #tpu.memory_space<vmem>> -> memref<16384xf32, #tpu.memory_space<vmem>>
    %dma_wait3A_697 = arith.constant 0 : i32
    %dma_wait3A_698 = tpu.memref_slice %arg5[%dma_wait3A_692, %dma_wait3A_697] : memref<2x16384xi32, #tpu.memory_space<vmem>> -> memref<1x16384xi32, #tpu.memory_space<vmem>>
    %dma_wait3A_699 = tpu.memref_squeeze %dma_wait3A_698 : memref<1x16384xi32, #tpu.memory_space<vmem>> -> memref<16384xi32, #tpu.memory_space<vmem>>
    %dma_wait3A_700 = arith.constant 0 : i32
    %dma_wait3A_701 = tpu.memref_slice %arg3[%dma_wait3A_700] : memref<16252928xf32, #tpu.memory_space<hbm>> -> memref<16252928xf32, #tpu.memory_space<hbm>>
    tpu.wait_indirect_dma semaphore(%arg7 : memref<!tpu.dma_semaphore, #tpu.memory_space<semaphore_mem>>) src(%dma_wait3A_701 : memref<16252928xf32, #tpu.memory_space<hbm>>) dst(%dma_wait3A_696 : memref<16384xf32, #tpu.memory_space<vmem>>)
    %dma_start3A_702 = arith.constant 1 : i32
    %dma_start3A_703 = arith.constant 1 : i32
    %dma_start3A_704 = arith.constant 0 : i32
    %dma_start3A_705 = tpu.memref_slice %arg6[%dma_start3A_703, %dma_start3A_704] : memref<2x16384xf32, #tpu.memory_space<vmem>> -> memref<1x16384xf32, #tpu.memory_space<vmem>>
    %dma_start3A_706 = tpu.memref_squeeze %dma_start3A_705 : memref<1x16384xf32, #tpu.memory_space<vmem>> -> memref<16384xf32, #tpu.memory_space<vmem>>
    %dma_start3A_707 = arith.constant 0 : i32
    %dma_start3A_708 = tpu.memref_slice %arg5[%dma_start3A_702, %dma_start3A_707] : memref<2x16384xi32, #tpu.memory_space<vmem>> -> memref<1x16384xi32, #tpu.memory_space<vmem>>
    %dma_start3A_709 = tpu.memref_squeeze %dma_start3A_708 : memref<1x16384xi32, #tpu.memory_space<vmem>> -> memref<16384xi32, #tpu.memory_space<vmem>>
    %dma_start3A_710 = arith.constant 0 : i32
    %dma_start3A_711 = tpu.memref_slice %arg3[%dma_start3A_710] : memref<16252928xf32, #tpu.memory_space<hbm>> -> memref<16252928xf32, #tpu.memory_space<hbm>>
    tpu.enqueue_indirect_dma source(%dma_start3A_711 : memref<16252928xf32, #tpu.memory_space<hbm>>) target(%dma_start3A_706 : memref<16384xf32, #tpu.memory_space<vmem>>) offsets(%dma_start3A_709 : memref<16384xi32, #tpu.memory_space<vmem>>) semaphore(%arg8 : memref<!tpu.dma_semaphore, #tpu.memory_space<semaphore_mem>>)
    %add3A_712 = arith.constant 4 : i32
    %add3A_713 = arith.addi %mul3A_2, %add3A_712 : i32
    %jit3A_714 = arith.constant 16 : i32
    %div3A_715 = arith.divsi %add3A_713, %jit3A_714 : i32
    %sign3A_716 = arith.constant 0 : i32
    %sign3A_717 = arith.cmpi sgt, %add3A_713, %sign3A_716 : i32
    %sign3A_718 = arith.extui %sign3A_717 : i1 to i32
    %sign3A_719 = arith.constant 0 : i32
    %sign3A_720 = arith.cmpi slt, %add3A_713, %sign3A_719 : i32
    %sign3A_721 = arith.extui %sign3A_720 : i1 to i32
    %sign3A_722 = arith.subi %sign3A_718, %sign3A_721 : i32
    %sign3A_723 = arith.constant 0 : i32
    %sign3A_724 = arith.cmpi sgt, %jit3A_714, %sign3A_723 : i32
    %sign3A_725 = arith.extui %sign3A_724 : i1 to i32
    %sign3A_726 = arith.constant 0 : i32
    %sign3A_727 = arith.cmpi slt, %jit3A_714, %sign3A_726 : i32
    %sign3A_728 = arith.extui %sign3A_727 : i1 to i32
    %sign3A_729 = arith.subi %sign3A_725, %sign3A_728 : i32
    %ne3A_730 = arith.cmpi ne, %sign3A_722, %sign3A_729 : i32
    %rem3A_731 = arith.remsi %add3A_713, %jit3A_714 : i32
    %ne3A_732 = arith.constant 0 : i32
    %ne3A_733 = arith.cmpi ne, %rem3A_731, %ne3A_732 : i32
    %and3A_734 = arith.andi %ne3A_730, %ne3A_733 : i1
    %sub3A_735 = arith.constant 1 : i32
    %sub3A_736 = arith.subi %div3A_715, %sub3A_735 : i32
    %select_n3A_737 = arith.select %and3A_734, %sub3A_736, %div3A_715 : i32
    %jit3A_738 = arith.constant 16 : i32
    %eq3A_739 = arith.constant 0 : i32
    %eq3A_740 = arith.cmpi eq, %jit3A_738, %eq3A_739 : i32
    %jit3A_741 = arith.constant 1 : i32
    %select_n3A_742 = arith.select %eq3A_740, %jit3A_741, %jit3A_738 : i32
    %rem3A_743 = arith.remsi %add3A_713, %select_n3A_742 : i32
    %ne3A_744 = arith.constant 0 : i32
    %ne3A_745 = arith.cmpi ne, %rem3A_743, %ne3A_744 : i32
    %lt3A_746 = arith.constant 0 : i32
    %lt3A_747 = arith.cmpi slt, %rem3A_743, %lt3A_746 : i32
    %lt3A_748 = arith.constant 0 : i32
    %lt3A_749 = arith.cmpi slt, %select_n3A_742, %lt3A_748 : i32
    %ne3A_750 = arith.xori %lt3A_747, %lt3A_749 : i1
    %and3A_751 = arith.andi %ne3A_750, %ne3A_745 : i1
    %add3A_752 = arith.addi %rem3A_743, %select_n3A_742 : i32
    %select_n3A_753 = arith.select %and3A_751, %add3A_752, %rem3A_743 : i32
    %dma_start3A_754 = arith.constant 0 : i32
    %dma_start3A_755 = arith.constant 0 : i32
    %dma_start3A_756 = tpu.memref_slice %arg6[%dma_start3A_754, %dma_start3A_755] : memref<2x16384xf32, #tpu.memory_space<vmem>> -> memref<1x16384xf32, #tpu.memory_space<vmem>>
    %dma_start3A_757 = tpu.memref_squeeze %dma_start3A_756 : memref<1x16384xf32, #tpu.memory_space<vmem>> -> memref<16384xf32, #tpu.memory_space<vmem>>
    %dma_start3A_758 = arith.constant 0 : i32
    %dma_start3A_759 = tpu.memref_slice %arg4[%select_n3A_737, %select_n3A_753, %dma_start3A_758] : memref<26x16x16384xf32, #tpu.memory_space<hbm>> -> memref<1x1x16384xf32, #tpu.memory_space<hbm>>
    %dma_start3A_760 = tpu.memref_squeeze %dma_start3A_759 : memref<1x1x16384xf32, #tpu.memory_space<hbm>> -> memref<16384xf32, #tpu.memory_space<hbm>>
    %dma_start3A_761 = arith.constant 0 : i32
    %dma_start3A_762 = tpu.memref_slice %arg4[%select_n3A_737, %select_n3A_753, %dma_start3A_761] : memref<26x16x16384xf32, #tpu.memory_space<hbm>> -> memref<1x1x16384xf32, #tpu.memory_space<hbm>>
    %dma_start3A_763 = tpu.memref_squeeze %dma_start3A_762 : memref<1x1x16384xf32, #tpu.memory_space<hbm>> -> memref<16384xf32, #tpu.memory_space<hbm>>
    %dma_start3A_764 = arith.constant 0 : i32
    %dma_start3A_765 = tpu.memref_slice %arg6[%dma_start3A_754, %dma_start3A_764] : memref<2x16384xf32, #tpu.memory_space<vmem>> -> memref<1x16384xf32, #tpu.memory_space<vmem>>
    %dma_start3A_766 = tpu.memref_squeeze %dma_start3A_765 : memref<1x16384xf32, #tpu.memory_space<vmem>> -> memref<16384xf32, #tpu.memory_space<vmem>>
    tpu.enqueue_dma source(%dma_start3A_766 : memref<16384xf32, #tpu.memory_space<vmem>>) target(%dma_start3A_763 : memref<16384xf32, #tpu.memory_space<hbm>>) target_semaphore(%arg9 : memref<!tpu.dma_semaphore, #tpu.memory_space<semaphore_mem>>)
    %dma_wait3A_767 = arith.constant 0 : i32
    %dma_wait3A_768 = arith.constant 0 : i32
    %dma_wait3A_769 = tpu.memref_slice %arg6[%dma_wait3A_767, %dma_wait3A_768] : memref<2x16384xf32, #tpu.memory_space<vmem>> -> memref<1x16384xf32, #tpu.memory_space<vmem>>
    %dma_wait3A_770 = tpu.memref_squeeze %dma_wait3A_769 : memref<1x16384xf32, #tpu.memory_space<vmem>> -> memref<16384xf32, #tpu.memory_space<vmem>>
    %dma_wait3A_771 = arith.constant 0 : i32
    %dma_wait3A_772 = tpu.memref_slice %arg4[%select_n3A_737, %select_n3A_753, %dma_wait3A_771] : memref<26x16x16384xf32, #tpu.memory_space<hbm>> -> memref<1x1x16384xf32, #tpu.memory_space<hbm>>
    %dma_wait3A_773 = tpu.memref_squeeze %dma_wait3A_772 : memref<1x1x16384xf32, #tpu.memory_space<hbm>> -> memref<16384xf32, #tpu.memory_space<hbm>>
    %dma_wait3A_774 = arith.constant 0 : i32
    %dma_wait3A_775 = tpu.memref_slice %arg4[%select_n3A_737, %select_n3A_753, %dma_wait3A_774] : memref<26x16x16384xf32, #tpu.memory_space<hbm>> -> memref<1x1x16384xf32, #tpu.memory_space<hbm>>
    %dma_wait3A_776 = tpu.memref_squeeze %dma_wait3A_775 : memref<1x1x16384xf32, #tpu.memory_space<hbm>> -> memref<16384xf32, #tpu.memory_space<hbm>>
    %dma_wait3A_777 = arith.constant 0 : i32
    %dma_wait3A_778 = tpu.memref_slice %arg6[%dma_wait3A_767, %dma_wait3A_777] : memref<2x16384xf32, #tpu.memory_space<vmem>> -> memref<1x16384xf32, #tpu.memory_space<vmem>>
    %dma_wait3A_779 = tpu.memref_squeeze %dma_wait3A_778 : memref<1x16384xf32, #tpu.memory_space<vmem>> -> memref<16384xf32, #tpu.memory_space<vmem>>
    tpu.wait_dma2 semaphore(%arg9 : memref<!tpu.dma_semaphore, #tpu.memory_space<semaphore_mem>>) src(%dma_wait3A_779 : memref<16384xf32, #tpu.memory_space<vmem>>) dst(%dma_wait3A_776 : memref<16384xf32, #tpu.memory_space<hbm>>)
    %add3A_780 = arith.constant 6 : i32
    %add3A_781 = arith.addi %mul3A_2, %add3A_780 : i32
    %jit3A_782 = arith.constant 16 : i32
    %div3A_783 = arith.divsi %add3A_781, %jit3A_782 : i32
    %sign3A_784 = arith.constant 0 : i32
    %sign3A_785 = arith.cmpi sgt, %add3A_781, %sign3A_784 : i32
    %sign3A_786 = arith.extui %sign3A_785 : i1 to i32
    %sign3A_787 = arith.constant 0 : i32
    %sign3A_788 = arith.cmpi slt, %add3A_781, %sign3A_787 : i32
    %sign3A_789 = arith.extui %sign3A_788 : i1 to i32
    %sign3A_790 = arith.subi %sign3A_786, %sign3A_789 : i32
    %sign3A_791 = arith.constant 0 : i32
    %sign3A_792 = arith.cmpi sgt, %jit3A_782, %sign3A_791 : i32
    %sign3A_793 = arith.extui %sign3A_792 : i1 to i32
    %sign3A_794 = arith.constant 0 : i32
    %sign3A_795 = arith.cmpi slt, %jit3A_782, %sign3A_794 : i32
    %sign3A_796 = arith.extui %sign3A_795 : i1 to i32
    %sign3A_797 = arith.subi %sign3A_793, %sign3A_796 : i32
    %ne3A_798 = arith.cmpi ne, %sign3A_790, %sign3A_797 : i32
    %rem3A_799 = arith.remsi %add3A_781, %jit3A_782 : i32
    %ne3A_800 = arith.constant 0 : i32
    %ne3A_801 = arith.cmpi ne, %rem3A_799, %ne3A_800 : i32
    %and3A_802 = arith.andi %ne3A_798, %ne3A_801 : i1
    %sub3A_803 = arith.constant 1 : i32
    %sub3A_804 = arith.subi %div3A_783, %sub3A_803 : i32
    %select_n3A_805 = arith.select %and3A_802, %sub3A_804, %div3A_783 : i32
    %jit3A_806 = arith.constant 16 : i32
    %eq3A_807 = arith.constant 0 : i32
    %eq3A_808 = arith.cmpi eq, %jit3A_806, %eq3A_807 : i32
    %jit3A_809 = arith.constant 1 : i32
    %select_n3A_810 = arith.select %eq3A_808, %jit3A_809, %jit3A_806 : i32
    %rem3A_811 = arith.remsi %add3A_781, %select_n3A_810 : i32
    %ne3A_812 = arith.constant 0 : i32
    %ne3A_813 = arith.cmpi ne, %rem3A_811, %ne3A_812 : i32
    %lt3A_814 = arith.constant 0 : i32
    %lt3A_815 = arith.cmpi slt, %rem3A_811, %lt3A_814 : i32
    %lt3A_816 = arith.constant 0 : i32
    %lt3A_817 = arith.cmpi slt, %select_n3A_810, %lt3A_816 : i32
    %ne3A_818 = arith.xori %lt3A_815, %lt3A_817 : i1
    %and3A_819 = arith.andi %ne3A_818, %ne3A_813 : i1
    %add3A_820 = arith.addi %rem3A_811, %select_n3A_810 : i32
    %select_n3A_821 = arith.select %and3A_819, %add3A_820, %rem3A_811 : i32
    %mul3A_822 = arith.constant 16384 : i32
    %mul3A_823 = arith.muli %select_n3A_805, %mul3A_822 : i32
    %run_scoped3A_824 = arith.constant 0 : i32
    "tpu.region"() ({
      %run_scoped3A_1873 = tpu.sem_alloc : memref<!tpu.dma_semaphore, #tpu.memory_space<semaphore_mem>>
      %dma_start3A_1874 = arith.constant 0 : i32
      %dma_start3A_1875 = tpu.memref_slice %arg5[%run_scoped3A_824, %dma_start3A_1874] : memref<2x16384xi32, #tpu.memory_space<vmem>> -> memref<1x16384xi32, #tpu.memory_space<vmem>>
      %dma_start3A_1876 = tpu.memref_squeeze %dma_start3A_1875 : memref<1x16384xi32, #tpu.memory_space<vmem>> -> memref<16384xi32, #tpu.memory_space<vmem>>
      %dma_start3A_1877 = tpu.memref_slice %arg2[%mul3A_823] : memref<425984xi32, #tpu.memory_space<hbm>> -> memref<16384xi32, #tpu.memory_space<hbm>>
      %dma_start3A_1878 = arith.constant 0 : i32
      %dma_start3A_1879 = tpu.memref_slice %arg5[%run_scoped3A_824, %dma_start3A_1878] : memref<2x16384xi32, #tpu.memory_space<vmem>> -> memref<1x16384xi32, #tpu.memory_space<vmem>>
      %dma_start3A_1880 = tpu.memref_squeeze %dma_start3A_1879 : memref<1x16384xi32, #tpu.memory_space<vmem>> -> memref<16384xi32, #tpu.memory_space<vmem>>
      %dma_start3A_1881 = tpu.memref_slice %arg2[%mul3A_823] : memref<425984xi32, #tpu.memory_space<hbm>> -> memref<16384xi32, #tpu.memory_space<hbm>>
      tpu.enqueue_dma source(%dma_start3A_1881 : memref<16384xi32, #tpu.memory_space<hbm>>) target(%dma_start3A_1880 : memref<16384xi32, #tpu.memory_space<vmem>>) target_semaphore(%run_scoped3A_1873 : memref<!tpu.dma_semaphore, #tpu.memory_space<semaphore_mem>>)
      %dma_wait3A_1882 = arith.constant 0 : i32
      %dma_wait3A_1883 = tpu.memref_slice %arg5[%run_scoped3A_824, %dma_wait3A_1882] : memref<2x16384xi32, #tpu.memory_space<vmem>> -> memref<1x16384xi32, #tpu.memory_space<vmem>>
      %dma_wait3A_1884 = tpu.memref_squeeze %dma_wait3A_1883 : memref<1x16384xi32, #tpu.memory_space<vmem>> -> memref<16384xi32, #tpu.memory_space<vmem>>
      %dma_wait3A_1885 = tpu.memref_slice %arg2[%mul3A_823] : memref<425984xi32, #tpu.memory_space<hbm>> -> memref<16384xi32, #tpu.memory_space<hbm>>
      %dma_wait3A_1886 = arith.constant 0 : i32
      %dma_wait3A_1887 = tpu.memref_slice %arg5[%run_scoped3A_824, %dma_wait3A_1886] : memref<2x16384xi32, #tpu.memory_space<vmem>> -> memref<1x16384xi32, #tpu.memory_space<vmem>>
      %dma_wait3A_1888 = tpu.memref_squeeze %dma_wait3A_1887 : memref<1x16384xi32, #tpu.memory_space<vmem>> -> memref<16384xi32, #tpu.memory_space<vmem>>
      %dma_wait3A_1889 = tpu.memref_slice %arg2[%mul3A_823] : memref<425984xi32, #tpu.memory_space<hbm>> -> memref<16384xi32, #tpu.memory_space<hbm>>
      tpu.wait_dma2 semaphore(%run_scoped3A_1873 : memref<!tpu.dma_semaphore, #tpu.memory_space<semaphore_mem>>) src(%dma_wait3A_1889 : memref<16384xi32, #tpu.memory_space<hbm>>) dst(%dma_wait3A_1888 : memref<16384xi32, #tpu.memory_space<vmem>>)
      tpu.yield
    }) : () -> ()
    %mul3A_825 = arith.constant 38461 : i32
    %mul3A_826 = arith.muli %select_n3A_805, %mul3A_825 : i32
    %mul3A_827 = arith.constant 1015808 : i32
    %mul3A_828 = arith.muli %select_n3A_821, %mul3A_827 : i32
    %add3A_829 = arith.addi %mul3A_826, %mul3A_828 : i32
    %broadcast_in_dim3A_830 = vector.broadcast %add3A_829 : i32 to vector<16xi32>
    %scan3A_831 = arith.constant 0 : i32
    %scan3A_832 = arith.constant 0 : i32
    %scan3A_833 = arith.constant 1024 : i32
    %scan3A_834 = arith.addi %scan3A_832, %scan3A_833 : i32
    %scan3A_835 = arith.constant 1 : i32
    scf.for %scan3A_1873 = %scan3A_832 to %scan3A_834 step %scan3A_835  : i32 {
      %mul3A_1874 = arith.constant 16 : i32
      %mul3A_1875 = arith.muli %scan3A_1873, %mul3A_1874 : i32
      %get3A = arith.constant 0 : i32
      %get3A_1876 = arith.index_cast %get3A : i32 to index
      %get3A_1877 = arith.index_cast %mul3A_1875 : i32 to index
      %get3A_1878 = tpu.vector_load %arg5[%get3A_1876, %get3A_1877] {strides = array<i32>} : memref<2x16384xi32, #tpu.memory_space<vmem>>, vector<16xi32>,
      %add3A_1879 = arith.addi %get3A_1878, %broadcast_in_dim3A_830 : vector<16xi32>
      %swap3A = arith.constant 0 : i32
      %swap3A_1880 = arith.index_cast %swap3A : i32 to index
      %swap3A_1881 = arith.index_cast %mul3A_1875 : i32 to index
      %swap3A_1882 = tpu.vector_load %arg5[%swap3A_1880, %swap3A_1881] {strides = array<i32>} : memref<2x16384xi32, #tpu.memory_space<vmem>>, vector<16xi32>,
      tpu.vector_store %arg5[%swap3A_1880, %swap3A_1881], %add3A_1879 {strides = array<i32>} : memref<2x16384xi32, #tpu.memory_space<vmem>>, vector<16xi32>,
    }
    %scan3A_836 = arith.constant 1024 : i32
    %dma_wait3A_837 = arith.constant 1 : i32
    %dma_wait3A_838 = arith.constant 1 : i32
    %dma_wait3A_839 = arith.constant 0 : i32
    %dma_wait3A_840 = tpu.memref_slice %arg6[%dma_wait3A_838, %dma_wait3A_839] : memref<2x16384xf32, #tpu.memory_space<vmem>> -> memref<1x16384xf32, #tpu.memory_space<vmem>>
    %dma_wait3A_841 = tpu.memref_squeeze %dma_wait3A_840 : memref<1x16384xf32, #tpu.memory_space<vmem>> -> memref<16384xf32, #tpu.memory_space<vmem>>
    %dma_wait3A_842 = arith.constant 0 : i32
    %dma_wait3A_843 = tpu.memref_slice %arg5[%dma_wait3A_837, %dma_wait3A_842] : memref<2x16384xi32, #tpu.memory_space<vmem>> -> memref<1x16384xi32, #tpu.memory_space<vmem>>
    %dma_wait3A_844 = tpu.memref_squeeze %dma_wait3A_843 : memref<1x16384xi32, #tpu.memory_space<vmem>> -> memref<16384xi32, #tpu.memory_space<vmem>>
    %dma_wait3A_845 = arith.constant 0 : i32
    %dma_wait3A_846 = tpu.memref_slice %arg3[%dma_wait3A_845] : memref<16252928xf32, #tpu.memory_space<hbm>> -> memref<16252928xf32, #tpu.memory_space<hbm>>
    tpu.wait_indirect_dma semaphore(%arg8 : memref<!tpu.dma_semaphore, #tpu.memory_space<semaphore_mem>>) src(%dma_wait3A_846 : memref<16252928xf32, #tpu.memory_space<hbm>>) dst(%dma_wait3A_841 : memref<16384xf32, #tpu.memory_space<vmem>>)
    %dma_start3A_847 = arith.constant 0 : i32
    %dma_start3A_848 = arith.constant 0 : i32
    %dma_start3A_849 = arith.constant 0 : i32
    %dma_start3A_850 = tpu.memref_slice %arg6[%dma_start3A_848, %dma_start3A_849] : memref<2x16384xf32, #tpu.memory_space<vmem>> -> memref<1x16384xf32, #tpu.memory_space<vmem>>
    %dma_start3A_851 = tpu.memref_squeeze %dma_start3A_850 : memref<1x16384xf32, #tpu.memory_space<vmem>> -> memref<16384xf32, #tpu.memory_space<vmem>>
    %dma_start3A_852 = arith.constant 0 : i32
    %dma_start3A_853 = tpu.memref_slice %arg5[%dma_start3A_847, %dma_start3A_852] : memref<2x16384xi32, #tpu.memory_space<vmem>> -> memref<1x16384xi32, #tpu.memory_space<vmem>>
    %dma_start3A_854 = tpu.memref_squeeze %dma_start3A_853 : memref<1x16384xi32, #tpu.memory_space<vmem>> -> memref<16384xi32, #tpu.memory_space<vmem>>
    %dma_start3A_855 = arith.constant 0 : i32
    %dma_start3A_856 = tpu.memref_slice %arg3[%dma_start3A_855] : memref<16252928xf32, #tpu.memory_space<hbm>> -> memref<16252928xf32, #tpu.memory_space<hbm>>
    tpu.enqueue_indirect_dma source(%dma_start3A_856 : memref<16252928xf32, #tpu.memory_space<hbm>>) target(%dma_start3A_851 : memref<16384xf32, #tpu.memory_space<vmem>>) offsets(%dma_start3A_854 : memref<16384xi32, #tpu.memory_space<vmem>>) semaphore(%arg7 : memref<!tpu.dma_semaphore, #tpu.memory_space<semaphore_mem>>)
    %add3A_857 = arith.constant 5 : i32
    %add3A_858 = arith.addi %mul3A_2, %add3A_857 : i32
    %jit3A_859 = arith.constant 16 : i32
    %div3A_860 = arith.divsi %add3A_858, %jit3A_859 : i32
    %sign3A_861 = arith.constant 0 : i32
    %sign3A_862 = arith.cmpi sgt, %add3A_858, %sign3A_861 : i32
    %sign3A_863 = arith.extui %sign3A_862 : i1 to i32
    %sign3A_864 = arith.constant 0 : i32
    %sign3A_865 = arith.cmpi slt, %add3A_858, %sign3A_864 : i32
    %sign3A_866 = arith.extui %sign3A_865 : i1 to i32
    %sign3A_867 = arith.subi %sign3A_863, %sign3A_866 : i32
    %sign3A_868 = arith.constant 0 : i32
    %sign3A_869 = arith.cmpi sgt, %jit3A_859, %sign3A_868 : i32
    %sign3A_870 = arith.extui %sign3A_869 : i1 to i32
    %sign3A_871 = arith.constant 0 : i32
    %sign3A_872 = arith.cmpi slt, %jit3A_859, %sign3A_871 : i32
    %sign3A_873 = arith.extui %sign3A_872 : i1 to i32
    %sign3A_874 = arith.subi %sign3A_870, %sign3A_873 : i32
    %ne3A_875 = arith.cmpi ne, %sign3A_867, %sign3A_874 : i32
    %rem3A_876 = arith.remsi %add3A_858, %jit3A_859 : i32
    %ne3A_877 = arith.constant 0 : i32
    %ne3A_878 = arith.cmpi ne, %rem3A_876, %ne3A_877 : i32
    %and3A_879 = arith.andi %ne3A_875, %ne3A_878 : i1
    %sub3A_880 = arith.constant 1 : i32
    %sub3A_881 = arith.subi %div3A_860, %sub3A_880 : i32
    %select_n3A_882 = arith.select %and3A_879, %sub3A_881, %div3A_860 : i32
    %jit3A_883 = arith.constant 16 : i32
    %eq3A_884 = arith.constant 0 : i32
    %eq3A_885 = arith.cmpi eq, %jit3A_883, %eq3A_884 : i32
    %jit3A_886 = arith.constant 1 : i32
    %select_n3A_887 = arith.select %eq3A_885, %jit3A_886, %jit3A_883 : i32
    %rem3A_888 = arith.remsi %add3A_858, %select_n3A_887 : i32
    %ne3A_889 = arith.constant 0 : i32
    %ne3A_890 = arith.cmpi ne, %rem3A_888, %ne3A_889 : i32
    %lt3A_891 = arith.constant 0 : i32
    %lt3A_892 = arith.cmpi slt, %rem3A_888, %lt3A_891 : i32
    %lt3A_893 = arith.constant 0 : i32
    %lt3A_894 = arith.cmpi slt, %select_n3A_887, %lt3A_893 : i32
    %ne3A_895 = arith.xori %lt3A_892, %lt3A_894 : i1
    %and3A_896 = arith.andi %ne3A_895, %ne3A_890 : i1
    %add3A_897 = arith.addi %rem3A_888, %select_n3A_887 : i32
    %select_n3A_898 = arith.select %and3A_896, %add3A_897, %rem3A_888 : i32
    %dma_start3A_899 = arith.constant 1 : i32
    %dma_start3A_900 = arith.constant 0 : i32
    %dma_start3A_901 = tpu.memref_slice %arg6[%dma_start3A_899, %dma_start3A_900] : memref<2x16384xf32, #tpu.memory_space<vmem>> -> memref<1x16384xf32, #tpu.memory_space<vmem>>
    %dma_start3A_902 = tpu.memref_squeeze %dma_start3A_901 : memref<1x16384xf32, #tpu.memory_space<vmem>> -> memref<16384xf32, #tpu.memory_space<vmem>>
    %dma_start3A_903 = arith.constant 0 : i32
    %dma_start3A_904 = tpu.memref_slice %arg4[%select_n3A_882, %select_n3A_898, %dma_start3A_903] : memref<26x16x16384xf32, #tpu.memory_space<hbm>> -> memref<1x1x16384xf32, #tpu.memory_space<hbm>>
    %dma_start3A_905 = tpu.memref_squeeze %dma_start3A_904 : memref<1x1x16384xf32, #tpu.memory_space<hbm>> -> memref<16384xf32, #tpu.memory_space<hbm>>
    %dma_start3A_906 = arith.constant 0 : i32
    %dma_start3A_907 = tpu.memref_slice %arg4[%select_n3A_882, %select_n3A_898, %dma_start3A_906] : memref<26x16x16384xf32, #tpu.memory_space<hbm>> -> memref<1x1x16384xf32, #tpu.memory_space<hbm>>
    %dma_start3A_908 = tpu.memref_squeeze %dma_start3A_907 : memref<1x1x16384xf32, #tpu.memory_space<hbm>> -> memref<16384xf32, #tpu.memory_space<hbm>>
    %dma_start3A_909 = arith.constant 0 : i32
    %dma_start3A_910 = tpu.memref_slice %arg6[%dma_start3A_899, %dma_start3A_909] : memref<2x16384xf32, #tpu.memory_space<vmem>> -> memref<1x16384xf32, #tpu.memory_space<vmem>>
    %dma_start3A_911 = tpu.memref_squeeze %dma_start3A_910 : memref<1x16384xf32, #tpu.memory_space<vmem>> -> memref<16384xf32, #tpu.memory_space<vmem>>
    tpu.enqueue_dma source(%dma_start3A_911 : memref<16384xf32, #tpu.memory_space<vmem>>) target(%dma_start3A_908 : memref<16384xf32, #tpu.memory_space<hbm>>) target_semaphore(%arg10 : memref<!tpu.dma_semaphore, #tpu.memory_space<semaphore_mem>>)
    %dma_wait3A_912 = arith.constant 1 : i32
    %dma_wait3A_913 = arith.constant 0 : i32
    %dma_wait3A_914 = tpu.memref_slice %arg6[%dma_wait3A_912, %dma_wait3A_913] : memref<2x16384xf32, #tpu.memory_space<vmem>> -> memref<1x16384xf32, #tpu.memory_space<vmem>>
    %dma_wait3A_915 = tpu.memref_squeeze %dma_wait3A_914 : memref<1x16384xf32, #tpu.memory_space<vmem>> -> memref<16384xf32, #tpu.memory_space<vmem>>
    %dma_wait3A_916 = arith.constant 0 : i32
    %dma_wait3A_917 = tpu.memref_slice %arg4[%select_n3A_882, %select_n3A_898, %dma_wait3A_916] : memref<26x16x16384xf32, #tpu.memory_space<hbm>> -> memref<1x1x16384xf32, #tpu.memory_space<hbm>>
    %dma_wait3A_918 = tpu.memref_squeeze %dma_wait3A_917 : memref<1x1x16384xf32, #tpu.memory_space<hbm>> -> memref<16384xf32, #tpu.memory_space<hbm>>
    %dma_wait3A_919 = arith.constant 0 : i32
    %dma_wait3A_920 = tpu.memref_slice %arg4[%select_n3A_882, %select_n3A_898, %dma_wait3A_919] : memref<26x16x16384xf32, #tpu.memory_space<hbm>> -> memref<1x1x16384xf32, #tpu.memory_space<hbm>>
    %dma_wait3A_921 = tpu.memref_squeeze %dma_wait3A_920 : memref<1x1x16384xf32, #tpu.memory_space<hbm>> -> memref<16384xf32, #tpu.memory_space<hbm>>
    %dma_wait3A_922 = arith.constant 0 : i32
    %dma_wait3A_923 = tpu.memref_slice %arg6[%dma_wait3A_912, %dma_wait3A_922] : memref<2x16384xf32, #tpu.memory_space<vmem>> -> memref<1x16384xf32, #tpu.memory_space<vmem>>
    %dma_wait3A_924 = tpu.memref_squeeze %dma_wait3A_923 : memref<1x16384xf32, #tpu.memory_space<vmem>> -> memref<16384xf32, #tpu.memory_space<vmem>>
    tpu.wait_dma2 semaphore(%arg10 : memref<!tpu.dma_semaphore, #tpu.memory_space<semaphore_mem>>) src(%dma_wait3A_924 : memref<16384xf32, #tpu.memory_space<vmem>>) dst(%dma_wait3A_921 : memref<16384xf32, #tpu.memory_space<hbm>>)
    %add3A_925 = arith.constant 7 : i32
    %add3A_926 = arith.addi %mul3A_2, %add3A_925 : i32
    %jit3A_927 = arith.constant 16 : i32
    %div3A_928 = arith.divsi %add3A_926, %jit3A_927 : i32
    %sign3A_929 = arith.constant 0 : i32
    %sign3A_930 = arith.cmpi sgt, %add3A_926, %sign3A_929 : i32
    %sign3A_931 = arith.extui %sign3A_930 : i1 to i32
    %sign3A_932 = arith.constant 0 : i32
    %sign3A_933 = arith.cmpi slt, %add3A_926, %sign3A_932 : i32
    %sign3A_934 = arith.extui %sign3A_933 : i1 to i32
    %sign3A_935 = arith.subi %sign3A_931, %sign3A_934 : i32
    %sign3A_936 = arith.constant 0 : i32
    %sign3A_937 = arith.cmpi sgt, %jit3A_927, %sign3A_936 : i32
    %sign3A_938 = arith.extui %sign3A_937 : i1 to i32
    %sign3A_939 = arith.constant 0 : i32
    %sign3A_940 = arith.cmpi slt, %jit3A_927, %sign3A_939 : i32
    %sign3A_941 = arith.extui %sign3A_940 : i1 to i32
    %sign3A_942 = arith.subi %sign3A_938, %sign3A_941 : i32
    %ne3A_943 = arith.cmpi ne, %sign3A_935, %sign3A_942 : i32
    %rem3A_944 = arith.remsi %add3A_926, %jit3A_927 : i32
    %ne3A_945 = arith.constant 0 : i32
    %ne3A_946 = arith.cmpi ne, %rem3A_944, %ne3A_945 : i32
    %and3A_947 = arith.andi %ne3A_943, %ne3A_946 : i1
    %sub3A_948 = arith.constant 1 : i32
    %sub3A_949 = arith.subi %div3A_928, %sub3A_948 : i32
    %select_n3A_950 = arith.select %and3A_947, %sub3A_949, %div3A_928 : i32
    %jit3A_951 = arith.constant 16 : i32
    %eq3A_952 = arith.constant 0 : i32
    %eq3A_953 = arith.cmpi eq, %jit3A_951, %eq3A_952 : i32
    %jit3A_954 = arith.constant 1 : i32
    %select_n3A_955 = arith.select %eq3A_953, %jit3A_954, %jit3A_951 : i32
    %rem3A_956 = arith.remsi %add3A_926, %select_n3A_955 : i32
    %ne3A_957 = arith.constant 0 : i32
    %ne3A_958 = arith.cmpi ne, %rem3A_956, %ne3A_957 : i32
    %lt3A_959 = arith.constant 0 : i32
    %lt3A_960 = arith.cmpi slt, %rem3A_956, %lt3A_959 : i32
    %lt3A_961 = arith.constant 0 : i32
    %lt3A_962 = arith.cmpi slt, %select_n3A_955, %lt3A_961 : i32
    %ne3A_963 = arith.xori %lt3A_960, %lt3A_962 : i1
    %and3A_964 = arith.andi %ne3A_963, %ne3A_958 : i1
    %add3A_965 = arith.addi %rem3A_956, %select_n3A_955 : i32
    %select_n3A_966 = arith.select %and3A_964, %add3A_965, %rem3A_956 : i32
    %mul3A_967 = arith.constant 16384 : i32
    %mul3A_968 = arith.muli %select_n3A_950, %mul3A_967 : i32
    %run_scoped3A_969 = arith.constant 1 : i32
    "tpu.region"() ({
      %run_scoped3A_1873 = tpu.sem_alloc : memref<!tpu.dma_semaphore, #tpu.memory_space<semaphore_mem>>
      %dma_start3A_1874 = arith.constant 0 : i32
      %dma_start3A_1875 = tpu.memref_slice %arg5[%run_scoped3A_969, %dma_start3A_1874] : memref<2x16384xi32, #tpu.memory_space<vmem>> -> memref<1x16384xi32, #tpu.memory_space<vmem>>
      %dma_start3A_1876 = tpu.memref_squeeze %dma_start3A_1875 : memref<1x16384xi32, #tpu.memory_space<vmem>> -> memref<16384xi32, #tpu.memory_space<vmem>>
      %dma_start3A_1877 = tpu.memref_slice %arg2[%mul3A_968] : memref<425984xi32, #tpu.memory_space<hbm>> -> memref<16384xi32, #tpu.memory_space<hbm>>
      %dma_start3A_1878 = arith.constant 0 : i32
      %dma_start3A_1879 = tpu.memref_slice %arg5[%run_scoped3A_969, %dma_start3A_1878] : memref<2x16384xi32, #tpu.memory_space<vmem>> -> memref<1x16384xi32, #tpu.memory_space<vmem>>
      %dma_start3A_1880 = tpu.memref_squeeze %dma_start3A_1879 : memref<1x16384xi32, #tpu.memory_space<vmem>> -> memref<16384xi32, #tpu.memory_space<vmem>>
      %dma_start3A_1881 = tpu.memref_slice %arg2[%mul3A_968] : memref<425984xi32, #tpu.memory_space<hbm>> -> memref<16384xi32, #tpu.memory_space<hbm>>
      tpu.enqueue_dma source(%dma_start3A_1881 : memref<16384xi32, #tpu.memory_space<hbm>>) target(%dma_start3A_1880 : memref<16384xi32, #tpu.memory_space<vmem>>) target_semaphore(%run_scoped3A_1873 : memref<!tpu.dma_semaphore, #tpu.memory_space<semaphore_mem>>)
      %dma_wait3A_1882 = arith.constant 0 : i32
      %dma_wait3A_1883 = tpu.memref_slice %arg5[%run_scoped3A_969, %dma_wait3A_1882] : memref<2x16384xi32, #tpu.memory_space<vmem>> -> memref<1x16384xi32, #tpu.memory_space<vmem>>
      %dma_wait3A_1884 = tpu.memref_squeeze %dma_wait3A_1883 : memref<1x16384xi32, #tpu.memory_space<vmem>> -> memref<16384xi32, #tpu.memory_space<vmem>>
      %dma_wait3A_1885 = tpu.memref_slice %arg2[%mul3A_968] : memref<425984xi32, #tpu.memory_space<hbm>> -> memref<16384xi32, #tpu.memory_space<hbm>>
      %dma_wait3A_1886 = arith.constant 0 : i32
      %dma_wait3A_1887 = tpu.memref_slice %arg5[%run_scoped3A_969, %dma_wait3A_1886] : memref<2x16384xi32, #tpu.memory_space<vmem>> -> memref<1x16384xi32, #tpu.memory_space<vmem>>
      %dma_wait3A_1888 = tpu.memref_squeeze %dma_wait3A_1887 : memref<1x16384xi32, #tpu.memory_space<vmem>> -> memref<16384xi32, #tpu.memory_space<vmem>>
      %dma_wait3A_1889 = tpu.memref_slice %arg2[%mul3A_968] : memref<425984xi32, #tpu.memory_space<hbm>> -> memref<16384xi32, #tpu.memory_space<hbm>>
      tpu.wait_dma2 semaphore(%run_scoped3A_1873 : memref<!tpu.dma_semaphore, #tpu.memory_space<semaphore_mem>>) src(%dma_wait3A_1889 : memref<16384xi32, #tpu.memory_space<hbm>>) dst(%dma_wait3A_1888 : memref<16384xi32, #tpu.memory_space<vmem>>)
      tpu.yield
    }) : () -> ()
    %mul3A_970 = arith.constant 38461 : i32
    %mul3A_971 = arith.muli %select_n3A_950, %mul3A_970 : i32
    %mul3A_972 = arith.constant 1015808 : i32
    %mul3A_973 = arith.muli %select_n3A_966, %mul3A_972 : i32
    %add3A_974 = arith.addi %mul3A_971, %mul3A_973 : i32
    %broadcast_in_dim3A_975 = vector.broadcast %add3A_974 : i32 to vector<16xi32>
    %scan3A_976 = arith.constant 0 : i32
    %scan3A_977 = arith.constant 0 : i32
    %scan3A_978 = arith.constant 1024 : i32
    %scan3A_979 = arith.addi %scan3A_977, %scan3A_978 : i32
    %scan3A_980 = arith.constant 1 : i32
    scf.for %scan3A_1873 = %scan3A_977 to %scan3A_979 step %scan3A_980  : i32 {
      %mul3A_1874 = arith.constant 16 : i32
      %mul3A_1875 = arith.muli %scan3A_1873, %mul3A_1874 : i32
      %get3A = arith.constant 1 : i32
      %get3A_1876 = arith.index_cast %get3A : i32 to index
      %get3A_1877 = arith.index_cast %mul3A_1875 : i32 to index
      %get3A_1878 = tpu.vector_load %arg5[%get3A_1876, %get3A_1877] {strides = array<i32>} : memref<2x16384xi32, #tpu.memory_space<vmem>>, vector<16xi32>,
      %add3A_1879 = arith.addi %get3A_1878, %broadcast_in_dim3A_975 : vector<16xi32>
      %swap3A = arith.constant 1 : i32
      %swap3A_1880 = arith.index_cast %swap3A : i32 to index
      %swap3A_1881 = arith.index_cast %mul3A_1875 : i32 to index
      %swap3A_1882 = tpu.vector_load %arg5[%swap3A_1880, %swap3A_1881] {strides = array<i32>} : memref<2x16384xi32, #tpu.memory_space<vmem>>, vector<16xi32>,
      tpu.vector_store %arg5[%swap3A_1880, %swap3A_1881], %add3A_1879 {strides = array<i32>} : memref<2x16384xi32, #tpu.memory_space<vmem>>, vector<16xi32>,
    }
    %scan3A_981 = arith.constant 1024 : i32
    %dma_wait3A_982 = arith.constant 0 : i32
    %dma_wait3A_983 = arith.constant 0 : i32
    %dma_wait3A_984 = arith.constant 0 : i32
    %dma_wait3A_985 = tpu.memref_slice %arg6[%dma_wait3A_983, %dma_wait3A_984] : memref<2x16384xf32, #tpu.memory_space<vmem>> -> memref<1x16384xf32, #tpu.memory_space<vmem>>
    %dma_wait3A_986 = tpu.memref_squeeze %dma_wait3A_985 : memref<1x16384xf32, #tpu.memory_space<vmem>> -> memref<16384xf32, #tpu.memory_space<vmem>>
    %dma_wait3A_987 = arith.constant 0 : i32
    %dma_wait3A_988 = tpu.memref_slice %arg5[%dma_wait3A_982, %dma_wait3A_987] : memref<2x16384xi32, #tpu.memory_space<vmem>> -> memref<1x16384xi32, #tpu.memory_space<vmem>>
    %dma_wait3A_989 = tpu.memref_squeeze %dma_wait3A_988 : memref<1x16384xi32, #tpu.memory_space<vmem>> -> memref<16384xi32, #tpu.memory_space<vmem>>
    %dma_wait3A_990 = arith.constant 0 : i32
    %dma_wait3A_991 = tpu.memref_slice %arg3[%dma_wait3A_990] : memref<16252928xf32, #tpu.memory_space<hbm>> -> memref<16252928xf32, #tpu.memory_space<hbm>>
    tpu.wait_indirect_dma semaphore(%arg7 : memref<!tpu.dma_semaphore, #tpu.memory_space<semaphore_mem>>) src(%dma_wait3A_991 : memref<16252928xf32, #tpu.memory_space<hbm>>) dst(%dma_wait3A_986 : memref<16384xf32, #tpu.memory_space<vmem>>)
    %dma_start3A_992 = arith.constant 1 : i32
    %dma_start3A_993 = arith.constant 1 : i32
    %dma_start3A_994 = arith.constant 0 : i32
    %dma_start3A_995 = tpu.memref_slice %arg6[%dma_start3A_993, %dma_start3A_994] : memref<2x16384xf32, #tpu.memory_space<vmem>> -> memref<1x16384xf32, #tpu.memory_space<vmem>>
    %dma_start3A_996 = tpu.memref_squeeze %dma_start3A_995 : memref<1x16384xf32, #tpu.memory_space<vmem>> -> memref<16384xf32, #tpu.memory_space<vmem>>
    %dma_start3A_997 = arith.constant 0 : i32
    %dma_start3A_998 = tpu.memref_slice %arg5[%dma_start3A_992, %dma_start3A_997] : memref<2x16384xi32, #tpu.memory_space<vmem>> -> memref<1x16384xi32, #tpu.memory_space<vmem>>
    %dma_start3A_999 = tpu.memref_squeeze %dma_start3A_998 : memref<1x16384xi32, #tpu.memory_space<vmem>> -> memref<16384xi32, #tpu.memory_space<vmem>>
    %dma_start3A_1000 = arith.constant 0 : i32
    %dma_start3A_1001 = tpu.memref_slice %arg3[%dma_start3A_1000] : memref<16252928xf32, #tpu.memory_space<hbm>> -> memref<16252928xf32, #tpu.memory_space<hbm>>
    tpu.enqueue_indirect_dma source(%dma_start3A_1001 : memref<16252928xf32, #tpu.memory_space<hbm>>) target(%dma_start3A_996 : memref<16384xf32, #tpu.memory_space<vmem>>) offsets(%dma_start3A_999 : memref<16384xi32, #tpu.memory_space<vmem>>) semaphore(%arg8 : memref<!tpu.dma_semaphore, #tpu.memory_space<semaphore_mem>>)
    %add3A_1002 = arith.constant 6 : i32
    %add3A_1003 = arith.addi %mul3A_2, %add3A_1002 : i32
    %jit3A_1004 = arith.constant 16 : i32
    %div3A_1005 = arith.divsi %add3A_1003, %jit3A_1004 : i32
    %sign3A_1006 = arith.constant 0 : i32
    %sign3A_1007 = arith.cmpi sgt, %add3A_1003, %sign3A_1006 : i32
    %sign3A_1008 = arith.extui %sign3A_1007 : i1 to i32
    %sign3A_1009 = arith.constant 0 : i32
    %sign3A_1010 = arith.cmpi slt, %add3A_1003, %sign3A_1009 : i32
    %sign3A_1011 = arith.extui %sign3A_1010 : i1 to i32
    %sign3A_1012 = arith.subi %sign3A_1008, %sign3A_1011 : i32
    %sign3A_1013 = arith.constant 0 : i32
    %sign3A_1014 = arith.cmpi sgt, %jit3A_1004, %sign3A_1013 : i32
    %sign3A_1015 = arith.extui %sign3A_1014 : i1 to i32
    %sign3A_1016 = arith.constant 0 : i32
    %sign3A_1017 = arith.cmpi slt, %jit3A_1004, %sign3A_1016 : i32
    %sign3A_1018 = arith.extui %sign3A_1017 : i1 to i32
    %sign3A_1019 = arith.subi %sign3A_1015, %sign3A_1018 : i32
    %ne3A_1020 = arith.cmpi ne, %sign3A_1012, %sign3A_1019 : i32
    %rem3A_1021 = arith.remsi %add3A_1003, %jit3A_1004 : i32
    %ne3A_1022 = arith.constant 0 : i32
    %ne3A_1023 = arith.cmpi ne, %rem3A_1021, %ne3A_1022 : i32
    %and3A_1024 = arith.andi %ne3A_1020, %ne3A_1023 : i1
    %sub3A_1025 = arith.constant 1 : i32
    %sub3A_1026 = arith.subi %div3A_1005, %sub3A_1025 : i32
    %select_n3A_1027 = arith.select %and3A_1024, %sub3A_1026, %div3A_1005 : i32
    %jit3A_1028 = arith.constant 16 : i32
    %eq3A_1029 = arith.constant 0 : i32
    %eq3A_1030 = arith.cmpi eq, %jit3A_1028, %eq3A_1029 : i32
    %jit3A_1031 = arith.constant 1 : i32
    %select_n3A_1032 = arith.select %eq3A_1030, %jit3A_1031, %jit3A_1028 : i32
    %rem3A_1033 = arith.remsi %add3A_1003, %select_n3A_1032 : i32
    %ne3A_1034 = arith.constant 0 : i32
    %ne3A_1035 = arith.cmpi ne, %rem3A_1033, %ne3A_1034 : i32
    %lt3A_1036 = arith.constant 0 : i32
    %lt3A_1037 = arith.cmpi slt, %rem3A_1033, %lt3A_1036 : i32
    %lt3A_1038 = arith.constant 0 : i32
    %lt3A_1039 = arith.cmpi slt, %select_n3A_1032, %lt3A_1038 : i32
    %ne3A_1040 = arith.xori %lt3A_1037, %lt3A_1039 : i1
    %and3A_1041 = arith.andi %ne3A_1040, %ne3A_1035 : i1
    %add3A_1042 = arith.addi %rem3A_1033, %select_n3A_1032 : i32
    %select_n3A_1043 = arith.select %and3A_1041, %add3A_1042, %rem3A_1033 : i32
    %dma_start3A_1044 = arith.constant 0 : i32
    %dma_start3A_1045 = arith.constant 0 : i32
    %dma_start3A_1046 = tpu.memref_slice %arg6[%dma_start3A_1044, %dma_start3A_1045] : memref<2x16384xf32, #tpu.memory_space<vmem>> -> memref<1x16384xf32, #tpu.memory_space<vmem>>
    %dma_start3A_1047 = tpu.memref_squeeze %dma_start3A_1046 : memref<1x16384xf32, #tpu.memory_space<vmem>> -> memref<16384xf32, #tpu.memory_space<vmem>>
    %dma_start3A_1048 = arith.constant 0 : i32
    %dma_start3A_1049 = tpu.memref_slice %arg4[%select_n3A_1027, %select_n3A_1043, %dma_start3A_1048] : memref<26x16x16384xf32, #tpu.memory_space<hbm>> -> memref<1x1x16384xf32, #tpu.memory_space<hbm>>
    %dma_start3A_1050 = tpu.memref_squeeze %dma_start3A_1049 : memref<1x1x16384xf32, #tpu.memory_space<hbm>> -> memref<16384xf32, #tpu.memory_space<hbm>>
    %dma_start3A_1051 = arith.constant 0 : i32
    %dma_start3A_1052 = tpu.memref_slice %arg4[%select_n3A_1027, %select_n3A_1043, %dma_start3A_1051] : memref<26x16x16384xf32, #tpu.memory_space<hbm>> -> memref<1x1x16384xf32, #tpu.memory_space<hbm>>
    %dma_start3A_1053 = tpu.memref_squeeze %dma_start3A_1052 : memref<1x1x16384xf32, #tpu.memory_space<hbm>> -> memref<16384xf32, #tpu.memory_space<hbm>>
    %dma_start3A_1054 = arith.constant 0 : i32
    %dma_start3A_1055 = tpu.memref_slice %arg6[%dma_start3A_1044, %dma_start3A_1054] : memref<2x16384xf32, #tpu.memory_space<vmem>> -> memref<1x16384xf32, #tpu.memory_space<vmem>>
    %dma_start3A_1056 = tpu.memref_squeeze %dma_start3A_1055 : memref<1x16384xf32, #tpu.memory_space<vmem>> -> memref<16384xf32, #tpu.memory_space<vmem>>
    tpu.enqueue_dma source(%dma_start3A_1056 : memref<16384xf32, #tpu.memory_space<vmem>>) target(%dma_start3A_1053 : memref<16384xf32, #tpu.memory_space<hbm>>) target_semaphore(%arg9 : memref<!tpu.dma_semaphore, #tpu.memory_space<semaphore_mem>>)
    %dma_wait3A_1057 = arith.constant 0 : i32
    %dma_wait3A_1058 = arith.constant 0 : i32
    %dma_wait3A_1059 = tpu.memref_slice %arg6[%dma_wait3A_1057, %dma_wait3A_1058] : memref<2x16384xf32, #tpu.memory_space<vmem>> -> memref<1x16384xf32, #tpu.memory_space<vmem>>
    %dma_wait3A_1060 = tpu.memref_squeeze %dma_wait3A_1059 : memref<1x16384xf32, #tpu.memory_space<vmem>> -> memref<16384xf32, #tpu.memory_space<vmem>>
    %dma_wait3A_1061 = arith.constant 0 : i32
    %dma_wait3A_1062 = tpu.memref_slice %arg4[%select_n3A_1027, %select_n3A_1043, %dma_wait3A_1061] : memref<26x16x16384xf32, #tpu.memory_space<hbm>> -> memref<1x1x16384xf32, #tpu.memory_space<hbm>>
    %dma_wait3A_1063 = tpu.memref_squeeze %dma_wait3A_1062 : memref<1x1x16384xf32, #tpu.memory_space<hbm>> -> memref<16384xf32, #tpu.memory_space<hbm>>
    %dma_wait3A_1064 = arith.constant 0 : i32
    %dma_wait3A_1065 = tpu.memref_slice %arg4[%select_n3A_1027, %select_n3A_1043, %dma_wait3A_1064] : memref<26x16x16384xf32, #tpu.memory_space<hbm>> -> memref<1x1x16384xf32, #tpu.memory_space<hbm>>
    %dma_wait3A_1066 = tpu.memref_squeeze %dma_wait3A_1065 : memref<1x1x16384xf32, #tpu.memory_space<hbm>> -> memref<16384xf32, #tpu.memory_space<hbm>>
    %dma_wait3A_1067 = arith.constant 0 : i32
    %dma_wait3A_1068 = tpu.memref_slice %arg6[%dma_wait3A_1057, %dma_wait3A_1067] : memref<2x16384xf32, #tpu.memory_space<vmem>> -> memref<1x16384xf32, #tpu.memory_space<vmem>>
    %dma_wait3A_1069 = tpu.memref_squeeze %dma_wait3A_1068 : memref<1x16384xf32, #tpu.memory_space<vmem>> -> memref<16384xf32, #tpu.memory_space<vmem>>
    tpu.wait_dma2 semaphore(%arg9 : memref<!tpu.dma_semaphore, #tpu.memory_space<semaphore_mem>>) src(%dma_wait3A_1069 : memref<16384xf32, #tpu.memory_space<vmem>>) dst(%dma_wait3A_1066 : memref<16384xf32, #tpu.memory_space<hbm>>)
    %add3A_1070 = arith.constant 8 : i32
    %add3A_1071 = arith.addi %mul3A_2, %add3A_1070 : i32
    %jit3A_1072 = arith.constant 16 : i32
    %div3A_1073 = arith.divsi %add3A_1071, %jit3A_1072 : i32
    %sign3A_1074 = arith.constant 0 : i32
    %sign3A_1075 = arith.cmpi sgt, %add3A_1071, %sign3A_1074 : i32
    %sign3A_1076 = arith.extui %sign3A_1075 : i1 to i32
    %sign3A_1077 = arith.constant 0 : i32
    %sign3A_1078 = arith.cmpi slt, %add3A_1071, %sign3A_1077 : i32
    %sign3A_1079 = arith.extui %sign3A_1078 : i1 to i32
    %sign3A_1080 = arith.subi %sign3A_1076, %sign3A_1079 : i32
    %sign3A_1081 = arith.constant 0 : i32
    %sign3A_1082 = arith.cmpi sgt, %jit3A_1072, %sign3A_1081 : i32
    %sign3A_1083 = arith.extui %sign3A_1082 : i1 to i32
    %sign3A_1084 = arith.constant 0 : i32
    %sign3A_1085 = arith.cmpi slt, %jit3A_1072, %sign3A_1084 : i32
    %sign3A_1086 = arith.extui %sign3A_1085 : i1 to i32
    %sign3A_1087 = arith.subi %sign3A_1083, %sign3A_1086 : i32
    %ne3A_1088 = arith.cmpi ne, %sign3A_1080, %sign3A_1087 : i32
    %rem3A_1089 = arith.remsi %add3A_1071, %jit3A_1072 : i32
    %ne3A_1090 = arith.constant 0 : i32
    %ne3A_1091 = arith.cmpi ne, %rem3A_1089, %ne3A_1090 : i32
    %and3A_1092 = arith.andi %ne3A_1088, %ne3A_1091 : i1
    %sub3A_1093 = arith.constant 1 : i32
    %sub3A_1094 = arith.subi %div3A_1073, %sub3A_1093 : i32
    %select_n3A_1095 = arith.select %and3A_1092, %sub3A_1094, %div3A_1073 : i32
    %jit3A_1096 = arith.constant 16 : i32
    %eq3A_1097 = arith.constant 0 : i32
    %eq3A_1098 = arith.cmpi eq, %jit3A_1096, %eq3A_1097 : i32
    %jit3A_1099 = arith.constant 1 : i32
    %select_n3A_1100 = arith.select %eq3A_1098, %jit3A_1099, %jit3A_1096 : i32
    %rem3A_1101 = arith.remsi %add3A_1071, %select_n3A_1100 : i32
    %ne3A_1102 = arith.constant 0 : i32
    %ne3A_1103 = arith.cmpi ne, %rem3A_1101, %ne3A_1102 : i32
    %lt3A_1104 = arith.constant 0 : i32
    %lt3A_1105 = arith.cmpi slt, %rem3A_1101, %lt3A_1104 : i32
    %lt3A_1106 = arith.constant 0 : i32
    %lt3A_1107 = arith.cmpi slt, %select_n3A_1100, %lt3A_1106 : i32
    %ne3A_1108 = arith.xori %lt3A_1105, %lt3A_1107 : i1
    %and3A_1109 = arith.andi %ne3A_1108, %ne3A_1103 : i1
    %add3A_1110 = arith.addi %rem3A_1101, %select_n3A_1100 : i32
    %select_n3A_1111 = arith.select %and3A_1109, %add3A_1110, %rem3A_1101 : i32
    %mul3A_1112 = arith.constant 16384 : i32
    %mul3A_1113 = arith.muli %select_n3A_1095, %mul3A_1112 : i32
    %run_scoped3A_1114 = arith.constant 0 : i32
    "tpu.region"() ({
      %run_scoped3A_1873 = tpu.sem_alloc : memref<!tpu.dma_semaphore, #tpu.memory_space<semaphore_mem>>
      %dma_start3A_1874 = arith.constant 0 : i32
      %dma_start3A_1875 = tpu.memref_slice %arg5[%run_scoped3A_1114, %dma_start3A_1874] : memref<2x16384xi32, #tpu.memory_space<vmem>> -> memref<1x16384xi32, #tpu.memory_space<vmem>>
      %dma_start3A_1876 = tpu.memref_squeeze %dma_start3A_1875 : memref<1x16384xi32, #tpu.memory_space<vmem>> -> memref<16384xi32, #tpu.memory_space<vmem>>
      %dma_start3A_1877 = tpu.memref_slice %arg2[%mul3A_1113] : memref<425984xi32, #tpu.memory_space<hbm>> -> memref<16384xi32, #tpu.memory_space<hbm>>
      %dma_start3A_1878 = arith.constant 0 : i32
      %dma_start3A_1879 = tpu.memref_slice %arg5[%run_scoped3A_1114, %dma_start3A_1878] : memref<2x16384xi32, #tpu.memory_space<vmem>> -> memref<1x16384xi32, #tpu.memory_space<vmem>>
      %dma_start3A_1880 = tpu.memref_squeeze %dma_start3A_1879 : memref<1x16384xi32, #tpu.memory_space<vmem>> -> memref<16384xi32, #tpu.memory_space<vmem>>
      %dma_start3A_1881 = tpu.memref_slice %arg2[%mul3A_1113] : memref<425984xi32, #tpu.memory_space<hbm>> -> memref<16384xi32, #tpu.memory_space<hbm>>
      tpu.enqueue_dma source(%dma_start3A_1881 : memref<16384xi32, #tpu.memory_space<hbm>>) target(%dma_start3A_1880 : memref<16384xi32, #tpu.memory_space<vmem>>) target_semaphore(%run_scoped3A_1873 : memref<!tpu.dma_semaphore, #tpu.memory_space<semaphore_mem>>)
      %dma_wait3A_1882 = arith.constant 0 : i32
      %dma_wait3A_1883 = tpu.memref_slice %arg5[%run_scoped3A_1114, %dma_wait3A_1882] : memref<2x16384xi32, #tpu.memory_space<vmem>> -> memref<1x16384xi32, #tpu.memory_space<vmem>>
      %dma_wait3A_1884 = tpu.memref_squeeze %dma_wait3A_1883 : memref<1x16384xi32, #tpu.memory_space<vmem>> -> memref<16384xi32, #tpu.memory_space<vmem>>
      %dma_wait3A_1885 = tpu.memref_slice %arg2[%mul3A_1113] : memref<425984xi32, #tpu.memory_space<hbm>> -> memref<16384xi32, #tpu.memory_space<hbm>>
      %dma_wait3A_1886 = arith.constant 0 : i32
      %dma_wait3A_1887 = tpu.memref_slice %arg5[%run_scoped3A_1114, %dma_wait3A_1886] : memref<2x16384xi32, #tpu.memory_space<vmem>> -> memref<1x16384xi32, #tpu.memory_space<vmem>>
      %dma_wait3A_1888 = tpu.memref_squeeze %dma_wait3A_1887 : memref<1x16384xi32, #tpu.memory_space<vmem>> -> memref<16384xi32, #tpu.memory_space<vmem>>
      %dma_wait3A_1889 = tpu.memref_slice %arg2[%mul3A_1113] : memref<425984xi32, #tpu.memory_space<hbm>> -> memref<16384xi32, #tpu.memory_space<hbm>>
      tpu.wait_dma2 semaphore(%run_scoped3A_1873 : memref<!tpu.dma_semaphore, #tpu.memory_space<semaphore_mem>>) src(%dma_wait3A_1889 : memref<16384xi32, #tpu.memory_space<hbm>>) dst(%dma_wait3A_1888 : memref<16384xi32, #tpu.memory_space<vmem>>)
      tpu.yield
    }) : () -> ()
    %mul3A_1115 = arith.constant 38461 : i32
    %mul3A_1116 = arith.muli %select_n3A_1095, %mul3A_1115 : i32
    %mul3A_1117 = arith.constant 1015808 : i32
    %mul3A_1118 = arith.muli %select_n3A_1111, %mul3A_1117 : i32
    %add3A_1119 = arith.addi %mul3A_1116, %mul3A_1118 : i32
    %broadcast_in_dim3A_1120 = vector.broadcast %add3A_1119 : i32 to vector<16xi32>
    %scan3A_1121 = arith.constant 0 : i32
    %scan3A_1122 = arith.constant 0 : i32
    %scan3A_1123 = arith.constant 1024 : i32
    %scan3A_1124 = arith.addi %scan3A_1122, %scan3A_1123 : i32
    %scan3A_1125 = arith.constant 1 : i32
    scf.for %scan3A_1873 = %scan3A_1122 to %scan3A_1124 step %scan3A_1125  : i32 {
      %mul3A_1874 = arith.constant 16 : i32
      %mul3A_1875 = arith.muli %scan3A_1873, %mul3A_1874 : i32
      %get3A = arith.constant 0 : i32
      %get3A_1876 = arith.index_cast %get3A : i32 to index
      %get3A_1877 = arith.index_cast %mul3A_1875 : i32 to index
      %get3A_1878 = tpu.vector_load %arg5[%get3A_1876, %get3A_1877] {strides = array<i32>} : memref<2x16384xi32, #tpu.memory_space<vmem>>, vector<16xi32>,
      %add3A_1879 = arith.addi %get3A_1878, %broadcast_in_dim3A_1120 : vector<16xi32>
      %swap3A = arith.constant 0 : i32
      %swap3A_1880 = arith.index_cast %swap3A : i32 to index
      %swap3A_1881 = arith.index_cast %mul3A_1875 : i32 to index
      %swap3A_1882 = tpu.vector_load %arg5[%swap3A_1880, %swap3A_1881] {strides = array<i32>} : memref<2x16384xi32, #tpu.memory_space<vmem>>, vector<16xi32>,
      tpu.vector_store %arg5[%swap3A_1880, %swap3A_1881], %add3A_1879 {strides = array<i32>} : memref<2x16384xi32, #tpu.memory_space<vmem>>, vector<16xi32>,
    }
    %scan3A_1126 = arith.constant 1024 : i32
    %dma_wait3A_1127 = arith.constant 1 : i32
    %dma_wait3A_1128 = arith.constant 1 : i32
    %dma_wait3A_1129 = arith.constant 0 : i32
    %dma_wait3A_1130 = tpu.memref_slice %arg6[%dma_wait3A_1128, %dma_wait3A_1129] : memref<2x16384xf32, #tpu.memory_space<vmem>> -> memref<1x16384xf32, #tpu.memory_space<vmem>>
    %dma_wait3A_1131 = tpu.memref_squeeze %dma_wait3A_1130 : memref<1x16384xf32, #tpu.memory_space<vmem>> -> memref<16384xf32, #tpu.memory_space<vmem>>
    %dma_wait3A_1132 = arith.constant 0 : i32
    %dma_wait3A_1133 = tpu.memref_slice %arg5[%dma_wait3A_1127, %dma_wait3A_1132] : memref<2x16384xi32, #tpu.memory_space<vmem>> -> memref<1x16384xi32, #tpu.memory_space<vmem>>
    %dma_wait3A_1134 = tpu.memref_squeeze %dma_wait3A_1133 : memref<1x16384xi32, #tpu.memory_space<vmem>> -> memref<16384xi32, #tpu.memory_space<vmem>>
    %dma_wait3A_1135 = arith.constant 0 : i32
    %dma_wait3A_1136 = tpu.memref_slice %arg3[%dma_wait3A_1135] : memref<16252928xf32, #tpu.memory_space<hbm>> -> memref<16252928xf32, #tpu.memory_space<hbm>>
    tpu.wait_indirect_dma semaphore(%arg8 : memref<!tpu.dma_semaphore, #tpu.memory_space<semaphore_mem>>) src(%dma_wait3A_1136 : memref<16252928xf32, #tpu.memory_space<hbm>>) dst(%dma_wait3A_1131 : memref<16384xf32, #tpu.memory_space<vmem>>)
    %dma_start3A_1137 = arith.constant 0 : i32
    %dma_start3A_1138 = arith.constant 0 : i32
    %dma_start3A_1139 = arith.constant 0 : i32
    %dma_start3A_1140 = tpu.memref_slice %arg6[%dma_start3A_1138, %dma_start3A_1139] : memref<2x16384xf32, #tpu.memory_space<vmem>> -> memref<1x16384xf32, #tpu.memory_space<vmem>>
    %dma_start3A_1141 = tpu.memref_squeeze %dma_start3A_1140 : memref<1x16384xf32, #tpu.memory_space<vmem>> -> memref<16384xf32, #tpu.memory_space<vmem>>
    %dma_start3A_1142 = arith.constant 0 : i32
    %dma_start3A_1143 = tpu.memref_slice %arg5[%dma_start3A_1137, %dma_start3A_1142] : memref<2x16384xi32, #tpu.memory_space<vmem>> -> memref<1x16384xi32, #tpu.memory_space<vmem>>
    %dma_start3A_1144 = tpu.memref_squeeze %dma_start3A_1143 : memref<1x16384xi32, #tpu.memory_space<vmem>> -> memref<16384xi32, #tpu.memory_space<vmem>>
    %dma_start3A_1145 = arith.constant 0 : i32
    %dma_start3A_1146 = tpu.memref_slice %arg3[%dma_start3A_1145] : memref<16252928xf32, #tpu.memory_space<hbm>> -> memref<16252928xf32, #tpu.memory_space<hbm>>
    tpu.enqueue_indirect_dma source(%dma_start3A_1146 : memref<16252928xf32, #tpu.memory_space<hbm>>) target(%dma_start3A_1141 : memref<16384xf32, #tpu.memory_space<vmem>>) offsets(%dma_start3A_1144 : memref<16384xi32, #tpu.memory_space<vmem>>) semaphore(%arg7 : memref<!tpu.dma_semaphore, #tpu.memory_space<semaphore_mem>>)
    %add3A_1147 = arith.constant 7 : i32
    %add3A_1148 = arith.addi %mul3A_2, %add3A_1147 : i32
    %jit3A_1149 = arith.constant 16 : i32
    %div3A_1150 = arith.divsi %add3A_1148, %jit3A_1149 : i32
    %sign3A_1151 = arith.constant 0 : i32
    %sign3A_1152 = arith.cmpi sgt, %add3A_1148, %sign3A_1151 : i32
    %sign3A_1153 = arith.extui %sign3A_1152 : i1 to i32
    %sign3A_1154 = arith.constant 0 : i32
    %sign3A_1155 = arith.cmpi slt, %add3A_1148, %sign3A_1154 : i32
    %sign3A_1156 = arith.extui %sign3A_1155 : i1 to i32
    %sign3A_1157 = arith.subi %sign3A_1153, %sign3A_1156 : i32
    %sign3A_1158 = arith.constant 0 : i32
    %sign3A_1159 = arith.cmpi sgt, %jit3A_1149, %sign3A_1158 : i32
    %sign3A_1160 = arith.extui %sign3A_1159 : i1 to i32
    %sign3A_1161 = arith.constant 0 : i32
    %sign3A_1162 = arith.cmpi slt, %jit3A_1149, %sign3A_1161 : i32
    %sign3A_1163 = arith.extui %sign3A_1162 : i1 to i32
    %sign3A_1164 = arith.subi %sign3A_1160, %sign3A_1163 : i32
    %ne3A_1165 = arith.cmpi ne, %sign3A_1157, %sign3A_1164 : i32
    %rem3A_1166 = arith.remsi %add3A_1148, %jit3A_1149 : i32
    %ne3A_1167 = arith.constant 0 : i32
    %ne3A_1168 = arith.cmpi ne, %rem3A_1166, %ne3A_1167 : i32
    %and3A_1169 = arith.andi %ne3A_1165, %ne3A_1168 : i1
    %sub3A_1170 = arith.constant 1 : i32
    %sub3A_1171 = arith.subi %div3A_1150, %sub3A_1170 : i32
    %select_n3A_1172 = arith.select %and3A_1169, %sub3A_1171, %div3A_1150 : i32
    %jit3A_1173 = arith.constant 16 : i32
    %eq3A_1174 = arith.constant 0 : i32
    %eq3A_1175 = arith.cmpi eq, %jit3A_1173, %eq3A_1174 : i32
    %jit3A_1176 = arith.constant 1 : i32
    %select_n3A_1177 = arith.select %eq3A_1175, %jit3A_1176, %jit3A_1173 : i32
    %rem3A_1178 = arith.remsi %add3A_1148, %select_n3A_1177 : i32
    %ne3A_1179 = arith.constant 0 : i32
    %ne3A_1180 = arith.cmpi ne, %rem3A_1178, %ne3A_1179 : i32
    %lt3A_1181 = arith.constant 0 : i32
    %lt3A_1182 = arith.cmpi slt, %rem3A_1178, %lt3A_1181 : i32
    %lt3A_1183 = arith.constant 0 : i32
    %lt3A_1184 = arith.cmpi slt, %select_n3A_1177, %lt3A_1183 : i32
    %ne3A_1185 = arith.xori %lt3A_1182, %lt3A_1184 : i1
    %and3A_1186 = arith.andi %ne3A_1185, %ne3A_1180 : i1
    %add3A_1187 = arith.addi %rem3A_1178, %select_n3A_1177 : i32
    %select_n3A_1188 = arith.select %and3A_1186, %add3A_1187, %rem3A_1178 : i32
    %dma_start3A_1189 = arith.constant 1 : i32
    %dma_start3A_1190 = arith.constant 0 : i32
    %dma_start3A_1191 = tpu.memref_slice %arg6[%dma_start3A_1189, %dma_start3A_1190] : memref<2x16384xf32, #tpu.memory_space<vmem>> -> memref<1x16384xf32, #tpu.memory_space<vmem>>
    %dma_start3A_1192 = tpu.memref_squeeze %dma_start3A_1191 : memref<1x16384xf32, #tpu.memory_space<vmem>> -> memref<16384xf32, #tpu.memory_space<vmem>>
    %dma_start3A_1193 = arith.constant 0 : i32
    %dma_start3A_1194 = tpu.memref_slice %arg4[%select_n3A_1172, %select_n3A_1188, %dma_start3A_1193] : memref<26x16x16384xf32, #tpu.memory_space<hbm>> -> memref<1x1x16384xf32, #tpu.memory_space<hbm>>
    %dma_start3A_1195 = tpu.memref_squeeze %dma_start3A_1194 : memref<1x1x16384xf32, #tpu.memory_space<hbm>> -> memref<16384xf32, #tpu.memory_space<hbm>>
    %dma_start3A_1196 = arith.constant 0 : i32
    %dma_start3A_1197 = tpu.memref_slice %arg4[%select_n3A_1172, %select_n3A_1188, %dma_start3A_1196] : memref<26x16x16384xf32, #tpu.memory_space<hbm>> -> memref<1x1x16384xf32, #tpu.memory_space<hbm>>
    %dma_start3A_1198 = tpu.memref_squeeze %dma_start3A_1197 : memref<1x1x16384xf32, #tpu.memory_space<hbm>> -> memref<16384xf32, #tpu.memory_space<hbm>>
    %dma_start3A_1199 = arith.constant 0 : i32
    %dma_start3A_1200 = tpu.memref_slice %arg6[%dma_start3A_1189, %dma_start3A_1199] : memref<2x16384xf32, #tpu.memory_space<vmem>> -> memref<1x16384xf32, #tpu.memory_space<vmem>>
    %dma_start3A_1201 = tpu.memref_squeeze %dma_start3A_1200 : memref<1x16384xf32, #tpu.memory_space<vmem>> -> memref<16384xf32, #tpu.memory_space<vmem>>
    tpu.enqueue_dma source(%dma_start3A_1201 : memref<16384xf32, #tpu.memory_space<vmem>>) target(%dma_start3A_1198 : memref<16384xf32, #tpu.memory_space<hbm>>) target_semaphore(%arg10 : memref<!tpu.dma_semaphore, #tpu.memory_space<semaphore_mem>>)
    %dma_wait3A_1202 = arith.constant 1 : i32
    %dma_wait3A_1203 = arith.constant 0 : i32
    %dma_wait3A_1204 = tpu.memref_slice %arg6[%dma_wait3A_1202, %dma_wait3A_1203] : memref<2x16384xf32, #tpu.memory_space<vmem>> -> memref<1x16384xf32, #tpu.memory_space<vmem>>
    %dma_wait3A_1205 = tpu.memref_squeeze %dma_wait3A_1204 : memref<1x16384xf32, #tpu.memory_space<vmem>> -> memref<16384xf32, #tpu.memory_space<vmem>>
    %dma_wait3A_1206 = arith.constant 0 : i32
    %dma_wait3A_1207 = tpu.memref_slice %arg4[%select_n3A_1172, %select_n3A_1188, %dma_wait3A_1206] : memref<26x16x16384xf32, #tpu.memory_space<hbm>> -> memref<1x1x16384xf32, #tpu.memory_space<hbm>>
    %dma_wait3A_1208 = tpu.memref_squeeze %dma_wait3A_1207 : memref<1x1x16384xf32, #tpu.memory_space<hbm>> -> memref<16384xf32, #tpu.memory_space<hbm>>
    %dma_wait3A_1209 = arith.constant 0 : i32
    %dma_wait3A_1210 = tpu.memref_slice %arg4[%select_n3A_1172, %select_n3A_1188, %dma_wait3A_1209] : memref<26x16x16384xf32, #tpu.memory_space<hbm>> -> memref<1x1x16384xf32, #tpu.memory_space<hbm>>
    %dma_wait3A_1211 = tpu.memref_squeeze %dma_wait3A_1210 : memref<1x1x16384xf32, #tpu.memory_space<hbm>> -> memref<16384xf32, #tpu.memory_space<hbm>>
    %dma_wait3A_1212 = arith.constant 0 : i32
    %dma_wait3A_1213 = tpu.memref_slice %arg6[%dma_wait3A_1202, %dma_wait3A_1212] : memref<2x16384xf32, #tpu.memory_space<vmem>> -> memref<1x16384xf32, #tpu.memory_space<vmem>>
    %dma_wait3A_1214 = tpu.memref_squeeze %dma_wait3A_1213 : memref<1x16384xf32, #tpu.memory_space<vmem>> -> memref<16384xf32, #tpu.memory_space<vmem>>
    tpu.wait_dma2 semaphore(%arg10 : memref<!tpu.dma_semaphore, #tpu.memory_space<semaphore_mem>>) src(%dma_wait3A_1214 : memref<16384xf32, #tpu.memory_space<vmem>>) dst(%dma_wait3A_1211 : memref<16384xf32, #tpu.memory_space<hbm>>)
    %add3A_1215 = arith.constant 9 : i32
    %add3A_1216 = arith.addi %mul3A_2, %add3A_1215 : i32
    %jit3A_1217 = arith.constant 16 : i32
    %div3A_1218 = arith.divsi %add3A_1216, %jit3A_1217 : i32
    %sign3A_1219 = arith.constant 0 : i32
    %sign3A_1220 = arith.cmpi sgt, %add3A_1216, %sign3A_1219 : i32
    %sign3A_1221 = arith.extui %sign3A_1220 : i1 to i32
    %sign3A_1222 = arith.constant 0 : i32
    %sign3A_1223 = arith.cmpi slt, %add3A_1216, %sign3A_1222 : i32
    %sign3A_1224 = arith.extui %sign3A_1223 : i1 to i32
    %sign3A_1225 = arith.subi %sign3A_1221, %sign3A_1224 : i32
    %sign3A_1226 = arith.constant 0 : i32
    %sign3A_1227 = arith.cmpi sgt, %jit3A_1217, %sign3A_1226 : i32
    %sign3A_1228 = arith.extui %sign3A_1227 : i1 to i32
    %sign3A_1229 = arith.constant 0 : i32
    %sign3A_1230 = arith.cmpi slt, %jit3A_1217, %sign3A_1229 : i32
    %sign3A_1231 = arith.extui %sign3A_1230 : i1 to i32
    %sign3A_1232 = arith.subi %sign3A_1228, %sign3A_1231 : i32
    %ne3A_1233 = arith.cmpi ne, %sign3A_1225, %sign3A_1232 : i32
    %rem3A_1234 = arith.remsi %add3A_1216, %jit3A_1217 : i32
    %ne3A_1235 = arith.constant 0 : i32
    %ne3A_1236 = arith.cmpi ne, %rem3A_1234, %ne3A_1235 : i32
    %and3A_1237 = arith.andi %ne3A_1233, %ne3A_1236 : i1
    %sub3A_1238 = arith.constant 1 : i32
    %sub3A_1239 = arith.subi %div3A_1218, %sub3A_1238 : i32
    %select_n3A_1240 = arith.select %and3A_1237, %sub3A_1239, %div3A_1218 : i32
    %jit3A_1241 = arith.constant 16 : i32
    %eq3A_1242 = arith.constant 0 : i32
    %eq3A_1243 = arith.cmpi eq, %jit3A_1241, %eq3A_1242 : i32
    %jit3A_1244 = arith.constant 1 : i32
    %select_n3A_1245 = arith.select %eq3A_1243, %jit3A_1244, %jit3A_1241 : i32
    %rem3A_1246 = arith.remsi %add3A_1216, %select_n3A_1245 : i32
    %ne3A_1247 = arith.constant 0 : i32
    %ne3A_1248 = arith.cmpi ne, %rem3A_1246, %ne3A_1247 : i32
    %lt3A_1249 = arith.constant 0 : i32
    %lt3A_1250 = arith.cmpi slt, %rem3A_1246, %lt3A_1249 : i32
    %lt3A_1251 = arith.constant 0 : i32
    %lt3A_1252 = arith.cmpi slt, %select_n3A_1245, %lt3A_1251 : i32
    %ne3A_1253 = arith.xori %lt3A_1250, %lt3A_1252 : i1
    %and3A_1254 = arith.andi %ne3A_1253, %ne3A_1248 : i1
    %add3A_1255 = arith.addi %rem3A_1246, %select_n3A_1245 : i32
    %select_n3A_1256 = arith.select %and3A_1254, %add3A_1255, %rem3A_1246 : i32
    %mul3A_1257 = arith.constant 16384 : i32
    %mul3A_1258 = arith.muli %select_n3A_1240, %mul3A_1257 : i32
    %run_scoped3A_1259 = arith.constant 1 : i32
    "tpu.region"() ({
      %run_scoped3A_1873 = tpu.sem_alloc : memref<!tpu.dma_semaphore, #tpu.memory_space<semaphore_mem>>
      %dma_start3A_1874 = arith.constant 0 : i32
      %dma_start3A_1875 = tpu.memref_slice %arg5[%run_scoped3A_1259, %dma_start3A_1874] : memref<2x16384xi32, #tpu.memory_space<vmem>> -> memref<1x16384xi32, #tpu.memory_space<vmem>>
      %dma_start3A_1876 = tpu.memref_squeeze %dma_start3A_1875 : memref<1x16384xi32, #tpu.memory_space<vmem>> -> memref<16384xi32, #tpu.memory_space<vmem>>
      %dma_start3A_1877 = tpu.memref_slice %arg2[%mul3A_1258] : memref<425984xi32, #tpu.memory_space<hbm>> -> memref<16384xi32, #tpu.memory_space<hbm>>
      %dma_start3A_1878 = arith.constant 0 : i32
      %dma_start3A_1879 = tpu.memref_slice %arg5[%run_scoped3A_1259, %dma_start3A_1878] : memref<2x16384xi32, #tpu.memory_space<vmem>> -> memref<1x16384xi32, #tpu.memory_space<vmem>>
      %dma_start3A_1880 = tpu.memref_squeeze %dma_start3A_1879 : memref<1x16384xi32, #tpu.memory_space<vmem>> -> memref<16384xi32, #tpu.memory_space<vmem>>
      %dma_start3A_1881 = tpu.memref_slice %arg2[%mul3A_1258] : memref<425984xi32, #tpu.memory_space<hbm>> -> memref<16384xi32, #tpu.memory_space<hbm>>
      tpu.enqueue_dma source(%dma_start3A_1881 : memref<16384xi32, #tpu.memory_space<hbm>>) target(%dma_start3A_1880 : memref<16384xi32, #tpu.memory_space<vmem>>) target_semaphore(%run_scoped3A_1873 : memref<!tpu.dma_semaphore, #tpu.memory_space<semaphore_mem>>)
      %dma_wait3A_1882 = arith.constant 0 : i32
      %dma_wait3A_1883 = tpu.memref_slice %arg5[%run_scoped3A_1259, %dma_wait3A_1882] : memref<2x16384xi32, #tpu.memory_space<vmem>> -> memref<1x16384xi32, #tpu.memory_space<vmem>>
      %dma_wait3A_1884 = tpu.memref_squeeze %dma_wait3A_1883 : memref<1x16384xi32, #tpu.memory_space<vmem>> -> memref<16384xi32, #tpu.memory_space<vmem>>
      %dma_wait3A_1885 = tpu.memref_slice %arg2[%mul3A_1258] : memref<425984xi32, #tpu.memory_space<hbm>> -> memref<16384xi32, #tpu.memory_space<hbm>>
      %dma_wait3A_1886 = arith.constant 0 : i32
      %dma_wait3A_1887 = tpu.memref_slice %arg5[%run_scoped3A_1259, %dma_wait3A_1886] : memref<2x16384xi32, #tpu.memory_space<vmem>> -> memref<1x16384xi32, #tpu.memory_space<vmem>>
      %dma_wait3A_1888 = tpu.memref_squeeze %dma_wait3A_1887 : memref<1x16384xi32, #tpu.memory_space<vmem>> -> memref<16384xi32, #tpu.memory_space<vmem>>
      %dma_wait3A_1889 = tpu.memref_slice %arg2[%mul3A_1258] : memref<425984xi32, #tpu.memory_space<hbm>> -> memref<16384xi32, #tpu.memory_space<hbm>>
      tpu.wait_dma2 semaphore(%run_scoped3A_1873 : memref<!tpu.dma_semaphore, #tpu.memory_space<semaphore_mem>>) src(%dma_wait3A_1889 : memref<16384xi32, #tpu.memory_space<hbm>>) dst(%dma_wait3A_1888 : memref<16384xi32, #tpu.memory_space<vmem>>)
      tpu.yield
    }) : () -> ()
    %mul3A_1260 = arith.constant 38461 : i32
    %mul3A_1261 = arith.muli %select_n3A_1240, %mul3A_1260 : i32
    %mul3A_1262 = arith.constant 1015808 : i32
    %mul3A_1263 = arith.muli %select_n3A_1256, %mul3A_1262 : i32
    %add3A_1264 = arith.addi %mul3A_1261, %mul3A_1263 : i32
    %broadcast_in_dim3A_1265 = vector.broadcast %add3A_1264 : i32 to vector<16xi32>
    %scan3A_1266 = arith.constant 0 : i32
    %scan3A_1267 = arith.constant 0 : i32
    %scan3A_1268 = arith.constant 1024 : i32
    %scan3A_1269 = arith.addi %scan3A_1267, %scan3A_1268 : i32
    %scan3A_1270 = arith.constant 1 : i32
    scf.for %scan3A_1873 = %scan3A_1267 to %scan3A_1269 step %scan3A_1270  : i32 {
      %mul3A_1874 = arith.constant 16 : i32
      %mul3A_1875 = arith.muli %scan3A_1873, %mul3A_1874 : i32
      %get3A = arith.constant 1 : i32
      %get3A_1876 = arith.index_cast %get3A : i32 to index
      %get3A_1877 = arith.index_cast %mul3A_1875 : i32 to index
      %get3A_1878 = tpu.vector_load %arg5[%get3A_1876, %get3A_1877] {strides = array<i32>} : memref<2x16384xi32, #tpu.memory_space<vmem>>, vector<16xi32>,
      %add3A_1879 = arith.addi %get3A_1878, %broadcast_in_dim3A_1265 : vector<16xi32>
      %swap3A = arith.constant 1 : i32
      %swap3A_1880 = arith.index_cast %swap3A : i32 to index
      %swap3A_1881 = arith.index_cast %mul3A_1875 : i32 to index
      %swap3A_1882 = tpu.vector_load %arg5[%swap3A_1880, %swap3A_1881] {strides = array<i32>} : memref<2x16384xi32, #tpu.memory_space<vmem>>, vector<16xi32>,
      tpu.vector_store %arg5[%swap3A_1880, %swap3A_1881], %add3A_1879 {strides = array<i32>} : memref<2x16384xi32, #tpu.memory_space<vmem>>, vector<16xi32>,
    }
    %scan3A_1271 = arith.constant 1024 : i32
    %dma_wait3A_1272 = arith.constant 0 : i32
    %dma_wait3A_1273 = arith.constant 0 : i32
    %dma_wait3A_1274 = arith.constant 0 : i32
    %dma_wait3A_1275 = tpu.memref_slice %arg6[%dma_wait3A_1273, %dma_wait3A_1274] : memref<2x16384xf32, #tpu.memory_space<vmem>> -> memref<1x16384xf32, #tpu.memory_space<vmem>>
    %dma_wait3A_1276 = tpu.memref_squeeze %dma_wait3A_1275 : memref<1x16384xf32, #tpu.memory_space<vmem>> -> memref<16384xf32, #tpu.memory_space<vmem>>
    %dma_wait3A_1277 = arith.constant 0 : i32
    %dma_wait3A_1278 = tpu.memref_slice %arg5[%dma_wait3A_1272, %dma_wait3A_1277] : memref<2x16384xi32, #tpu.memory_space<vmem>> -> memref<1x16384xi32, #tpu.memory_space<vmem>>
    %dma_wait3A_1279 = tpu.memref_squeeze %dma_wait3A_1278 : memref<1x16384xi32, #tpu.memory_space<vmem>> -> memref<16384xi32, #tpu.memory_space<vmem>>
    %dma_wait3A_1280 = arith.constant 0 : i32
    %dma_wait3A_1281 = tpu.memref_slice %arg3[%dma_wait3A_1280] : memref<16252928xf32, #tpu.memory_space<hbm>> -> memref<16252928xf32, #tpu.memory_space<hbm>>
    tpu.wait_indirect_dma semaphore(%arg7 : memref<!tpu.dma_semaphore, #tpu.memory_space<semaphore_mem>>) src(%dma_wait3A_1281 : memref<16252928xf32, #tpu.memory_space<hbm>>) dst(%dma_wait3A_1276 : memref<16384xf32, #tpu.memory_space<vmem>>)
    %dma_start3A_1282 = arith.constant 1 : i32
    %dma_start3A_1283 = arith.constant 1 : i32
    %dma_start3A_1284 = arith.constant 0 : i32
    %dma_start3A_1285 = tpu.memref_slice %arg6[%dma_start3A_1283, %dma_start3A_1284] : memref<2x16384xf32, #tpu.memory_space<vmem>> -> memref<1x16384xf32, #tpu.memory_space<vmem>>
    %dma_start3A_1286 = tpu.memref_squeeze %dma_start3A_1285 : memref<1x16384xf32, #tpu.memory_space<vmem>> -> memref<16384xf32, #tpu.memory_space<vmem>>
    %dma_start3A_1287 = arith.constant 0 : i32
    %dma_start3A_1288 = tpu.memref_slice %arg5[%dma_start3A_1282, %dma_start3A_1287] : memref<2x16384xi32, #tpu.memory_space<vmem>> -> memref<1x16384xi32, #tpu.memory_space<vmem>>
    %dma_start3A_1289 = tpu.memref_squeeze %dma_start3A_1288 : memref<1x16384xi32, #tpu.memory_space<vmem>> -> memref<16384xi32, #tpu.memory_space<vmem>>
    %dma_start3A_1290 = arith.constant 0 : i32
    %dma_start3A_1291 = tpu.memref_slice %arg3[%dma_start3A_1290] : memref<16252928xf32, #tpu.memory_space<hbm>> -> memref<16252928xf32, #tpu.memory_space<hbm>>
    tpu.enqueue_indirect_dma source(%dma_start3A_1291 : memref<16252928xf32, #tpu.memory_space<hbm>>) target(%dma_start3A_1286 : memref<16384xf32, #tpu.memory_space<vmem>>) offsets(%dma_start3A_1289 : memref<16384xi32, #tpu.memory_space<vmem>>) semaphore(%arg8 : memref<!tpu.dma_semaphore, #tpu.memory_space<semaphore_mem>>)
    %add3A_1292 = arith.constant 8 : i32
    %add3A_1293 = arith.addi %mul3A_2, %add3A_1292 : i32
    %jit3A_1294 = arith.constant 16 : i32
    %div3A_1295 = arith.divsi %add3A_1293, %jit3A_1294 : i32
    %sign3A_1296 = arith.constant 0 : i32
    %sign3A_1297 = arith.cmpi sgt, %add3A_1293, %sign3A_1296 : i32
    %sign3A_1298 = arith.extui %sign3A_1297 : i1 to i32
    %sign3A_1299 = arith.constant 0 : i32
    %sign3A_1300 = arith.cmpi slt, %add3A_1293, %sign3A_1299 : i32
    %sign3A_1301 = arith.extui %sign3A_1300 : i1 to i32
    %sign3A_1302 = arith.subi %sign3A_1298, %sign3A_1301 : i32
    %sign3A_1303 = arith.constant 0 : i32
    %sign3A_1304 = arith.cmpi sgt, %jit3A_1294, %sign3A_1303 : i32
    %sign3A_1305 = arith.extui %sign3A_1304 : i1 to i32
    %sign3A_1306 = arith.constant 0 : i32
    %sign3A_1307 = arith.cmpi slt, %jit3A_1294, %sign3A_1306 : i32
    %sign3A_1308 = arith.extui %sign3A_1307 : i1 to i32
    %sign3A_1309 = arith.subi %sign3A_1305, %sign3A_1308 : i32
    %ne3A_1310 = arith.cmpi ne, %sign3A_1302, %sign3A_1309 : i32
    %rem3A_1311 = arith.remsi %add3A_1293, %jit3A_1294 : i32
    %ne3A_1312 = arith.constant 0 : i32
    %ne3A_1313 = arith.cmpi ne, %rem3A_1311, %ne3A_1312 : i32
    %and3A_1314 = arith.andi %ne3A_1310, %ne3A_1313 : i1
    %sub3A_1315 = arith.constant 1 : i32
    %sub3A_1316 = arith.subi %div3A_1295, %sub3A_1315 : i32
    %select_n3A_1317 = arith.select %and3A_1314, %sub3A_1316, %div3A_1295 : i32
    %jit3A_1318 = arith.constant 16 : i32
    %eq3A_1319 = arith.constant 0 : i32
    %eq3A_1320 = arith.cmpi eq, %jit3A_1318, %eq3A_1319 : i32
    %jit3A_1321 = arith.constant 1 : i32
    %select_n3A_1322 = arith.select %eq3A_1320, %jit3A_1321, %jit3A_1318 : i32
    %rem3A_1323 = arith.remsi %add3A_1293, %select_n3A_1322 : i32
    %ne3A_1324 = arith.constant 0 : i32
    %ne3A_1325 = arith.cmpi ne, %rem3A_1323, %ne3A_1324 : i32
    %lt3A_1326 = arith.constant 0 : i32
    %lt3A_1327 = arith.cmpi slt, %rem3A_1323, %lt3A_1326 : i32
    %lt3A_1328 = arith.constant 0 : i32
    %lt3A_1329 = arith.cmpi slt, %select_n3A_1322, %lt3A_1328 : i32
    %ne3A_1330 = arith.xori %lt3A_1327, %lt3A_1329 : i1
    %and3A_1331 = arith.andi %ne3A_1330, %ne3A_1325 : i1
    %add3A_1332 = arith.addi %rem3A_1323, %select_n3A_1322 : i32
    %select_n3A_1333 = arith.select %and3A_1331, %add3A_1332, %rem3A_1323 : i32
    %dma_start3A_1334 = arith.constant 0 : i32
    %dma_start3A_1335 = arith.constant 0 : i32
    %dma_start3A_1336 = tpu.memref_slice %arg6[%dma_start3A_1334, %dma_start3A_1335] : memref<2x16384xf32, #tpu.memory_space<vmem>> -> memref<1x16384xf32, #tpu.memory_space<vmem>>
    %dma_start3A_1337 = tpu.memref_squeeze %dma_start3A_1336 : memref<1x16384xf32, #tpu.memory_space<vmem>> -> memref<16384xf32, #tpu.memory_space<vmem>>
    %dma_start3A_1338 = arith.constant 0 : i32
    %dma_start3A_1339 = tpu.memref_slice %arg4[%select_n3A_1317, %select_n3A_1333, %dma_start3A_1338] : memref<26x16x16384xf32, #tpu.memory_space<hbm>> -> memref<1x1x16384xf32, #tpu.memory_space<hbm>>
    %dma_start3A_1340 = tpu.memref_squeeze %dma_start3A_1339 : memref<1x1x16384xf32, #tpu.memory_space<hbm>> -> memref<16384xf32, #tpu.memory_space<hbm>>
    %dma_start3A_1341 = arith.constant 0 : i32
    %dma_start3A_1342 = tpu.memref_slice %arg4[%select_n3A_1317, %select_n3A_1333, %dma_start3A_1341] : memref<26x16x16384xf32, #tpu.memory_space<hbm>> -> memref<1x1x16384xf32, #tpu.memory_space<hbm>>
    %dma_start3A_1343 = tpu.memref_squeeze %dma_start3A_1342 : memref<1x1x16384xf32, #tpu.memory_space<hbm>> -> memref<16384xf32, #tpu.memory_space<hbm>>
    %dma_start3A_1344 = arith.constant 0 : i32
    %dma_start3A_1345 = tpu.memref_slice %arg6[%dma_start3A_1334, %dma_start3A_1344] : memref<2x16384xf32, #tpu.memory_space<vmem>> -> memref<1x16384xf32, #tpu.memory_space<vmem>>
    %dma_start3A_1346 = tpu.memref_squeeze %dma_start3A_1345 : memref<1x16384xf32, #tpu.memory_space<vmem>> -> memref<16384xf32, #tpu.memory_space<vmem>>
    tpu.enqueue_dma source(%dma_start3A_1346 : memref<16384xf32, #tpu.memory_space<vmem>>) target(%dma_start3A_1343 : memref<16384xf32, #tpu.memory_space<hbm>>) target_semaphore(%arg9 : memref<!tpu.dma_semaphore, #tpu.memory_space<semaphore_mem>>)
    %dma_wait3A_1347 = arith.constant 0 : i32
    %dma_wait3A_1348 = arith.constant 0 : i32
    %dma_wait3A_1349 = tpu.memref_slice %arg6[%dma_wait3A_1347, %dma_wait3A_1348] : memref<2x16384xf32, #tpu.memory_space<vmem>> -> memref<1x16384xf32, #tpu.memory_space<vmem>>
    %dma_wait3A_1350 = tpu.memref_squeeze %dma_wait3A_1349 : memref<1x16384xf32, #tpu.memory_space<vmem>> -> memref<16384xf32, #tpu.memory_space<vmem>>
    %dma_wait3A_1351 = arith.constant 0 : i32
    %dma_wait3A_1352 = tpu.memref_slice %arg4[%select_n3A_1317, %select_n3A_1333, %dma_wait3A_1351] : memref<26x16x16384xf32, #tpu.memory_space<hbm>> -> memref<1x1x16384xf32, #tpu.memory_space<hbm>>
    %dma_wait3A_1353 = tpu.memref_squeeze %dma_wait3A_1352 : memref<1x1x16384xf32, #tpu.memory_space<hbm>> -> memref<16384xf32, #tpu.memory_space<hbm>>
    %dma_wait3A_1354 = arith.constant 0 : i32
    %dma_wait3A_1355 = tpu.memref_slice %arg4[%select_n3A_1317, %select_n3A_1333, %dma_wait3A_1354] : memref<26x16x16384xf32, #tpu.memory_space<hbm>> -> memref<1x1x16384xf32, #tpu.memory_space<hbm>>
    %dma_wait3A_1356 = tpu.memref_squeeze %dma_wait3A_1355 : memref<1x1x16384xf32, #tpu.memory_space<hbm>> -> memref<16384xf32, #tpu.memory_space<hbm>>
    %dma_wait3A_1357 = arith.constant 0 : i32
    %dma_wait3A_1358 = tpu.memref_slice %arg6[%dma_wait3A_1347, %dma_wait3A_1357] : memref<2x16384xf32, #tpu.memory_space<vmem>> -> memref<1x16384xf32, #tpu.memory_space<vmem>>
    %dma_wait3A_1359 = tpu.memref_squeeze %dma_wait3A_1358 : memref<1x16384xf32, #tpu.memory_space<vmem>> -> memref<16384xf32, #tpu.memory_space<vmem>>
    tpu.wait_dma2 semaphore(%arg9 : memref<!tpu.dma_semaphore, #tpu.memory_space<semaphore_mem>>) src(%dma_wait3A_1359 : memref<16384xf32, #tpu.memory_space<vmem>>) dst(%dma_wait3A_1356 : memref<16384xf32, #tpu.memory_space<hbm>>)
    %add3A_1360 = arith.constant 10 : i32
    %add3A_1361 = arith.addi %mul3A_2, %add3A_1360 : i32
    %jit3A_1362 = arith.constant 16 : i32
    %div3A_1363 = arith.divsi %add3A_1361, %jit3A_1362 : i32
    %sign3A_1364 = arith.constant 0 : i32
    %sign3A_1365 = arith.cmpi sgt, %add3A_1361, %sign3A_1364 : i32
    %sign3A_1366 = arith.extui %sign3A_1365 : i1 to i32
    %sign3A_1367 = arith.constant 0 : i32
    %sign3A_1368 = arith.cmpi slt, %add3A_1361, %sign3A_1367 : i32
    %sign3A_1369 = arith.extui %sign3A_1368 : i1 to i32
    %sign3A_1370 = arith.subi %sign3A_1366, %sign3A_1369 : i32
    %sign3A_1371 = arith.constant 0 : i32
    %sign3A_1372 = arith.cmpi sgt, %jit3A_1362, %sign3A_1371 : i32
    %sign3A_1373 = arith.extui %sign3A_1372 : i1 to i32
    %sign3A_1374 = arith.constant 0 : i32
    %sign3A_1375 = arith.cmpi slt, %jit3A_1362, %sign3A_1374 : i32
    %sign3A_1376 = arith.extui %sign3A_1375 : i1 to i32
    %sign3A_1377 = arith.subi %sign3A_1373, %sign3A_1376 : i32
    %ne3A_1378 = arith.cmpi ne, %sign3A_1370, %sign3A_1377 : i32
    %rem3A_1379 = arith.remsi %add3A_1361, %jit3A_1362 : i32
    %ne3A_1380 = arith.constant 0 : i32
    %ne3A_1381 = arith.cmpi ne, %rem3A_1379, %ne3A_1380 : i32
    %and3A_1382 = arith.andi %ne3A_1378, %ne3A_1381 : i1
    %sub3A_1383 = arith.constant 1 : i32
    %sub3A_1384 = arith.subi %div3A_1363, %sub3A_1383 : i32
    %select_n3A_1385 = arith.select %and3A_1382, %sub3A_1384, %div3A_1363 : i32
    %jit3A_1386 = arith.constant 16 : i32
    %eq3A_1387 = arith.constant 0 : i32
    %eq3A_1388 = arith.cmpi eq, %jit3A_1386, %eq3A_1387 : i32
    %jit3A_1389 = arith.constant 1 : i32
    %select_n3A_1390 = arith.select %eq3A_1388, %jit3A_1389, %jit3A_1386 : i32
    %rem3A_1391 = arith.remsi %add3A_1361, %select_n3A_1390 : i32
    %ne3A_1392 = arith.constant 0 : i32
    %ne3A_1393 = arith.cmpi ne, %rem3A_1391, %ne3A_1392 : i32
    %lt3A_1394 = arith.constant 0 : i32
    %lt3A_1395 = arith.cmpi slt, %rem3A_1391, %lt3A_1394 : i32
    %lt3A_1396 = arith.constant 0 : i32
    %lt3A_1397 = arith.cmpi slt, %select_n3A_1390, %lt3A_1396 : i32
    %ne3A_1398 = arith.xori %lt3A_1395, %lt3A_1397 : i1
    %and3A_1399 = arith.andi %ne3A_1398, %ne3A_1393 : i1
    %add3A_1400 = arith.addi %rem3A_1391, %select_n3A_1390 : i32
    %select_n3A_1401 = arith.select %and3A_1399, %add3A_1400, %rem3A_1391 : i32
    %mul3A_1402 = arith.constant 16384 : i32
    %mul3A_1403 = arith.muli %select_n3A_1385, %mul3A_1402 : i32
    %run_scoped3A_1404 = arith.constant 0 : i32
    "tpu.region"() ({
      %run_scoped3A_1873 = tpu.sem_alloc : memref<!tpu.dma_semaphore, #tpu.memory_space<semaphore_mem>>
      %dma_start3A_1874 = arith.constant 0 : i32
      %dma_start3A_1875 = tpu.memref_slice %arg5[%run_scoped3A_1404, %dma_start3A_1874] : memref<2x16384xi32, #tpu.memory_space<vmem>> -> memref<1x16384xi32, #tpu.memory_space<vmem>>
      %dma_start3A_1876 = tpu.memref_squeeze %dma_start3A_1875 : memref<1x16384xi32, #tpu.memory_space<vmem>> -> memref<16384xi32, #tpu.memory_space<vmem>>
      %dma_start3A_1877 = tpu.memref_slice %arg2[%mul3A_1403] : memref<425984xi32, #tpu.memory_space<hbm>> -> memref<16384xi32, #tpu.memory_space<hbm>>
      %dma_start3A_1878 = arith.constant 0 : i32
      %dma_start3A_1879 = tpu.memref_slice %arg5[%run_scoped3A_1404, %dma_start3A_1878] : memref<2x16384xi32, #tpu.memory_space<vmem>> -> memref<1x16384xi32, #tpu.memory_space<vmem>>
      %dma_start3A_1880 = tpu.memref_squeeze %dma_start3A_1879 : memref<1x16384xi32, #tpu.memory_space<vmem>> -> memref<16384xi32, #tpu.memory_space<vmem>>
      %dma_start3A_1881 = tpu.memref_slice %arg2[%mul3A_1403] : memref<425984xi32, #tpu.memory_space<hbm>> -> memref<16384xi32, #tpu.memory_space<hbm>>
      tpu.enqueue_dma source(%dma_start3A_1881 : memref<16384xi32, #tpu.memory_space<hbm>>) target(%dma_start3A_1880 : memref<16384xi32, #tpu.memory_space<vmem>>) target_semaphore(%run_scoped3A_1873 : memref<!tpu.dma_semaphore, #tpu.memory_space<semaphore_mem>>)
      %dma_wait3A_1882 = arith.constant 0 : i32
      %dma_wait3A_1883 = tpu.memref_slice %arg5[%run_scoped3A_1404, %dma_wait3A_1882] : memref<2x16384xi32, #tpu.memory_space<vmem>> -> memref<1x16384xi32, #tpu.memory_space<vmem>>
      %dma_wait3A_1884 = tpu.memref_squeeze %dma_wait3A_1883 : memref<1x16384xi32, #tpu.memory_space<vmem>> -> memref<16384xi32, #tpu.memory_space<vmem>>
      %dma_wait3A_1885 = tpu.memref_slice %arg2[%mul3A_1403] : memref<425984xi32, #tpu.memory_space<hbm>> -> memref<16384xi32, #tpu.memory_space<hbm>>
      %dma_wait3A_1886 = arith.constant 0 : i32
      %dma_wait3A_1887 = tpu.memref_slice %arg5[%run_scoped3A_1404, %dma_wait3A_1886] : memref<2x16384xi32, #tpu.memory_space<vmem>> -> memref<1x16384xi32, #tpu.memory_space<vmem>>
      %dma_wait3A_1888 = tpu.memref_squeeze %dma_wait3A_1887 : memref<1x16384xi32, #tpu.memory_space<vmem>> -> memref<16384xi32, #tpu.memory_space<vmem>>
      %dma_wait3A_1889 = tpu.memref_slice %arg2[%mul3A_1403] : memref<425984xi32, #tpu.memory_space<hbm>> -> memref<16384xi32, #tpu.memory_space<hbm>>
      tpu.wait_dma2 semaphore(%run_scoped3A_1873 : memref<!tpu.dma_semaphore, #tpu.memory_space<semaphore_mem>>) src(%dma_wait3A_1889 : memref<16384xi32, #tpu.memory_space<hbm>>) dst(%dma_wait3A_1888 : memref<16384xi32, #tpu.memory_space<vmem>>)
      tpu.yield
    }) : () -> ()
    %mul3A_1405 = arith.constant 38461 : i32
    %mul3A_1406 = arith.muli %select_n3A_1385, %mul3A_1405 : i32
    %mul3A_1407 = arith.constant 1015808 : i32
    %mul3A_1408 = arith.muli %select_n3A_1401, %mul3A_1407 : i32
    %add3A_1409 = arith.addi %mul3A_1406, %mul3A_1408 : i32
    %broadcast_in_dim3A_1410 = vector.broadcast %add3A_1409 : i32 to vector<16xi32>
    %scan3A_1411 = arith.constant 0 : i32
    %scan3A_1412 = arith.constant 0 : i32
    %scan3A_1413 = arith.constant 1024 : i32
    %scan3A_1414 = arith.addi %scan3A_1412, %scan3A_1413 : i32
    %scan3A_1415 = arith.constant 1 : i32
    scf.for %scan3A_1873 = %scan3A_1412 to %scan3A_1414 step %scan3A_1415  : i32 {
      %mul3A_1874 = arith.constant 16 : i32
      %mul3A_1875 = arith.muli %scan3A_1873, %mul3A_1874 : i32
      %get3A = arith.constant 0 : i32
      %get3A_1876 = arith.index_cast %get3A : i32 to index
      %get3A_1877 = arith.index_cast %mul3A_1875 : i32 to index
      %get3A_1878 = tpu.vector_load %arg5[%get3A_1876, %get3A_1877] {strides = array<i32>} : memref<2x16384xi32, #tpu.memory_space<vmem>>, vector<16xi32>,
      %add3A_1879 = arith.addi %get3A_1878, %broadcast_in_dim3A_1410 : vector<16xi32>
      %swap3A = arith.constant 0 : i32
      %swap3A_1880 = arith.index_cast %swap3A : i32 to index
      %swap3A_1881 = arith.index_cast %mul3A_1875 : i32 to index
      %swap3A_1882 = tpu.vector_load %arg5[%swap3A_1880, %swap3A_1881] {strides = array<i32>} : memref<2x16384xi32, #tpu.memory_space<vmem>>, vector<16xi32>,
      tpu.vector_store %arg5[%swap3A_1880, %swap3A_1881], %add3A_1879 {strides = array<i32>} : memref<2x16384xi32, #tpu.memory_space<vmem>>, vector<16xi32>,
    }
    %scan3A_1416 = arith.constant 1024 : i32
    %dma_wait3A_1417 = arith.constant 1 : i32
    %dma_wait3A_1418 = arith.constant 1 : i32
    %dma_wait3A_1419 = arith.constant 0 : i32
    %dma_wait3A_1420 = tpu.memref_slice %arg6[%dma_wait3A_1418, %dma_wait3A_1419] : memref<2x16384xf32, #tpu.memory_space<vmem>> -> memref<1x16384xf32, #tpu.memory_space<vmem>>
    %dma_wait3A_1421 = tpu.memref_squeeze %dma_wait3A_1420 : memref<1x16384xf32, #tpu.memory_space<vmem>> -> memref<16384xf32, #tpu.memory_space<vmem>>
    %dma_wait3A_1422 = arith.constant 0 : i32
    %dma_wait3A_1423 = tpu.memref_slice %arg5[%dma_wait3A_1417, %dma_wait3A_1422] : memref<2x16384xi32, #tpu.memory_space<vmem>> -> memref<1x16384xi32, #tpu.memory_space<vmem>>
    %dma_wait3A_1424 = tpu.memref_squeeze %dma_wait3A_1423 : memref<1x16384xi32, #tpu.memory_space<vmem>> -> memref<16384xi32, #tpu.memory_space<vmem>>
    %dma_wait3A_1425 = arith.constant 0 : i32
    %dma_wait3A_1426 = tpu.memref_slice %arg3[%dma_wait3A_1425] : memref<16252928xf32, #tpu.memory_space<hbm>> -> memref<16252928xf32, #tpu.memory_space<hbm>>
    tpu.wait_indirect_dma semaphore(%arg8 : memref<!tpu.dma_semaphore, #tpu.memory_space<semaphore_mem>>) src(%dma_wait3A_1426 : memref<16252928xf32, #tpu.memory_space<hbm>>) dst(%dma_wait3A_1421 : memref<16384xf32, #tpu.memory_space<vmem>>)
    %dma_start3A_1427 = arith.constant 0 : i32
    %dma_start3A_1428 = arith.constant 0 : i32
    %dma_start3A_1429 = arith.constant 0 : i32
    %dma_start3A_1430 = tpu.memref_slice %arg6[%dma_start3A_1428, %dma_start3A_1429] : memref<2x16384xf32, #tpu.memory_space<vmem>> -> memref<1x16384xf32, #tpu.memory_space<vmem>>
    %dma_start3A_1431 = tpu.memref_squeeze %dma_start3A_1430 : memref<1x16384xf32, #tpu.memory_space<vmem>> -> memref<16384xf32, #tpu.memory_space<vmem>>
    %dma_start3A_1432 = arith.constant 0 : i32
    %dma_start3A_1433 = tpu.memref_slice %arg5[%dma_start3A_1427, %dma_start3A_1432] : memref<2x16384xi32, #tpu.memory_space<vmem>> -> memref<1x16384xi32, #tpu.memory_space<vmem>>
    %dma_start3A_1434 = tpu.memref_squeeze %dma_start3A_1433 : memref<1x16384xi32, #tpu.memory_space<vmem>> -> memref<16384xi32, #tpu.memory_space<vmem>>
    %dma_start3A_1435 = arith.constant 0 : i32
    %dma_start3A_1436 = tpu.memref_slice %arg3[%dma_start3A_1435] : memref<16252928xf32, #tpu.memory_space<hbm>> -> memref<16252928xf32, #tpu.memory_space<hbm>>
    tpu.enqueue_indirect_dma source(%dma_start3A_1436 : memref<16252928xf32, #tpu.memory_space<hbm>>) target(%dma_start3A_1431 : memref<16384xf32, #tpu.memory_space<vmem>>) offsets(%dma_start3A_1434 : memref<16384xi32, #tpu.memory_space<vmem>>) semaphore(%arg7 : memref<!tpu.dma_semaphore, #tpu.memory_space<semaphore_mem>>)
    %add3A_1437 = arith.constant 9 : i32
    %add3A_1438 = arith.addi %mul3A_2, %add3A_1437 : i32
    %jit3A_1439 = arith.constant 16 : i32
    %div3A_1440 = arith.divsi %add3A_1438, %jit3A_1439 : i32
    %sign3A_1441 = arith.constant 0 : i32
    %sign3A_1442 = arith.cmpi sgt, %add3A_1438, %sign3A_1441 : i32
    %sign3A_1443 = arith.extui %sign3A_1442 : i1 to i32
    %sign3A_1444 = arith.constant 0 : i32
    %sign3A_1445 = arith.cmpi slt, %add3A_1438, %sign3A_1444 : i32
    %sign3A_1446 = arith.extui %sign3A_1445 : i1 to i32
    %sign3A_1447 = arith.subi %sign3A_1443, %sign3A_1446 : i32
    %sign3A_1448 = arith.constant 0 : i32
    %sign3A_1449 = arith.cmpi sgt, %jit3A_1439, %sign3A_1448 : i32
    %sign3A_1450 = arith.extui %sign3A_1449 : i1 to i32
    %sign3A_1451 = arith.constant 0 : i32
    %sign3A_1452 = arith.cmpi slt, %jit3A_1439, %sign3A_1451 : i32
    %sign3A_1453 = arith.extui %sign3A_1452 : i1 to i32
    %sign3A_1454 = arith.subi %sign3A_1450, %sign3A_1453 : i32
    %ne3A_1455 = arith.cmpi ne, %sign3A_1447, %sign3A_1454 : i32
    %rem3A_1456 = arith.remsi %add3A_1438, %jit3A_1439 : i32
    %ne3A_1457 = arith.constant 0 : i32
    %ne3A_1458 = arith.cmpi ne, %rem3A_1456, %ne3A_1457 : i32
    %and3A_1459 = arith.andi %ne3A_1455, %ne3A_1458 : i1
    %sub3A_1460 = arith.constant 1 : i32
    %sub3A_1461 = arith.subi %div3A_1440, %sub3A_1460 : i32
    %select_n3A_1462 = arith.select %and3A_1459, %sub3A_1461, %div3A_1440 : i32
    %jit3A_1463 = arith.constant 16 : i32
    %eq3A_1464 = arith.constant 0 : i32
    %eq3A_1465 = arith.cmpi eq, %jit3A_1463, %eq3A_1464 : i32
    %jit3A_1466 = arith.constant 1 : i32
    %select_n3A_1467 = arith.select %eq3A_1465, %jit3A_1466, %jit3A_1463 : i32
    %rem3A_1468 = arith.remsi %add3A_1438, %select_n3A_1467 : i32
    %ne3A_1469 = arith.constant 0 : i32
    %ne3A_1470 = arith.cmpi ne, %rem3A_1468, %ne3A_1469 : i32
    %lt3A_1471 = arith.constant 0 : i32
    %lt3A_1472 = arith.cmpi slt, %rem3A_1468, %lt3A_1471 : i32
    %lt3A_1473 = arith.constant 0 : i32
    %lt3A_1474 = arith.cmpi slt, %select_n3A_1467, %lt3A_1473 : i32
    %ne3A_1475 = arith.xori %lt3A_1472, %lt3A_1474 : i1
    %and3A_1476 = arith.andi %ne3A_1475, %ne3A_1470 : i1
    %add3A_1477 = arith.addi %rem3A_1468, %select_n3A_1467 : i32
    %select_n3A_1478 = arith.select %and3A_1476, %add3A_1477, %rem3A_1468 : i32
    %dma_start3A_1479 = arith.constant 1 : i32
    %dma_start3A_1480 = arith.constant 0 : i32
    %dma_start3A_1481 = tpu.memref_slice %arg6[%dma_start3A_1479, %dma_start3A_1480] : memref<2x16384xf32, #tpu.memory_space<vmem>> -> memref<1x16384xf32, #tpu.memory_space<vmem>>
    %dma_start3A_1482 = tpu.memref_squeeze %dma_start3A_1481 : memref<1x16384xf32, #tpu.memory_space<vmem>> -> memref<16384xf32, #tpu.memory_space<vmem>>
    %dma_start3A_1483 = arith.constant 0 : i32
    %dma_start3A_1484 = tpu.memref_slice %arg4[%select_n3A_1462, %select_n3A_1478, %dma_start3A_1483] : memref<26x16x16384xf32, #tpu.memory_space<hbm>> -> memref<1x1x16384xf32, #tpu.memory_space<hbm>>
    %dma_start3A_1485 = tpu.memref_squeeze %dma_start3A_1484 : memref<1x1x16384xf32, #tpu.memory_space<hbm>> -> memref<16384xf32, #tpu.memory_space<hbm>>
    %dma_start3A_1486 = arith.constant 0 : i32
    %dma_start3A_1487 = tpu.memref_slice %arg4[%select_n3A_1462, %select_n3A_1478, %dma_start3A_1486] : memref<26x16x16384xf32, #tpu.memory_space<hbm>> -> memref<1x1x16384xf32, #tpu.memory_space<hbm>>
    %dma_start3A_1488 = tpu.memref_squeeze %dma_start3A_1487 : memref<1x1x16384xf32, #tpu.memory_space<hbm>> -> memref<16384xf32, #tpu.memory_space<hbm>>
    %dma_start3A_1489 = arith.constant 0 : i32
    %dma_start3A_1490 = tpu.memref_slice %arg6[%dma_start3A_1479, %dma_start3A_1489] : memref<2x16384xf32, #tpu.memory_space<vmem>> -> memref<1x16384xf32, #tpu.memory_space<vmem>>
    %dma_start3A_1491 = tpu.memref_squeeze %dma_start3A_1490 : memref<1x16384xf32, #tpu.memory_space<vmem>> -> memref<16384xf32, #tpu.memory_space<vmem>>
    tpu.enqueue_dma source(%dma_start3A_1491 : memref<16384xf32, #tpu.memory_space<vmem>>) target(%dma_start3A_1488 : memref<16384xf32, #tpu.memory_space<hbm>>) target_semaphore(%arg10 : memref<!tpu.dma_semaphore, #tpu.memory_space<semaphore_mem>>)
    %dma_wait3A_1492 = arith.constant 1 : i32
    %dma_wait3A_1493 = arith.constant 0 : i32
    %dma_wait3A_1494 = tpu.memref_slice %arg6[%dma_wait3A_1492, %dma_wait3A_1493] : memref<2x16384xf32, #tpu.memory_space<vmem>> -> memref<1x16384xf32, #tpu.memory_space<vmem>>
    %dma_wait3A_1495 = tpu.memref_squeeze %dma_wait3A_1494 : memref<1x16384xf32, #tpu.memory_space<vmem>> -> memref<16384xf32, #tpu.memory_space<vmem>>
    %dma_wait3A_1496 = arith.constant 0 : i32
    %dma_wait3A_1497 = tpu.memref_slice %arg4[%select_n3A_1462, %select_n3A_1478, %dma_wait3A_1496] : memref<26x16x16384xf32, #tpu.memory_space<hbm>> -> memref<1x1x16384xf32, #tpu.memory_space<hbm>>
    %dma_wait3A_1498 = tpu.memref_squeeze %dma_wait3A_1497 : memref<1x1x16384xf32, #tpu.memory_space<hbm>> -> memref<16384xf32, #tpu.memory_space<hbm>>
    %dma_wait3A_1499 = arith.constant 0 : i32
    %dma_wait3A_1500 = tpu.memref_slice %arg4[%select_n3A_1462, %select_n3A_1478, %dma_wait3A_1499] : memref<26x16x16384xf32, #tpu.memory_space<hbm>> -> memref<1x1x16384xf32, #tpu.memory_space<hbm>>
    %dma_wait3A_1501 = tpu.memref_squeeze %dma_wait3A_1500 : memref<1x1x16384xf32, #tpu.memory_space<hbm>> -> memref<16384xf32, #tpu.memory_space<hbm>>
    %dma_wait3A_1502 = arith.constant 0 : i32
    %dma_wait3A_1503 = tpu.memref_slice %arg6[%dma_wait3A_1492, %dma_wait3A_1502] : memref<2x16384xf32, #tpu.memory_space<vmem>> -> memref<1x16384xf32, #tpu.memory_space<vmem>>
    %dma_wait3A_1504 = tpu.memref_squeeze %dma_wait3A_1503 : memref<1x16384xf32, #tpu.memory_space<vmem>> -> memref<16384xf32, #tpu.memory_space<vmem>>
    tpu.wait_dma2 semaphore(%arg10 : memref<!tpu.dma_semaphore, #tpu.memory_space<semaphore_mem>>) src(%dma_wait3A_1504 : memref<16384xf32, #tpu.memory_space<vmem>>) dst(%dma_wait3A_1501 : memref<16384xf32, #tpu.memory_space<hbm>>)
    %add3A_1505 = arith.constant 11 : i32
    %add3A_1506 = arith.addi %mul3A_2, %add3A_1505 : i32
    %jit3A_1507 = arith.constant 16 : i32
    %div3A_1508 = arith.divsi %add3A_1506, %jit3A_1507 : i32
    %sign3A_1509 = arith.constant 0 : i32
    %sign3A_1510 = arith.cmpi sgt, %add3A_1506, %sign3A_1509 : i32
    %sign3A_1511 = arith.extui %sign3A_1510 : i1 to i32
    %sign3A_1512 = arith.constant 0 : i32
    %sign3A_1513 = arith.cmpi slt, %add3A_1506, %sign3A_1512 : i32
    %sign3A_1514 = arith.extui %sign3A_1513 : i1 to i32
    %sign3A_1515 = arith.subi %sign3A_1511, %sign3A_1514 : i32
    %sign3A_1516 = arith.constant 0 : i32
    %sign3A_1517 = arith.cmpi sgt, %jit3A_1507, %sign3A_1516 : i32
    %sign3A_1518 = arith.extui %sign3A_1517 : i1 to i32
    %sign3A_1519 = arith.constant 0 : i32
    %sign3A_1520 = arith.cmpi slt, %jit3A_1507, %sign3A_1519 : i32
    %sign3A_1521 = arith.extui %sign3A_1520 : i1 to i32
    %sign3A_1522 = arith.subi %sign3A_1518, %sign3A_1521 : i32
    %ne3A_1523 = arith.cmpi ne, %sign3A_1515, %sign3A_1522 : i32
    %rem3A_1524 = arith.remsi %add3A_1506, %jit3A_1507 : i32
    %ne3A_1525 = arith.constant 0 : i32
    %ne3A_1526 = arith.cmpi ne, %rem3A_1524, %ne3A_1525 : i32
    %and3A_1527 = arith.andi %ne3A_1523, %ne3A_1526 : i1
    %sub3A_1528 = arith.constant 1 : i32
    %sub3A_1529 = arith.subi %div3A_1508, %sub3A_1528 : i32
    %select_n3A_1530 = arith.select %and3A_1527, %sub3A_1529, %div3A_1508 : i32
    %jit3A_1531 = arith.constant 16 : i32
    %eq3A_1532 = arith.constant 0 : i32
    %eq3A_1533 = arith.cmpi eq, %jit3A_1531, %eq3A_1532 : i32
    %jit3A_1534 = arith.constant 1 : i32
    %select_n3A_1535 = arith.select %eq3A_1533, %jit3A_1534, %jit3A_1531 : i32
    %rem3A_1536 = arith.remsi %add3A_1506, %select_n3A_1535 : i32
    %ne3A_1537 = arith.constant 0 : i32
    %ne3A_1538 = arith.cmpi ne, %rem3A_1536, %ne3A_1537 : i32
    %lt3A_1539 = arith.constant 0 : i32
    %lt3A_1540 = arith.cmpi slt, %rem3A_1536, %lt3A_1539 : i32
    %lt3A_1541 = arith.constant 0 : i32
    %lt3A_1542 = arith.cmpi slt, %select_n3A_1535, %lt3A_1541 : i32
    %ne3A_1543 = arith.xori %lt3A_1540, %lt3A_1542 : i1
    %and3A_1544 = arith.andi %ne3A_1543, %ne3A_1538 : i1
    %add3A_1545 = arith.addi %rem3A_1536, %select_n3A_1535 : i32
    %select_n3A_1546 = arith.select %and3A_1544, %add3A_1545, %rem3A_1536 : i32
    %mul3A_1547 = arith.constant 16384 : i32
    %mul3A_1548 = arith.muli %select_n3A_1530, %mul3A_1547 : i32
    %run_scoped3A_1549 = arith.constant 1 : i32
    "tpu.region"() ({
      %run_scoped3A_1873 = tpu.sem_alloc : memref<!tpu.dma_semaphore, #tpu.memory_space<semaphore_mem>>
      %dma_start3A_1874 = arith.constant 0 : i32
      %dma_start3A_1875 = tpu.memref_slice %arg5[%run_scoped3A_1549, %dma_start3A_1874] : memref<2x16384xi32, #tpu.memory_space<vmem>> -> memref<1x16384xi32, #tpu.memory_space<vmem>>
      %dma_start3A_1876 = tpu.memref_squeeze %dma_start3A_1875 : memref<1x16384xi32, #tpu.memory_space<vmem>> -> memref<16384xi32, #tpu.memory_space<vmem>>
      %dma_start3A_1877 = tpu.memref_slice %arg2[%mul3A_1548] : memref<425984xi32, #tpu.memory_space<hbm>> -> memref<16384xi32, #tpu.memory_space<hbm>>
      %dma_start3A_1878 = arith.constant 0 : i32
      %dma_start3A_1879 = tpu.memref_slice %arg5[%run_scoped3A_1549, %dma_start3A_1878] : memref<2x16384xi32, #tpu.memory_space<vmem>> -> memref<1x16384xi32, #tpu.memory_space<vmem>>
      %dma_start3A_1880 = tpu.memref_squeeze %dma_start3A_1879 : memref<1x16384xi32, #tpu.memory_space<vmem>> -> memref<16384xi32, #tpu.memory_space<vmem>>
      %dma_start3A_1881 = tpu.memref_slice %arg2[%mul3A_1548] : memref<425984xi32, #tpu.memory_space<hbm>> -> memref<16384xi32, #tpu.memory_space<hbm>>
      tpu.enqueue_dma source(%dma_start3A_1881 : memref<16384xi32, #tpu.memory_space<hbm>>) target(%dma_start3A_1880 : memref<16384xi32, #tpu.memory_space<vmem>>) target_semaphore(%run_scoped3A_1873 : memref<!tpu.dma_semaphore, #tpu.memory_space<semaphore_mem>>)
      %dma_wait3A_1882 = arith.constant 0 : i32
      %dma_wait3A_1883 = tpu.memref_slice %arg5[%run_scoped3A_1549, %dma_wait3A_1882] : memref<2x16384xi32, #tpu.memory_space<vmem>> -> memref<1x16384xi32, #tpu.memory_space<vmem>>
      %dma_wait3A_1884 = tpu.memref_squeeze %dma_wait3A_1883 : memref<1x16384xi32, #tpu.memory_space<vmem>> -> memref<16384xi32, #tpu.memory_space<vmem>>
      %dma_wait3A_1885 = tpu.memref_slice %arg2[%mul3A_1548] : memref<425984xi32, #tpu.memory_space<hbm>> -> memref<16384xi32, #tpu.memory_space<hbm>>
      %dma_wait3A_1886 = arith.constant 0 : i32
      %dma_wait3A_1887 = tpu.memref_slice %arg5[%run_scoped3A_1549, %dma_wait3A_1886] : memref<2x16384xi32, #tpu.memory_space<vmem>> -> memref<1x16384xi32, #tpu.memory_space<vmem>>
      %dma_wait3A_1888 = tpu.memref_squeeze %dma_wait3A_1887 : memref<1x16384xi32, #tpu.memory_space<vmem>> -> memref<16384xi32, #tpu.memory_space<vmem>>
      %dma_wait3A_1889 = tpu.memref_slice %arg2[%mul3A_1548] : memref<425984xi32, #tpu.memory_space<hbm>> -> memref<16384xi32, #tpu.memory_space<hbm>>
      tpu.wait_dma2 semaphore(%run_scoped3A_1873 : memref<!tpu.dma_semaphore, #tpu.memory_space<semaphore_mem>>) src(%dma_wait3A_1889 : memref<16384xi32, #tpu.memory_space<hbm>>) dst(%dma_wait3A_1888 : memref<16384xi32, #tpu.memory_space<vmem>>)
      tpu.yield
    }) : () -> ()
    %mul3A_1550 = arith.constant 38461 : i32
    %mul3A_1551 = arith.muli %select_n3A_1530, %mul3A_1550 : i32
    %mul3A_1552 = arith.constant 1015808 : i32
    %mul3A_1553 = arith.muli %select_n3A_1546, %mul3A_1552 : i32
    %add3A_1554 = arith.addi %mul3A_1551, %mul3A_1553 : i32
    %broadcast_in_dim3A_1555 = vector.broadcast %add3A_1554 : i32 to vector<16xi32>
    %scan3A_1556 = arith.constant 0 : i32
    %scan3A_1557 = arith.constant 0 : i32
    %scan3A_1558 = arith.constant 1024 : i32
    %scan3A_1559 = arith.addi %scan3A_1557, %scan3A_1558 : i32
    %scan3A_1560 = arith.constant 1 : i32
    scf.for %scan3A_1873 = %scan3A_1557 to %scan3A_1559 step %scan3A_1560  : i32 {
      %mul3A_1874 = arith.constant 16 : i32
      %mul3A_1875 = arith.muli %scan3A_1873, %mul3A_1874 : i32
      %get3A = arith.constant 1 : i32
      %get3A_1876 = arith.index_cast %get3A : i32 to index
      %get3A_1877 = arith.index_cast %mul3A_1875 : i32 to index
      %get3A_1878 = tpu.vector_load %arg5[%get3A_1876, %get3A_1877] {strides = array<i32>} : memref<2x16384xi32, #tpu.memory_space<vmem>>, vector<16xi32>,
      %add3A_1879 = arith.addi %get3A_1878, %broadcast_in_dim3A_1555 : vector<16xi32>
      %swap3A = arith.constant 1 : i32
      %swap3A_1880 = arith.index_cast %swap3A : i32 to index
      %swap3A_1881 = arith.index_cast %mul3A_1875 : i32 to index
      %swap3A_1882 = tpu.vector_load %arg5[%swap3A_1880, %swap3A_1881] {strides = array<i32>} : memref<2x16384xi32, #tpu.memory_space<vmem>>, vector<16xi32>,
      tpu.vector_store %arg5[%swap3A_1880, %swap3A_1881], %add3A_1879 {strides = array<i32>} : memref<2x16384xi32, #tpu.memory_space<vmem>>, vector<16xi32>,
    }
    %scan3A_1561 = arith.constant 1024 : i32
    %dma_wait3A_1562 = arith.constant 0 : i32
    %dma_wait3A_1563 = arith.constant 0 : i32
    %dma_wait3A_1564 = arith.constant 0 : i32
    %dma_wait3A_1565 = tpu.memref_slice %arg6[%dma_wait3A_1563, %dma_wait3A_1564] : memref<2x16384xf32, #tpu.memory_space<vmem>> -> memref<1x16384xf32, #tpu.memory_space<vmem>>
    %dma_wait3A_1566 = tpu.memref_squeeze %dma_wait3A_1565 : memref<1x16384xf32, #tpu.memory_space<vmem>> -> memref<16384xf32, #tpu.memory_space<vmem>>
    %dma_wait3A_1567 = arith.constant 0 : i32
    %dma_wait3A_1568 = tpu.memref_slice %arg5[%dma_wait3A_1562, %dma_wait3A_1567] : memref<2x16384xi32, #tpu.memory_space<vmem>> -> memref<1x16384xi32, #tpu.memory_space<vmem>>
    %dma_wait3A_1569 = tpu.memref_squeeze %dma_wait3A_1568 : memref<1x16384xi32, #tpu.memory_space<vmem>> -> memref<16384xi32, #tpu.memory_space<vmem>>
    %dma_wait3A_1570 = arith.constant 0 : i32
    %dma_wait3A_1571 = tpu.memref_slice %arg3[%dma_wait3A_1570] : memref<16252928xf32, #tpu.memory_space<hbm>> -> memref<16252928xf32, #tpu.memory_space<hbm>>
    tpu.wait_indirect_dma semaphore(%arg7 : memref<!tpu.dma_semaphore, #tpu.memory_space<semaphore_mem>>) src(%dma_wait3A_1571 : memref<16252928xf32, #tpu.memory_space<hbm>>) dst(%dma_wait3A_1566 : memref<16384xf32, #tpu.memory_space<vmem>>)
    %dma_start3A_1572 = arith.constant 1 : i32
    %dma_start3A_1573 = arith.constant 1 : i32
    %dma_start3A_1574 = arith.constant 0 : i32
    %dma_start3A_1575 = tpu.memref_slice %arg6[%dma_start3A_1573, %dma_start3A_1574] : memref<2x16384xf32, #tpu.memory_space<vmem>> -> memref<1x16384xf32, #tpu.memory_space<vmem>>
    %dma_start3A_1576 = tpu.memref_squeeze %dma_start3A_1575 : memref<1x16384xf32, #tpu.memory_space<vmem>> -> memref<16384xf32, #tpu.memory_space<vmem>>
    %dma_start3A_1577 = arith.constant 0 : i32
    %dma_start3A_1578 = tpu.memref_slice %arg5[%dma_start3A_1572, %dma_start3A_1577] : memref<2x16384xi32, #tpu.memory_space<vmem>> -> memref<1x16384xi32, #tpu.memory_space<vmem>>
    %dma_start3A_1579 = tpu.memref_squeeze %dma_start3A_1578 : memref<1x16384xi32, #tpu.memory_space<vmem>> -> memref<16384xi32, #tpu.memory_space<vmem>>
    %dma_start3A_1580 = arith.constant 0 : i32
    %dma_start3A_1581 = tpu.memref_slice %arg3[%dma_start3A_1580] : memref<16252928xf32, #tpu.memory_space<hbm>> -> memref<16252928xf32, #tpu.memory_space<hbm>>
    tpu.enqueue_indirect_dma source(%dma_start3A_1581 : memref<16252928xf32, #tpu.memory_space<hbm>>) target(%dma_start3A_1576 : memref<16384xf32, #tpu.memory_space<vmem>>) offsets(%dma_start3A_1579 : memref<16384xi32, #tpu.memory_space<vmem>>) semaphore(%arg8 : memref<!tpu.dma_semaphore, #tpu.memory_space<semaphore_mem>>)
    %add3A_1582 = arith.constant 10 : i32
    %add3A_1583 = arith.addi %mul3A_2, %add3A_1582 : i32
    %jit3A_1584 = arith.constant 16 : i32
    %div3A_1585 = arith.divsi %add3A_1583, %jit3A_1584 : i32
    %sign3A_1586 = arith.constant 0 : i32
    %sign3A_1587 = arith.cmpi sgt, %add3A_1583, %sign3A_1586 : i32
    %sign3A_1588 = arith.extui %sign3A_1587 : i1 to i32
    %sign3A_1589 = arith.constant 0 : i32
    %sign3A_1590 = arith.cmpi slt, %add3A_1583, %sign3A_1589 : i32
    %sign3A_1591 = arith.extui %sign3A_1590 : i1 to i32
    %sign3A_1592 = arith.subi %sign3A_1588, %sign3A_1591 : i32
    %sign3A_1593 = arith.constant 0 : i32
    %sign3A_1594 = arith.cmpi sgt, %jit3A_1584, %sign3A_1593 : i32
    %sign3A_1595 = arith.extui %sign3A_1594 : i1 to i32
    %sign3A_1596 = arith.constant 0 : i32
    %sign3A_1597 = arith.cmpi slt, %jit3A_1584, %sign3A_1596 : i32
    %sign3A_1598 = arith.extui %sign3A_1597 : i1 to i32
    %sign3A_1599 = arith.subi %sign3A_1595, %sign3A_1598 : i32
    %ne3A_1600 = arith.cmpi ne, %sign3A_1592, %sign3A_1599 : i32
    %rem3A_1601 = arith.remsi %add3A_1583, %jit3A_1584 : i32
    %ne3A_1602 = arith.constant 0 : i32
    %ne3A_1603 = arith.cmpi ne, %rem3A_1601, %ne3A_1602 : i32
    %and3A_1604 = arith.andi %ne3A_1600, %ne3A_1603 : i1
    %sub3A_1605 = arith.constant 1 : i32
    %sub3A_1606 = arith.subi %div3A_1585, %sub3A_1605 : i32
    %select_n3A_1607 = arith.select %and3A_1604, %sub3A_1606, %div3A_1585 : i32
    %jit3A_1608 = arith.constant 16 : i32
    %eq3A_1609 = arith.constant 0 : i32
    %eq3A_1610 = arith.cmpi eq, %jit3A_1608, %eq3A_1609 : i32
    %jit3A_1611 = arith.constant 1 : i32
    %select_n3A_1612 = arith.select %eq3A_1610, %jit3A_1611, %jit3A_1608 : i32
    %rem3A_1613 = arith.remsi %add3A_1583, %select_n3A_1612 : i32
    %ne3A_1614 = arith.constant 0 : i32
    %ne3A_1615 = arith.cmpi ne, %rem3A_1613, %ne3A_1614 : i32
    %lt3A_1616 = arith.constant 0 : i32
    %lt3A_1617 = arith.cmpi slt, %rem3A_1613, %lt3A_1616 : i32
    %lt3A_1618 = arith.constant 0 : i32
    %lt3A_1619 = arith.cmpi slt, %select_n3A_1612, %lt3A_1618 : i32
    %ne3A_1620 = arith.xori %lt3A_1617, %lt3A_1619 : i1
    %and3A_1621 = arith.andi %ne3A_1620, %ne3A_1615 : i1
    %add3A_1622 = arith.addi %rem3A_1613, %select_n3A_1612 : i32
    %select_n3A_1623 = arith.select %and3A_1621, %add3A_1622, %rem3A_1613 : i32
    %dma_start3A_1624 = arith.constant 0 : i32
    %dma_start3A_1625 = arith.constant 0 : i32
    %dma_start3A_1626 = tpu.memref_slice %arg6[%dma_start3A_1624, %dma_start3A_1625] : memref<2x16384xf32, #tpu.memory_space<vmem>> -> memref<1x16384xf32, #tpu.memory_space<vmem>>
    %dma_start3A_1627 = tpu.memref_squeeze %dma_start3A_1626 : memref<1x16384xf32, #tpu.memory_space<vmem>> -> memref<16384xf32, #tpu.memory_space<vmem>>
    %dma_start3A_1628 = arith.constant 0 : i32
    %dma_start3A_1629 = tpu.memref_slice %arg4[%select_n3A_1607, %select_n3A_1623, %dma_start3A_1628] : memref<26x16x16384xf32, #tpu.memory_space<hbm>> -> memref<1x1x16384xf32, #tpu.memory_space<hbm>>
    %dma_start3A_1630 = tpu.memref_squeeze %dma_start3A_1629 : memref<1x1x16384xf32, #tpu.memory_space<hbm>> -> memref<16384xf32, #tpu.memory_space<hbm>>
    %dma_start3A_1631 = arith.constant 0 : i32
    %dma_start3A_1632 = tpu.memref_slice %arg4[%select_n3A_1607, %select_n3A_1623, %dma_start3A_1631] : memref<26x16x16384xf32, #tpu.memory_space<hbm>> -> memref<1x1x16384xf32, #tpu.memory_space<hbm>>
    %dma_start3A_1633 = tpu.memref_squeeze %dma_start3A_1632 : memref<1x1x16384xf32, #tpu.memory_space<hbm>> -> memref<16384xf32, #tpu.memory_space<hbm>>
    %dma_start3A_1634 = arith.constant 0 : i32
    %dma_start3A_1635 = tpu.memref_slice %arg6[%dma_start3A_1624, %dma_start3A_1634] : memref<2x16384xf32, #tpu.memory_space<vmem>> -> memref<1x16384xf32, #tpu.memory_space<vmem>>
    %dma_start3A_1636 = tpu.memref_squeeze %dma_start3A_1635 : memref<1x16384xf32, #tpu.memory_space<vmem>> -> memref<16384xf32, #tpu.memory_space<vmem>>
    tpu.enqueue_dma source(%dma_start3A_1636 : memref<16384xf32, #tpu.memory_space<vmem>>) target(%dma_start3A_1633 : memref<16384xf32, #tpu.memory_space<hbm>>) target_semaphore(%arg9 : memref<!tpu.dma_semaphore, #tpu.memory_space<semaphore_mem>>)
    %dma_wait3A_1637 = arith.constant 0 : i32
    %dma_wait3A_1638 = arith.constant 0 : i32
    %dma_wait3A_1639 = tpu.memref_slice %arg6[%dma_wait3A_1637, %dma_wait3A_1638] : memref<2x16384xf32, #tpu.memory_space<vmem>> -> memref<1x16384xf32, #tpu.memory_space<vmem>>
    %dma_wait3A_1640 = tpu.memref_squeeze %dma_wait3A_1639 : memref<1x16384xf32, #tpu.memory_space<vmem>> -> memref<16384xf32, #tpu.memory_space<vmem>>
    %dma_wait3A_1641 = arith.constant 0 : i32
    %dma_wait3A_1642 = tpu.memref_slice %arg4[%select_n3A_1607, %select_n3A_1623, %dma_wait3A_1641] : memref<26x16x16384xf32, #tpu.memory_space<hbm>> -> memref<1x1x16384xf32, #tpu.memory_space<hbm>>
    %dma_wait3A_1643 = tpu.memref_squeeze %dma_wait3A_1642 : memref<1x1x16384xf32, #tpu.memory_space<hbm>> -> memref<16384xf32, #tpu.memory_space<hbm>>
    %dma_wait3A_1644 = arith.constant 0 : i32
    %dma_wait3A_1645 = tpu.memref_slice %arg4[%select_n3A_1607, %select_n3A_1623, %dma_wait3A_1644] : memref<26x16x16384xf32, #tpu.memory_space<hbm>> -> memref<1x1x16384xf32, #tpu.memory_space<hbm>>
    %dma_wait3A_1646 = tpu.memref_squeeze %dma_wait3A_1645 : memref<1x1x16384xf32, #tpu.memory_space<hbm>> -> memref<16384xf32, #tpu.memory_space<hbm>>
    %dma_wait3A_1647 = arith.constant 0 : i32
    %dma_wait3A_1648 = tpu.memref_slice %arg6[%dma_wait3A_1637, %dma_wait3A_1647] : memref<2x16384xf32, #tpu.memory_space<vmem>> -> memref<1x16384xf32, #tpu.memory_space<vmem>>
    %dma_wait3A_1649 = tpu.memref_squeeze %dma_wait3A_1648 : memref<1x16384xf32, #tpu.memory_space<vmem>> -> memref<16384xf32, #tpu.memory_space<vmem>>
    tpu.wait_dma2 semaphore(%arg9 : memref<!tpu.dma_semaphore, #tpu.memory_space<semaphore_mem>>) src(%dma_wait3A_1649 : memref<16384xf32, #tpu.memory_space<vmem>>) dst(%dma_wait3A_1646 : memref<16384xf32, #tpu.memory_space<hbm>>)
    %add3A_1650 = arith.constant 12 : i32
    %add3A_1651 = arith.addi %mul3A_2, %add3A_1650 : i32
    %jit3A_1652 = arith.constant 16 : i32
    %div3A_1653 = arith.divsi %add3A_1651, %jit3A_1652 : i32
    %sign3A_1654 = arith.constant 0 : i32
    %sign3A_1655 = arith.cmpi sgt, %add3A_1651, %sign3A_1654 : i32
    %sign3A_1656 = arith.extui %sign3A_1655 : i1 to i32
    %sign3A_1657 = arith.constant 0 : i32
    %sign3A_1658 = arith.cmpi slt, %add3A_1651, %sign3A_1657 : i32
    %sign3A_1659 = arith.extui %sign3A_1658 : i1 to i32
    %sign3A_1660 = arith.subi %sign3A_1656, %sign3A_1659 : i32
    %sign3A_1661 = arith.constant 0 : i32
    %sign3A_1662 = arith.cmpi sgt, %jit3A_1652, %sign3A_1661 : i32
    %sign3A_1663 = arith.extui %sign3A_1662 : i1 to i32
    %sign3A_1664 = arith.constant 0 : i32
    %sign3A_1665 = arith.cmpi slt, %jit3A_1652, %sign3A_1664 : i32
    %sign3A_1666 = arith.extui %sign3A_1665 : i1 to i32
    %sign3A_1667 = arith.subi %sign3A_1663, %sign3A_1666 : i32
    %ne3A_1668 = arith.cmpi ne, %sign3A_1660, %sign3A_1667 : i32
    %rem3A_1669 = arith.remsi %add3A_1651, %jit3A_1652 : i32
    %ne3A_1670 = arith.constant 0 : i32
    %ne3A_1671 = arith.cmpi ne, %rem3A_1669, %ne3A_1670 : i32
    %and3A_1672 = arith.andi %ne3A_1668, %ne3A_1671 : i1
    %sub3A_1673 = arith.constant 1 : i32
    %sub3A_1674 = arith.subi %div3A_1653, %sub3A_1673 : i32
    %select_n3A_1675 = arith.select %and3A_1672, %sub3A_1674, %div3A_1653 : i32
    %jit3A_1676 = arith.constant 16 : i32
    %eq3A_1677 = arith.constant 0 : i32
    %eq3A_1678 = arith.cmpi eq, %jit3A_1676, %eq3A_1677 : i32
    %jit3A_1679 = arith.constant 1 : i32
    %select_n3A_1680 = arith.select %eq3A_1678, %jit3A_1679, %jit3A_1676 : i32
    %rem3A_1681 = arith.remsi %add3A_1651, %select_n3A_1680 : i32
    %ne3A_1682 = arith.constant 0 : i32
    %ne3A_1683 = arith.cmpi ne, %rem3A_1681, %ne3A_1682 : i32
    %lt3A_1684 = arith.constant 0 : i32
    %lt3A_1685 = arith.cmpi slt, %rem3A_1681, %lt3A_1684 : i32
    %lt3A_1686 = arith.constant 0 : i32
    %lt3A_1687 = arith.cmpi slt, %select_n3A_1680, %lt3A_1686 : i32
    %ne3A_1688 = arith.xori %lt3A_1685, %lt3A_1687 : i1
    %and3A_1689 = arith.andi %ne3A_1688, %ne3A_1683 : i1
    %add3A_1690 = arith.addi %rem3A_1681, %select_n3A_1680 : i32
    %select_n3A_1691 = arith.select %and3A_1689, %add3A_1690, %rem3A_1681 : i32
    %mul3A_1692 = arith.constant 16384 : i32
    %mul3A_1693 = arith.muli %select_n3A_1675, %mul3A_1692 : i32
    %run_scoped3A_1694 = arith.constant 0 : i32
    "tpu.region"() ({
      %run_scoped3A_1873 = tpu.sem_alloc : memref<!tpu.dma_semaphore, #tpu.memory_space<semaphore_mem>>
      %dma_start3A_1874 = arith.constant 0 : i32
      %dma_start3A_1875 = tpu.memref_slice %arg5[%run_scoped3A_1694, %dma_start3A_1874] : memref<2x16384xi32, #tpu.memory_space<vmem>> -> memref<1x16384xi32, #tpu.memory_space<vmem>>
      %dma_start3A_1876 = tpu.memref_squeeze %dma_start3A_1875 : memref<1x16384xi32, #tpu.memory_space<vmem>> -> memref<16384xi32, #tpu.memory_space<vmem>>
      %dma_start3A_1877 = tpu.memref_slice %arg2[%mul3A_1693] : memref<425984xi32, #tpu.memory_space<hbm>> -> memref<16384xi32, #tpu.memory_space<hbm>>
      %dma_start3A_1878 = arith.constant 0 : i32
      %dma_start3A_1879 = tpu.memref_slice %arg5[%run_scoped3A_1694, %dma_start3A_1878] : memref<2x16384xi32, #tpu.memory_space<vmem>> -> memref<1x16384xi32, #tpu.memory_space<vmem>>
      %dma_start3A_1880 = tpu.memref_squeeze %dma_start3A_1879 : memref<1x16384xi32, #tpu.memory_space<vmem>> -> memref<16384xi32, #tpu.memory_space<vmem>>
      %dma_start3A_1881 = tpu.memref_slice %arg2[%mul3A_1693] : memref<425984xi32, #tpu.memory_space<hbm>> -> memref<16384xi32, #tpu.memory_space<hbm>>
      tpu.enqueue_dma source(%dma_start3A_1881 : memref<16384xi32, #tpu.memory_space<hbm>>) target(%dma_start3A_1880 : memref<16384xi32, #tpu.memory_space<vmem>>) target_semaphore(%run_scoped3A_1873 : memref<!tpu.dma_semaphore, #tpu.memory_space<semaphore_mem>>)
      %dma_wait3A_1882 = arith.constant 0 : i32
      %dma_wait3A_1883 = tpu.memref_slice %arg5[%run_scoped3A_1694, %dma_wait3A_1882] : memref<2x16384xi32, #tpu.memory_space<vmem>> -> memref<1x16384xi32, #tpu.memory_space<vmem>>
      %dma_wait3A_1884 = tpu.memref_squeeze %dma_wait3A_1883 : memref<1x16384xi32, #tpu.memory_space<vmem>> -> memref<16384xi32, #tpu.memory_space<vmem>>
      %dma_wait3A_1885 = tpu.memref_slice %arg2[%mul3A_1693] : memref<425984xi32, #tpu.memory_space<hbm>> -> memref<16384xi32, #tpu.memory_space<hbm>>
      %dma_wait3A_1886 = arith.constant 0 : i32
      %dma_wait3A_1887 = tpu.memref_slice %arg5[%run_scoped3A_1694, %dma_wait3A_1886] : memref<2x16384xi32, #tpu.memory_space<vmem>> -> memref<1x16384xi32, #tpu.memory_space<vmem>>
      %dma_wait3A_1888 = tpu.memref_squeeze %dma_wait3A_1887 : memref<1x16384xi32, #tpu.memory_space<vmem>> -> memref<16384xi32, #tpu.memory_space<vmem>>
      %dma_wait3A_1889 = tpu.memref_slice %arg2[%mul3A_1693] : memref<425984xi32, #tpu.memory_space<hbm>> -> memref<16384xi32, #tpu.memory_space<hbm>>
      tpu.wait_dma2 semaphore(%run_scoped3A_1873 : memref<!tpu.dma_semaphore, #tpu.memory_space<semaphore_mem>>) src(%dma_wait3A_1889 : memref<16384xi32, #tpu.memory_space<hbm>>) dst(%dma_wait3A_1888 : memref<16384xi32, #tpu.memory_space<vmem>>)
      tpu.yield
    }) : () -> ()
    %mul3A_1695 = arith.constant 38461 : i32
    %mul3A_1696 = arith.muli %select_n3A_1675, %mul3A_1695 : i32
    %mul3A_1697 = arith.constant 1015808 : i32
    %mul3A_1698 = arith.muli %select_n3A_1691, %mul3A_1697 : i32
    %add3A_1699 = arith.addi %mul3A_1696, %mul3A_1698 : i32
    %broadcast_in_dim3A_1700 = vector.broadcast %add3A_1699 : i32 to vector<16xi32>
    %scan3A_1701 = arith.constant 0 : i32
    %scan3A_1702 = arith.constant 0 : i32
    %scan3A_1703 = arith.constant 1024 : i32
    %scan3A_1704 = arith.addi %scan3A_1702, %scan3A_1703 : i32
    %scan3A_1705 = arith.constant 1 : i32
    scf.for %scan3A_1873 = %scan3A_1702 to %scan3A_1704 step %scan3A_1705  : i32 {
      %mul3A_1874 = arith.constant 16 : i32
      %mul3A_1875 = arith.muli %scan3A_1873, %mul3A_1874 : i32
      %get3A = arith.constant 0 : i32
      %get3A_1876 = arith.index_cast %get3A : i32 to index
      %get3A_1877 = arith.index_cast %mul3A_1875 : i32 to index
      %get3A_1878 = tpu.vector_load %arg5[%get3A_1876, %get3A_1877] {strides = array<i32>} : memref<2x16384xi32, #tpu.memory_space<vmem>>, vector<16xi32>,
      %add3A_1879 = arith.addi %get3A_1878, %broadcast_in_dim3A_1700 : vector<16xi32>
      %swap3A = arith.constant 0 : i32
      %swap3A_1880 = arith.index_cast %swap3A : i32 to index
      %swap3A_1881 = arith.index_cast %mul3A_1875 : i32 to index
      %swap3A_1882 = tpu.vector_load %arg5[%swap3A_1880, %swap3A_1881] {strides = array<i32>} : memref<2x16384xi32, #tpu.memory_space<vmem>>, vector<16xi32>,
      tpu.vector_store %arg5[%swap3A_1880, %swap3A_1881], %add3A_1879 {strides = array<i32>} : memref<2x16384xi32, #tpu.memory_space<vmem>>, vector<16xi32>,
    }
    %scan3A_1706 = arith.constant 1024 : i32
    %dma_wait3A_1707 = arith.constant 1 : i32
    %dma_wait3A_1708 = arith.constant 1 : i32
    %dma_wait3A_1709 = arith.constant 0 : i32
    %dma_wait3A_1710 = tpu.memref_slice %arg6[%dma_wait3A_1708, %dma_wait3A_1709] : memref<2x16384xf32, #tpu.memory_space<vmem>> -> memref<1x16384xf32, #tpu.memory_space<vmem>>
    %dma_wait3A_1711 = tpu.memref_squeeze %dma_wait3A_1710 : memref<1x16384xf32, #tpu.memory_space<vmem>> -> memref<16384xf32, #tpu.memory_space<vmem>>
    %dma_wait3A_1712 = arith.constant 0 : i32
    %dma_wait3A_1713 = tpu.memref_slice %arg5[%dma_wait3A_1707, %dma_wait3A_1712] : memref<2x16384xi32, #tpu.memory_space<vmem>> -> memref<1x16384xi32, #tpu.memory_space<vmem>>
    %dma_wait3A_1714 = tpu.memref_squeeze %dma_wait3A_1713 : memref<1x16384xi32, #tpu.memory_space<vmem>> -> memref<16384xi32, #tpu.memory_space<vmem>>
    %dma_wait3A_1715 = arith.constant 0 : i32
    %dma_wait3A_1716 = tpu.memref_slice %arg3[%dma_wait3A_1715] : memref<16252928xf32, #tpu.memory_space<hbm>> -> memref<16252928xf32, #tpu.memory_space<hbm>>
    tpu.wait_indirect_dma semaphore(%arg8 : memref<!tpu.dma_semaphore, #tpu.memory_space<semaphore_mem>>) src(%dma_wait3A_1716 : memref<16252928xf32, #tpu.memory_space<hbm>>) dst(%dma_wait3A_1711 : memref<16384xf32, #tpu.memory_space<vmem>>)
    %dma_start3A_1717 = arith.constant 0 : i32
    %dma_start3A_1718 = arith.constant 0 : i32
    %dma_start3A_1719 = arith.constant 0 : i32
    %dma_start3A_1720 = tpu.memref_slice %arg6[%dma_start3A_1718, %dma_start3A_1719] : memref<2x16384xf32, #tpu.memory_space<vmem>> -> memref<1x16384xf32, #tpu.memory_space<vmem>>
    %dma_start3A_1721 = tpu.memref_squeeze %dma_start3A_1720 : memref<1x16384xf32, #tpu.memory_space<vmem>> -> memref<16384xf32, #tpu.memory_space<vmem>>
    %dma_start3A_1722 = arith.constant 0 : i32
    %dma_start3A_1723 = tpu.memref_slice %arg5[%dma_start3A_1717, %dma_start3A_1722] : memref<2x16384xi32, #tpu.memory_space<vmem>> -> memref<1x16384xi32, #tpu.memory_space<vmem>>
    %dma_start3A_1724 = tpu.memref_squeeze %dma_start3A_1723 : memref<1x16384xi32, #tpu.memory_space<vmem>> -> memref<16384xi32, #tpu.memory_space<vmem>>
    %dma_start3A_1725 = arith.constant 0 : i32
    %dma_start3A_1726 = tpu.memref_slice %arg3[%dma_start3A_1725] : memref<16252928xf32, #tpu.memory_space<hbm>> -> memref<16252928xf32, #tpu.memory_space<hbm>>
    tpu.enqueue_indirect_dma source(%dma_start3A_1726 : memref<16252928xf32, #tpu.memory_space<hbm>>) target(%dma_start3A_1721 : memref<16384xf32, #tpu.memory_space<vmem>>) offsets(%dma_start3A_1724 : memref<16384xi32, #tpu.memory_space<vmem>>) semaphore(%arg7 : memref<!tpu.dma_semaphore, #tpu.memory_space<semaphore_mem>>)
    %add3A_1727 = arith.constant 11 : i32
    %add3A_1728 = arith.addi %mul3A_2, %add3A_1727 : i32
    %jit3A_1729 = arith.constant 16 : i32
    %div3A_1730 = arith.divsi %add3A_1728, %jit3A_1729 : i32
    %sign3A_1731 = arith.constant 0 : i32
    %sign3A_1732 = arith.cmpi sgt, %add3A_1728, %sign3A_1731 : i32
    %sign3A_1733 = arith.extui %sign3A_1732 : i1 to i32
    %sign3A_1734 = arith.constant 0 : i32
    %sign3A_1735 = arith.cmpi slt, %add3A_1728, %sign3A_1734 : i32
    %sign3A_1736 = arith.extui %sign3A_1735 : i1 to i32
    %sign3A_1737 = arith.subi %sign3A_1733, %sign3A_1736 : i32
    %sign3A_1738 = arith.constant 0 : i32
    %sign3A_1739 = arith.cmpi sgt, %jit3A_1729, %sign3A_1738 : i32
    %sign3A_1740 = arith.extui %sign3A_1739 : i1 to i32
    %sign3A_1741 = arith.constant 0 : i32
    %sign3A_1742 = arith.cmpi slt, %jit3A_1729, %sign3A_1741 : i32
    %sign3A_1743 = arith.extui %sign3A_1742 : i1 to i32
    %sign3A_1744 = arith.subi %sign3A_1740, %sign3A_1743 : i32
    %ne3A_1745 = arith.cmpi ne, %sign3A_1737, %sign3A_1744 : i32
    %rem3A_1746 = arith.remsi %add3A_1728, %jit3A_1729 : i32
    %ne3A_1747 = arith.constant 0 : i32
    %ne3A_1748 = arith.cmpi ne, %rem3A_1746, %ne3A_1747 : i32
    %and3A_1749 = arith.andi %ne3A_1745, %ne3A_1748 : i1
    %sub3A_1750 = arith.constant 1 : i32
    %sub3A_1751 = arith.subi %div3A_1730, %sub3A_1750 : i32
    %select_n3A_1752 = arith.select %and3A_1749, %sub3A_1751, %div3A_1730 : i32
    %jit3A_1753 = arith.constant 16 : i32
    %eq3A_1754 = arith.constant 0 : i32
    %eq3A_1755 = arith.cmpi eq, %jit3A_1753, %eq3A_1754 : i32
    %jit3A_1756 = arith.constant 1 : i32
    %select_n3A_1757 = arith.select %eq3A_1755, %jit3A_1756, %jit3A_1753 : i32
    %rem3A_1758 = arith.remsi %add3A_1728, %select_n3A_1757 : i32
    %ne3A_1759 = arith.constant 0 : i32
    %ne3A_1760 = arith.cmpi ne, %rem3A_1758, %ne3A_1759 : i32
    %lt3A_1761 = arith.constant 0 : i32
    %lt3A_1762 = arith.cmpi slt, %rem3A_1758, %lt3A_1761 : i32
    %lt3A_1763 = arith.constant 0 : i32
    %lt3A_1764 = arith.cmpi slt, %select_n3A_1757, %lt3A_1763 : i32
    %ne3A_1765 = arith.xori %lt3A_1762, %lt3A_1764 : i1
    %and3A_1766 = arith.andi %ne3A_1765, %ne3A_1760 : i1
    %add3A_1767 = arith.addi %rem3A_1758, %select_n3A_1757 : i32
    %select_n3A_1768 = arith.select %and3A_1766, %add3A_1767, %rem3A_1758 : i32
    %dma_start3A_1769 = arith.constant 1 : i32
    %dma_start3A_1770 = arith.constant 0 : i32
    %dma_start3A_1771 = tpu.memref_slice %arg6[%dma_start3A_1769, %dma_start3A_1770] : memref<2x16384xf32, #tpu.memory_space<vmem>> -> memref<1x16384xf32, #tpu.memory_space<vmem>>
    %dma_start3A_1772 = tpu.memref_squeeze %dma_start3A_1771 : memref<1x16384xf32, #tpu.memory_space<vmem>> -> memref<16384xf32, #tpu.memory_space<vmem>>
    %dma_start3A_1773 = arith.constant 0 : i32
    %dma_start3A_1774 = tpu.memref_slice %arg4[%select_n3A_1752, %select_n3A_1768, %dma_start3A_1773] : memref<26x16x16384xf32, #tpu.memory_space<hbm>> -> memref<1x1x16384xf32, #tpu.memory_space<hbm>>
    %dma_start3A_1775 = tpu.memref_squeeze %dma_start3A_1774 : memref<1x1x16384xf32, #tpu.memory_space<hbm>> -> memref<16384xf32, #tpu.memory_space<hbm>>
    %dma_start3A_1776 = arith.constant 0 : i32
    %dma_start3A_1777 = tpu.memref_slice %arg4[%select_n3A_1752, %select_n3A_1768, %dma_start3A_1776] : memref<26x16x16384xf32, #tpu.memory_space<hbm>> -> memref<1x1x16384xf32, #tpu.memory_space<hbm>>
    %dma_start3A_1778 = tpu.memref_squeeze %dma_start3A_1777 : memref<1x1x16384xf32, #tpu.memory_space<hbm>> -> memref<16384xf32, #tpu.memory_space<hbm>>
    %dma_start3A_1779 = arith.constant 0 : i32
    %dma_start3A_1780 = tpu.memref_slice %arg6[%dma_start3A_1769, %dma_start3A_1779] : memref<2x16384xf32, #tpu.memory_space<vmem>> -> memref<1x16384xf32, #tpu.memory_space<vmem>>
    %dma_start3A_1781 = tpu.memref_squeeze %dma_start3A_1780 : memref<1x16384xf32, #tpu.memory_space<vmem>> -> memref<16384xf32, #tpu.memory_space<vmem>>
    tpu.enqueue_dma source(%dma_start3A_1781 : memref<16384xf32, #tpu.memory_space<vmem>>) target(%dma_start3A_1778 : memref<16384xf32, #tpu.memory_space<hbm>>) target_semaphore(%arg10 : memref<!tpu.dma_semaphore, #tpu.memory_space<semaphore_mem>>)
    %dma_wait3A_1782 = arith.constant 0 : i32
    %dma_wait3A_1783 = arith.constant 0 : i32
    %dma_wait3A_1784 = arith.constant 0 : i32
    %dma_wait3A_1785 = tpu.memref_slice %arg6[%dma_wait3A_1783, %dma_wait3A_1784] : memref<2x16384xf32, #tpu.memory_space<vmem>> -> memref<1x16384xf32, #tpu.memory_space<vmem>>
    %dma_wait3A_1786 = tpu.memref_squeeze %dma_wait3A_1785 : memref<1x16384xf32, #tpu.memory_space<vmem>> -> memref<16384xf32, #tpu.memory_space<vmem>>
    %dma_wait3A_1787 = arith.constant 0 : i32
    %dma_wait3A_1788 = tpu.memref_slice %arg5[%dma_wait3A_1782, %dma_wait3A_1787] : memref<2x16384xi32, #tpu.memory_space<vmem>> -> memref<1x16384xi32, #tpu.memory_space<vmem>>
    %dma_wait3A_1789 = tpu.memref_squeeze %dma_wait3A_1788 : memref<1x16384xi32, #tpu.memory_space<vmem>> -> memref<16384xi32, #tpu.memory_space<vmem>>
    %dma_wait3A_1790 = arith.constant 0 : i32
    %dma_wait3A_1791 = tpu.memref_slice %arg3[%dma_wait3A_1790] : memref<16252928xf32, #tpu.memory_space<hbm>> -> memref<16252928xf32, #tpu.memory_space<hbm>>
    tpu.wait_indirect_dma semaphore(%arg7 : memref<!tpu.dma_semaphore, #tpu.memory_space<semaphore_mem>>) src(%dma_wait3A_1791 : memref<16252928xf32, #tpu.memory_space<hbm>>) dst(%dma_wait3A_1786 : memref<16384xf32, #tpu.memory_space<vmem>>)
    %add3A_1792 = arith.constant 12 : i32
    %add3A_1793 = arith.addi %mul3A_2, %add3A_1792 : i32
    %jit3A_1794 = arith.constant 16 : i32
    %div3A_1795 = arith.divsi %add3A_1793, %jit3A_1794 : i32
    %sign3A_1796 = arith.constant 0 : i32
    %sign3A_1797 = arith.cmpi sgt, %add3A_1793, %sign3A_1796 : i32
    %sign3A_1798 = arith.extui %sign3A_1797 : i1 to i32
    %sign3A_1799 = arith.constant 0 : i32
    %sign3A_1800 = arith.cmpi slt, %add3A_1793, %sign3A_1799 : i32
    %sign3A_1801 = arith.extui %sign3A_1800 : i1 to i32
    %sign3A_1802 = arith.subi %sign3A_1798, %sign3A_1801 : i32
    %sign3A_1803 = arith.constant 0 : i32
    %sign3A_1804 = arith.cmpi sgt, %jit3A_1794, %sign3A_1803 : i32
    %sign3A_1805 = arith.extui %sign3A_1804 : i1 to i32
    %sign3A_1806 = arith.constant 0 : i32
    %sign3A_1807 = arith.cmpi slt, %jit3A_1794, %sign3A_1806 : i32
    %sign3A_1808 = arith.extui %sign3A_1807 : i1 to i32
    %sign3A_1809 = arith.subi %sign3A_1805, %sign3A_1808 : i32
    %ne3A_1810 = arith.cmpi ne, %sign3A_1802, %sign3A_1809 : i32
    %rem3A_1811 = arith.remsi %add3A_1793, %jit3A_1794 : i32
    %ne3A_1812 = arith.constant 0 : i32
    %ne3A_1813 = arith.cmpi ne, %rem3A_1811, %ne3A_1812 : i32
    %and3A_1814 = arith.andi %ne3A_1810, %ne3A_1813 : i1
    %sub3A_1815 = arith.constant 1 : i32
    %sub3A_1816 = arith.subi %div3A_1795, %sub3A_1815 : i32
    %select_n3A_1817 = arith.select %and3A_1814, %sub3A_1816, %div3A_1795 : i32
    %jit3A_1818 = arith.constant 16 : i32
    %eq3A_1819 = arith.constant 0 : i32
    %eq3A_1820 = arith.cmpi eq, %jit3A_1818, %eq3A_1819 : i32
    %jit3A_1821 = arith.constant 1 : i32
    %select_n3A_1822 = arith.select %eq3A_1820, %jit3A_1821, %jit3A_1818 : i32
    %rem3A_1823 = arith.remsi %add3A_1793, %select_n3A_1822 : i32
    %ne3A_1824 = arith.constant 0 : i32
    %ne3A_1825 = arith.cmpi ne, %rem3A_1823, %ne3A_1824 : i32
    %lt3A_1826 = arith.constant 0 : i32
    %lt3A_1827 = arith.cmpi slt, %rem3A_1823, %lt3A_1826 : i32
    %lt3A_1828 = arith.constant 0 : i32
    %lt3A_1829 = arith.cmpi slt, %select_n3A_1822, %lt3A_1828 : i32
    %ne3A_1830 = arith.xori %lt3A_1827, %lt3A_1829 : i1
    %and3A_1831 = arith.andi %ne3A_1830, %ne3A_1825 : i1
    %add3A_1832 = arith.addi %rem3A_1823, %select_n3A_1822 : i32
    %select_n3A_1833 = arith.select %and3A_1831, %add3A_1832, %rem3A_1823 : i32
    %dma_start3A_1834 = arith.constant 0 : i32
    %dma_start3A_1835 = arith.constant 0 : i32
    %dma_start3A_1836 = tpu.memref_slice %arg6[%dma_start3A_1834, %dma_start3A_1835] : memref<2x16384xf32, #tpu.memory_space<vmem>> -> memref<1x16384xf32, #tpu.memory_space<vmem>>
    %dma_start3A_1837 = tpu.memref_squeeze %dma_start3A_1836 : memref<1x16384xf32, #tpu.memory_space<vmem>> -> memref<16384xf32, #tpu.memory_space<vmem>>
    %dma_start3A_1838 = arith.constant 0 : i32
    %dma_start3A_1839 = tpu.memref_slice %arg4[%select_n3A_1817, %select_n3A_1833, %dma_start3A_1838] : memref<26x16x16384xf32, #tpu.memory_space<hbm>> -> memref<1x1x16384xf32, #tpu.memory_space<hbm>>
    %dma_start3A_1840 = tpu.memref_squeeze %dma_start3A_1839 : memref<1x1x16384xf32, #tpu.memory_space<hbm>> -> memref<16384xf32, #tpu.memory_space<hbm>>
    %dma_start3A_1841 = arith.constant 0 : i32
    %dma_start3A_1842 = tpu.memref_slice %arg4[%select_n3A_1817, %select_n3A_1833, %dma_start3A_1841] : memref<26x16x16384xf32, #tpu.memory_space<hbm>> -> memref<1x1x16384xf32, #tpu.memory_space<hbm>>
    %dma_start3A_1843 = tpu.memref_squeeze %dma_start3A_1842 : memref<1x1x16384xf32, #tpu.memory_space<hbm>> -> memref<16384xf32, #tpu.memory_space<hbm>>
    %dma_start3A_1844 = arith.constant 0 : i32
    %dma_start3A_1845 = tpu.memref_slice %arg6[%dma_start3A_1834, %dma_start3A_1844] : memref<2x16384xf32, #tpu.memory_space<vmem>> -> memref<1x16384xf32, #tpu.memory_space<vmem>>
    %dma_start3A_1846 = tpu.memref_squeeze %dma_start3A_1845 : memref<1x16384xf32, #tpu.memory_space<vmem>> -> memref<16384xf32, #tpu.memory_space<vmem>>
    tpu.enqueue_dma source(%dma_start3A_1846 : memref<16384xf32, #tpu.memory_space<vmem>>) target(%dma_start3A_1843 : memref<16384xf32, #tpu.memory_space<hbm>>) target_semaphore(%arg9 : memref<!tpu.dma_semaphore, #tpu.memory_space<semaphore_mem>>)
    %dma_wait3A_1847 = arith.constant 1 : i32
    %dma_wait3A_1848 = arith.constant 0 : i32
    %dma_wait3A_1849 = tpu.memref_slice %arg6[%dma_wait3A_1847, %dma_wait3A_1848] : memref<2x16384xf32, #tpu.memory_space<vmem>> -> memref<1x16384xf32, #tpu.memory_space<vmem>>
    %dma_wait3A_1850 = tpu.memref_squeeze %dma_wait3A_1849 : memref<1x16384xf32, #tpu.memory_space<vmem>> -> memref<16384xf32, #tpu.memory_space<vmem>>
    %dma_wait3A_1851 = arith.constant 0 : i32
    %dma_wait3A_1852 = tpu.memref_slice %arg4[%select_n3A_1752, %select_n3A_1768, %dma_wait3A_1851] : memref<26x16x16384xf32, #tpu.memory_space<hbm>> -> memref<1x1x16384xf32, #tpu.memory_space<hbm>>
    %dma_wait3A_1853 = tpu.memref_squeeze %dma_wait3A_1852 : memref<1x1x16384xf32, #tpu.memory_space<hbm>> -> memref<16384xf32, #tpu.memory_space<hbm>>
    %dma_wait3A_1854 = arith.constant 0 : i32
    %dma_wait3A_1855 = tpu.memref_slice %arg4[%select_n3A_1752, %select_n3A_1768, %dma_wait3A_1854] : memref<26x16x16384xf32, #tpu.memory_space<hbm>> -> memref<1x1x16384xf32, #tpu.memory_space<hbm>>
    %dma_wait3A_1856 = tpu.memref_squeeze %dma_wait3A_1855 : memref<1x1x16384xf32, #tpu.memory_space<hbm>> -> memref<16384xf32, #tpu.memory_space<hbm>>
    %dma_wait3A_1857 = arith.constant 0 : i32
    %dma_wait3A_1858 = tpu.memref_slice %arg6[%dma_wait3A_1847, %dma_wait3A_1857] : memref<2x16384xf32, #tpu.memory_space<vmem>> -> memref<1x16384xf32, #tpu.memory_space<vmem>>
    %dma_wait3A_1859 = tpu.memref_squeeze %dma_wait3A_1858 : memref<1x16384xf32, #tpu.memory_space<vmem>> -> memref<16384xf32, #tpu.memory_space<vmem>>
    tpu.wait_dma2 semaphore(%arg10 : memref<!tpu.dma_semaphore, #tpu.memory_space<semaphore_mem>>) src(%dma_wait3A_1859 : memref<16384xf32, #tpu.memory_space<vmem>>) dst(%dma_wait3A_1856 : memref<16384xf32, #tpu.memory_space<hbm>>)
    %dma_wait3A_1860 = arith.constant 0 : i32
    %dma_wait3A_1861 = arith.constant 0 : i32
    %dma_wait3A_1862 = tpu.memref_slice %arg6[%dma_wait3A_1860, %dma_wait3A_1861] : memref<2x16384xf32, #tpu.memory_space<vmem>> -> memref<1x16384xf32, #tpu.memory_space<vmem>>
    %dma_wait3A_1863 = tpu.memref_squeeze %dma_wait3A_1862 : memref<1x16384xf32, #tpu.memory_space<vmem>> -> memref<16384xf32, #tpu.memory_space<vmem>>
    %dma_wait3A_1864 = arith.constant 0 : i32
    %dma_wait3A_1865 = tpu.memref_slice %arg4[%select_n3A_1817, %select_n3A_1833, %dma_wait3A_1864] : memref<26x16x16384xf32, #tpu.memory_space<hbm>> -> memref<1x1x16384xf32, #tpu.memory_space<hbm>>
    %dma_wait3A_1866 = tpu.memref_squeeze %dma_wait3A_1865 : memref<1x1x16384xf32, #tpu.memory_space<hbm>> -> memref<16384xf32, #tpu.memory_space<hbm>>
    %dma_wait3A_1867 = arith.constant 0 : i32
    %dma_wait3A_1868 = tpu.memref_slice %arg4[%select_n3A_1817, %select_n3A_1833, %dma_wait3A_1867] : memref<26x16x16384xf32, #tpu.memory_space<hbm>> -> memref<1x1x16384xf32, #tpu.memory_space<hbm>>
    %dma_wait3A_1869 = tpu.memref_squeeze %dma_wait3A_1868 : memref<1x1x16384xf32, #tpu.memory_space<hbm>> -> memref<16384xf32, #tpu.memory_space<hbm>>
    %dma_wait3A_1870 = arith.constant 0 : i32
    %dma_wait3A_1871 = tpu.memref_slice %arg6[%dma_wait3A_1860, %dma_wait3A_1870] : memref<2x16384xf32, #tpu.memory_space<vmem>> -> memref<1x16384xf32, #tpu.memory_space<vmem>>
    %dma_wait3A_1872 = tpu.memref_squeeze %dma_wait3A_1871 : memref<1x16384xf32, #tpu.memory_space<vmem>> -> memref<16384xf32, #tpu.memory_space<vmem>>
    tpu.wait_dma2 semaphore(%arg9 : memref<!tpu.dma_semaphore, #tpu.memory_space<semaphore_mem>>) src(%dma_wait3A_1872 : memref<16384xf32, #tpu.memory_space<vmem>>) dst(%dma_wait3A_1869 : memref<16384xf32, #tpu.memory_space<hbm>>)
    return
  }
}

module attributes {stable_mosaic.version = 14 : i64} {
  func.func @_detile_body(%arg0: i32, %arg1: i32, %arg2: memref<8x16384xf32, #tpu.memory_space<vmem>>, %arg3: memref<16252928xf32, #tpu.memory_space<hbm>>, %arg4: memref<!tpu.dma_semaphore, #tpu.memory_space<semaphore_mem>>) attributes {dimension_semantics = [#tpu.dimension_semantics<arbitrary>, #tpu.dimension_semantics<arbitrary>], iteration_bounds = array<i64: 2, 62>, scalar_prefetch = 0 : i64, scratch_operands = 1 : i64, tpu.core_type = #tpu.core_type<tc>, window_params = [{transform_indices = @transform_0, window_bounds = array<i64: 8, 16384>}, {}]} {
    %mul3A = arith.constant 8 : i32
    %mul3A_0 = arith.muli %arg0, %mul3A : i32
    %add3A = arith.constant 0 : i32
    %add3A_1 = arith.addi %mul3A_0, %add3A : i32
    %mul3A_2 = arith.constant 1015808 : i32
    %mul3A_3 = arith.muli %add3A_1, %mul3A_2 : i32
    %mul3A_4 = arith.constant 16384 : i32
    %mul3A_5 = arith.muli %arg1, %mul3A_4 : i32
    %add3A_6 = arith.addi %mul3A_3, %mul3A_5 : i32
    %mul3A_7 = arith.constant 8 : i32
    %mul3A_8 = arith.muli %arg0, %mul3A_7 : i32
    %add3A_9 = arith.constant 1 : i32
    %add3A_10 = arith.addi %mul3A_8, %add3A_9 : i32
    %mul3A_11 = arith.constant 1015808 : i32
    %mul3A_12 = arith.muli %add3A_10, %mul3A_11 : i32
    %mul3A_13 = arith.constant 16384 : i32
    %mul3A_14 = arith.muli %arg1, %mul3A_13 : i32
    %add3A_15 = arith.addi %mul3A_12, %mul3A_14 : i32
    %mul3A_16 = arith.constant 8 : i32
    %mul3A_17 = arith.muli %arg0, %mul3A_16 : i32
    %add3A_18 = arith.constant 2 : i32
    %add3A_19 = arith.addi %mul3A_17, %add3A_18 : i32
    %mul3A_20 = arith.constant 1015808 : i32
    %mul3A_21 = arith.muli %add3A_19, %mul3A_20 : i32
    %mul3A_22 = arith.constant 16384 : i32
    %mul3A_23 = arith.muli %arg1, %mul3A_22 : i32
    %add3A_24 = arith.addi %mul3A_21, %mul3A_23 : i32
    %mul3A_25 = arith.constant 8 : i32
    %mul3A_26 = arith.muli %arg0, %mul3A_25 : i32
    %add3A_27 = arith.constant 3 : i32
    %add3A_28 = arith.addi %mul3A_26, %add3A_27 : i32
    %mul3A_29 = arith.constant 1015808 : i32
    %mul3A_30 = arith.muli %add3A_28, %mul3A_29 : i32
    %mul3A_31 = arith.constant 16384 : i32
    %mul3A_32 = arith.muli %arg1, %mul3A_31 : i32
    %add3A_33 = arith.addi %mul3A_30, %mul3A_32 : i32
    %mul3A_34 = arith.constant 8 : i32
    %mul3A_35 = arith.muli %arg0, %mul3A_34 : i32
    %add3A_36 = arith.constant 4 : i32
    %add3A_37 = arith.addi %mul3A_35, %add3A_36 : i32
    %mul3A_38 = arith.constant 1015808 : i32
    %mul3A_39 = arith.muli %add3A_37, %mul3A_38 : i32
    %mul3A_40 = arith.constant 16384 : i32
    %mul3A_41 = arith.muli %arg1, %mul3A_40 : i32
    %add3A_42 = arith.addi %mul3A_39, %mul3A_41 : i32
    %mul3A_43 = arith.constant 8 : i32
    %mul3A_44 = arith.muli %arg0, %mul3A_43 : i32
    %add3A_45 = arith.constant 5 : i32
    %add3A_46 = arith.addi %mul3A_44, %add3A_45 : i32
    %mul3A_47 = arith.constant 1015808 : i32
    %mul3A_48 = arith.muli %add3A_46, %mul3A_47 : i32
    %mul3A_49 = arith.constant 16384 : i32
    %mul3A_50 = arith.muli %arg1, %mul3A_49 : i32
    %add3A_51 = arith.addi %mul3A_48, %mul3A_50 : i32
    %mul3A_52 = arith.constant 8 : i32
    %mul3A_53 = arith.muli %arg0, %mul3A_52 : i32
    %add3A_54 = arith.constant 6 : i32
    %add3A_55 = arith.addi %mul3A_53, %add3A_54 : i32
    %mul3A_56 = arith.constant 1015808 : i32
    %mul3A_57 = arith.muli %add3A_55, %mul3A_56 : i32
    %mul3A_58 = arith.constant 16384 : i32
    %mul3A_59 = arith.muli %arg1, %mul3A_58 : i32
    %add3A_60 = arith.addi %mul3A_57, %mul3A_59 : i32
    %mul3A_61 = arith.constant 8 : i32
    %mul3A_62 = arith.muli %arg0, %mul3A_61 : i32
    %add3A_63 = arith.constant 7 : i32
    %add3A_64 = arith.addi %mul3A_62, %add3A_63 : i32
    %mul3A_65 = arith.constant 1015808 : i32
    %mul3A_66 = arith.muli %add3A_64, %mul3A_65 : i32
    %mul3A_67 = arith.constant 16384 : i32
    %mul3A_68 = arith.muli %arg1, %mul3A_67 : i32
    %add3A_69 = arith.addi %mul3A_66, %mul3A_68 : i32
    %dma_start3A = arith.constant 0 : i32
    %dma_start3A_70 = tpu.memref_slice %arg3[%add3A_6] : memref<16252928xf32, #tpu.memory_space<hbm>> -> memref<16384xf32, #tpu.memory_space<hbm>>
    %dma_start3A_71 = arith.constant 0 : i32
    %dma_start3A_72 = tpu.memref_slice %arg2[%dma_start3A, %dma_start3A_71] : memref<8x16384xf32, #tpu.memory_space<vmem>> -> memref<1x16384xf32, #tpu.memory_space<vmem>>
    %dma_start3A_73 = tpu.memref_squeeze %dma_start3A_72 : memref<1x16384xf32, #tpu.memory_space<vmem>> -> memref<16384xf32, #tpu.memory_space<vmem>>
    tpu.enqueue_dma source(%dma_start3A_73 : memref<16384xf32, #tpu.memory_space<vmem>>) target(%dma_start3A_70 : memref<16384xf32, #tpu.memory_space<hbm>>) target_semaphore(%arg4 : memref<!tpu.dma_semaphore, #tpu.memory_space<semaphore_mem>>)
    %dma_start3A_74 = arith.constant 1 : i32
    %dma_start3A_75 = tpu.memref_slice %arg3[%add3A_15] : memref<16252928xf32, #tpu.memory_space<hbm>> -> memref<16384xf32, #tpu.memory_space<hbm>>
    %dma_start3A_76 = arith.constant 0 : i32
    %dma_start3A_77 = tpu.memref_slice %arg2[%dma_start3A_74, %dma_start3A_76] : memref<8x16384xf32, #tpu.memory_space<vmem>> -> memref<1x16384xf32, #tpu.memory_space<vmem>>
    %dma_start3A_78 = tpu.memref_squeeze %dma_start3A_77 : memref<1x16384xf32, #tpu.memory_space<vmem>> -> memref<16384xf32, #tpu.memory_space<vmem>>
    tpu.enqueue_dma source(%dma_start3A_78 : memref<16384xf32, #tpu.memory_space<vmem>>) target(%dma_start3A_75 : memref<16384xf32, #tpu.memory_space<hbm>>) target_semaphore(%arg4 : memref<!tpu.dma_semaphore, #tpu.memory_space<semaphore_mem>>)
    %dma_start3A_79 = arith.constant 2 : i32
    %dma_start3A_80 = tpu.memref_slice %arg3[%add3A_24] : memref<16252928xf32, #tpu.memory_space<hbm>> -> memref<16384xf32, #tpu.memory_space<hbm>>
    %dma_start3A_81 = arith.constant 0 : i32
    %dma_start3A_82 = tpu.memref_slice %arg2[%dma_start3A_79, %dma_start3A_81] : memref<8x16384xf32, #tpu.memory_space<vmem>> -> memref<1x16384xf32, #tpu.memory_space<vmem>>
    %dma_start3A_83 = tpu.memref_squeeze %dma_start3A_82 : memref<1x16384xf32, #tpu.memory_space<vmem>> -> memref<16384xf32, #tpu.memory_space<vmem>>
    tpu.enqueue_dma source(%dma_start3A_83 : memref<16384xf32, #tpu.memory_space<vmem>>) target(%dma_start3A_80 : memref<16384xf32, #tpu.memory_space<hbm>>) target_semaphore(%arg4 : memref<!tpu.dma_semaphore, #tpu.memory_space<semaphore_mem>>)
    %dma_start3A_84 = arith.constant 3 : i32
    %dma_start3A_85 = tpu.memref_slice %arg3[%add3A_33] : memref<16252928xf32, #tpu.memory_space<hbm>> -> memref<16384xf32, #tpu.memory_space<hbm>>
    %dma_start3A_86 = arith.constant 0 : i32
    %dma_start3A_87 = tpu.memref_slice %arg2[%dma_start3A_84, %dma_start3A_86] : memref<8x16384xf32, #tpu.memory_space<vmem>> -> memref<1x16384xf32, #tpu.memory_space<vmem>>
    %dma_start3A_88 = tpu.memref_squeeze %dma_start3A_87 : memref<1x16384xf32, #tpu.memory_space<vmem>> -> memref<16384xf32, #tpu.memory_space<vmem>>
    tpu.enqueue_dma source(%dma_start3A_88 : memref<16384xf32, #tpu.memory_space<vmem>>) target(%dma_start3A_85 : memref<16384xf32, #tpu.memory_space<hbm>>) target_semaphore(%arg4 : memref<!tpu.dma_semaphore, #tpu.memory_space<semaphore_mem>>)
    %dma_start3A_89 = arith.constant 4 : i32
    %dma_start3A_90 = tpu.memref_slice %arg3[%add3A_42] : memref<16252928xf32, #tpu.memory_space<hbm>> -> memref<16384xf32, #tpu.memory_space<hbm>>
    %dma_start3A_91 = arith.constant 0 : i32
    %dma_start3A_92 = tpu.memref_slice %arg2[%dma_start3A_89, %dma_start3A_91] : memref<8x16384xf32, #tpu.memory_space<vmem>> -> memref<1x16384xf32, #tpu.memory_space<vmem>>
    %dma_start3A_93 = tpu.memref_squeeze %dma_start3A_92 : memref<1x16384xf32, #tpu.memory_space<vmem>> -> memref<16384xf32, #tpu.memory_space<vmem>>
    tpu.enqueue_dma source(%dma_start3A_93 : memref<16384xf32, #tpu.memory_space<vmem>>) target(%dma_start3A_90 : memref<16384xf32, #tpu.memory_space<hbm>>) target_semaphore(%arg4 : memref<!tpu.dma_semaphore, #tpu.memory_space<semaphore_mem>>)
    %dma_start3A_94 = arith.constant 5 : i32
    %dma_start3A_95 = tpu.memref_slice %arg3[%add3A_51] : memref<16252928xf32, #tpu.memory_space<hbm>> -> memref<16384xf32, #tpu.memory_space<hbm>>
    %dma_start3A_96 = arith.constant 0 : i32
    %dma_start3A_97 = tpu.memref_slice %arg2[%dma_start3A_94, %dma_start3A_96] : memref<8x16384xf32, #tpu.memory_space<vmem>> -> memref<1x16384xf32, #tpu.memory_space<vmem>>
    %dma_start3A_98 = tpu.memref_squeeze %dma_start3A_97 : memref<1x16384xf32, #tpu.memory_space<vmem>> -> memref<16384xf32, #tpu.memory_space<vmem>>
    tpu.enqueue_dma source(%dma_start3A_98 : memref<16384xf32, #tpu.memory_space<vmem>>) target(%dma_start3A_95 : memref<16384xf32, #tpu.memory_space<hbm>>) target_semaphore(%arg4 : memref<!tpu.dma_semaphore, #tpu.memory_space<semaphore_mem>>)
    %dma_start3A_99 = arith.constant 6 : i32
    %dma_start3A_100 = tpu.memref_slice %arg3[%add3A_60] : memref<16252928xf32, #tpu.memory_space<hbm>> -> memref<16384xf32, #tpu.memory_space<hbm>>
    %dma_start3A_101 = arith.constant 0 : i32
    %dma_start3A_102 = tpu.memref_slice %arg2[%dma_start3A_99, %dma_start3A_101] : memref<8x16384xf32, #tpu.memory_space<vmem>> -> memref<1x16384xf32, #tpu.memory_space<vmem>>
    %dma_start3A_103 = tpu.memref_squeeze %dma_start3A_102 : memref<1x16384xf32, #tpu.memory_space<vmem>> -> memref<16384xf32, #tpu.memory_space<vmem>>
    tpu.enqueue_dma source(%dma_start3A_103 : memref<16384xf32, #tpu.memory_space<vmem>>) target(%dma_start3A_100 : memref<16384xf32, #tpu.memory_space<hbm>>) target_semaphore(%arg4 : memref<!tpu.dma_semaphore, #tpu.memory_space<semaphore_mem>>)
    %dma_start3A_104 = arith.constant 7 : i32
    %dma_start3A_105 = tpu.memref_slice %arg3[%add3A_69] : memref<16252928xf32, #tpu.memory_space<hbm>> -> memref<16384xf32, #tpu.memory_space<hbm>>
    %dma_start3A_106 = arith.constant 0 : i32
    %dma_start3A_107 = tpu.memref_slice %arg2[%dma_start3A_104, %dma_start3A_106] : memref<8x16384xf32, #tpu.memory_space<vmem>> -> memref<1x16384xf32, #tpu.memory_space<vmem>>
    %dma_start3A_108 = tpu.memref_squeeze %dma_start3A_107 : memref<1x16384xf32, #tpu.memory_space<vmem>> -> memref<16384xf32, #tpu.memory_space<vmem>>
    tpu.enqueue_dma source(%dma_start3A_108 : memref<16384xf32, #tpu.memory_space<vmem>>) target(%dma_start3A_105 : memref<16384xf32, #tpu.memory_space<hbm>>) target_semaphore(%arg4 : memref<!tpu.dma_semaphore, #tpu.memory_space<semaphore_mem>>)
    %dma_wait3A = arith.constant 0 : i32
    %dma_wait3A_109 = tpu.memref_slice %arg3[%add3A_6] : memref<16252928xf32, #tpu.memory_space<hbm>> -> memref<16384xf32, #tpu.memory_space<hbm>>
    %dma_wait3A_110 = arith.constant 0 : i32
    %dma_wait3A_111 = tpu.memref_slice %arg2[%dma_wait3A, %dma_wait3A_110] : memref<8x16384xf32, #tpu.memory_space<vmem>> -> memref<1x16384xf32, #tpu.memory_space<vmem>>
    %dma_wait3A_112 = tpu.memref_squeeze %dma_wait3A_111 : memref<1x16384xf32, #tpu.memory_space<vmem>> -> memref<16384xf32, #tpu.memory_space<vmem>>
    tpu.wait_dma2 semaphore(%arg4 : memref<!tpu.dma_semaphore, #tpu.memory_space<semaphore_mem>>) src(%dma_wait3A_112 : memref<16384xf32, #tpu.memory_space<vmem>>) dst(%dma_wait3A_109 : memref<16384xf32, #tpu.memory_space<hbm>>)
    %dma_wait3A_113 = arith.constant 1 : i32
    %dma_wait3A_114 = tpu.memref_slice %arg3[%add3A_15] : memref<16252928xf32, #tpu.memory_space<hbm>> -> memref<16384xf32, #tpu.memory_space<hbm>>
    %dma_wait3A_115 = arith.constant 0 : i32
    %dma_wait3A_116 = tpu.memref_slice %arg2[%dma_wait3A_113, %dma_wait3A_115] : memref<8x16384xf32, #tpu.memory_space<vmem>> -> memref<1x16384xf32, #tpu.memory_space<vmem>>
    %dma_wait3A_117 = tpu.memref_squeeze %dma_wait3A_116 : memref<1x16384xf32, #tpu.memory_space<vmem>> -> memref<16384xf32, #tpu.memory_space<vmem>>
    tpu.wait_dma2 semaphore(%arg4 : memref<!tpu.dma_semaphore, #tpu.memory_space<semaphore_mem>>) src(%dma_wait3A_117 : memref<16384xf32, #tpu.memory_space<vmem>>) dst(%dma_wait3A_114 : memref<16384xf32, #tpu.memory_space<hbm>>)
    %dma_wait3A_118 = arith.constant 2 : i32
    %dma_wait3A_119 = tpu.memref_slice %arg3[%add3A_24] : memref<16252928xf32, #tpu.memory_space<hbm>> -> memref<16384xf32, #tpu.memory_space<hbm>>
    %dma_wait3A_120 = arith.constant 0 : i32
    %dma_wait3A_121 = tpu.memref_slice %arg2[%dma_wait3A_118, %dma_wait3A_120] : memref<8x16384xf32, #tpu.memory_space<vmem>> -> memref<1x16384xf32, #tpu.memory_space<vmem>>
    %dma_wait3A_122 = tpu.memref_squeeze %dma_wait3A_121 : memref<1x16384xf32, #tpu.memory_space<vmem>> -> memref<16384xf32, #tpu.memory_space<vmem>>
    tpu.wait_dma2 semaphore(%arg4 : memref<!tpu.dma_semaphore, #tpu.memory_space<semaphore_mem>>) src(%dma_wait3A_122 : memref<16384xf32, #tpu.memory_space<vmem>>) dst(%dma_wait3A_119 : memref<16384xf32, #tpu.memory_space<hbm>>)
    %dma_wait3A_123 = arith.constant 3 : i32
    %dma_wait3A_124 = tpu.memref_slice %arg3[%add3A_33] : memref<16252928xf32, #tpu.memory_space<hbm>> -> memref<16384xf32, #tpu.memory_space<hbm>>
    %dma_wait3A_125 = arith.constant 0 : i32
    %dma_wait3A_126 = tpu.memref_slice %arg2[%dma_wait3A_123, %dma_wait3A_125] : memref<8x16384xf32, #tpu.memory_space<vmem>> -> memref<1x16384xf32, #tpu.memory_space<vmem>>
    %dma_wait3A_127 = tpu.memref_squeeze %dma_wait3A_126 : memref<1x16384xf32, #tpu.memory_space<vmem>> -> memref<16384xf32, #tpu.memory_space<vmem>>
    tpu.wait_dma2 semaphore(%arg4 : memref<!tpu.dma_semaphore, #tpu.memory_space<semaphore_mem>>) src(%dma_wait3A_127 : memref<16384xf32, #tpu.memory_space<vmem>>) dst(%dma_wait3A_124 : memref<16384xf32, #tpu.memory_space<hbm>>)
    %dma_wait3A_128 = arith.constant 4 : i32
    %dma_wait3A_129 = tpu.memref_slice %arg3[%add3A_42] : memref<16252928xf32, #tpu.memory_space<hbm>> -> memref<16384xf32, #tpu.memory_space<hbm>>
    %dma_wait3A_130 = arith.constant 0 : i32
    %dma_wait3A_131 = tpu.memref_slice %arg2[%dma_wait3A_128, %dma_wait3A_130] : memref<8x16384xf32, #tpu.memory_space<vmem>> -> memref<1x16384xf32, #tpu.memory_space<vmem>>
    %dma_wait3A_132 = tpu.memref_squeeze %dma_wait3A_131 : memref<1x16384xf32, #tpu.memory_space<vmem>> -> memref<16384xf32, #tpu.memory_space<vmem>>
    tpu.wait_dma2 semaphore(%arg4 : memref<!tpu.dma_semaphore, #tpu.memory_space<semaphore_mem>>) src(%dma_wait3A_132 : memref<16384xf32, #tpu.memory_space<vmem>>) dst(%dma_wait3A_129 : memref<16384xf32, #tpu.memory_space<hbm>>)
    %dma_wait3A_133 = arith.constant 5 : i32
    %dma_wait3A_134 = tpu.memref_slice %arg3[%add3A_51] : memref<16252928xf32, #tpu.memory_space<hbm>> -> memref<16384xf32, #tpu.memory_space<hbm>>
    %dma_wait3A_135 = arith.constant 0 : i32
    %dma_wait3A_136 = tpu.memref_slice %arg2[%dma_wait3A_133, %dma_wait3A_135] : memref<8x16384xf32, #tpu.memory_space<vmem>> -> memref<1x16384xf32, #tpu.memory_space<vmem>>
    %dma_wait3A_137 = tpu.memref_squeeze %dma_wait3A_136 : memref<1x16384xf32, #tpu.memory_space<vmem>> -> memref<16384xf32, #tpu.memory_space<vmem>>
    tpu.wait_dma2 semaphore(%arg4 : memref<!tpu.dma_semaphore, #tpu.memory_space<semaphore_mem>>) src(%dma_wait3A_137 : memref<16384xf32, #tpu.memory_space<vmem>>) dst(%dma_wait3A_134 : memref<16384xf32, #tpu.memory_space<hbm>>)
    %dma_wait3A_138 = arith.constant 6 : i32
    %dma_wait3A_139 = tpu.memref_slice %arg3[%add3A_60] : memref<16252928xf32, #tpu.memory_space<hbm>> -> memref<16384xf32, #tpu.memory_space<hbm>>
    %dma_wait3A_140 = arith.constant 0 : i32
    %dma_wait3A_141 = tpu.memref_slice %arg2[%dma_wait3A_138, %dma_wait3A_140] : memref<8x16384xf32, #tpu.memory_space<vmem>> -> memref<1x16384xf32, #tpu.memory_space<vmem>>
    %dma_wait3A_142 = tpu.memref_squeeze %dma_wait3A_141 : memref<1x16384xf32, #tpu.memory_space<vmem>> -> memref<16384xf32, #tpu.memory_space<vmem>>
    tpu.wait_dma2 semaphore(%arg4 : memref<!tpu.dma_semaphore, #tpu.memory_space<semaphore_mem>>) src(%dma_wait3A_142 : memref<16384xf32, #tpu.memory_space<vmem>>) dst(%dma_wait3A_139 : memref<16384xf32, #tpu.memory_space<hbm>>)
    %dma_wait3A_143 = arith.constant 7 : i32
    %dma_wait3A_144 = tpu.memref_slice %arg3[%add3A_69] : memref<16252928xf32, #tpu.memory_space<hbm>> -> memref<16384xf32, #tpu.memory_space<hbm>>
    %dma_wait3A_145 = arith.constant 0 : i32
    %dma_wait3A_146 = tpu.memref_slice %arg2[%dma_wait3A_143, %dma_wait3A_145] : memref<8x16384xf32, #tpu.memory_space<vmem>> -> memref<1x16384xf32, #tpu.memory_space<vmem>>
    %dma_wait3A_147 = tpu.memref_squeeze %dma_wait3A_146 : memref<1x16384xf32, #tpu.memory_space<vmem>> -> memref<16384xf32, #tpu.memory_space<vmem>>
    tpu.wait_dma2 semaphore(%arg4 : memref<!tpu.dma_semaphore, #tpu.memory_space<semaphore_mem>>) src(%dma_wait3A_147 : memref<16384xf32, #tpu.memory_space<vmem>>) dst(%dma_wait3A_144 : memref<16384xf32, #tpu.memory_space<hbm>>)
    return
  }
  func.func @transform_0(%arg0: i32, %arg1: i32) -> (i32, i32) {
    %c0_i32 = arith.constant 0 : i32
    return %arg0, %arg1 : i32, i32
  }
}

</mosaic_0001>

<sc_bundles>
// kernel: kernel.4.cloned.1.call-start
scs
__scs_entry_jumppad:
0x0: {  	(pc) =	sbr.rel $0x88, $3  }
0x1: {  	(tag) =	ssettag $0x0;
	lr =	simm.s32 $0x1  }
0x2: {  	[smem:$0x3F9F] =	sst lr;
	_ =	strace $0xD0000000  }
0x3: {  	_ = 	snop  }
0x4: {  	_ = 	snop  }
0x5: {  	_ = 	snop  }
0x6: {  	_ = 	snop  }
0x7: {  	_ = 	snop  }
__scs_overlays_trampoline_lowered:
0x8: {  	[smem:$0x3FAE] =	sst s0  }
0x9: {  	[smem:$0x3FAF] =	sst s1  }
0xa: {  	[smem:$0x3FB0] =	sst s2  }
0xb: {  	[smem:$0x3FB1] =	sst s3  }
0xc: {  	[smem:$0x3FB2] =	sst s4  }
0xd: {  	[smem:$0x3FB3] =	sst s5  }
0xe: {  	[smem:$0x3FB4] =	sst s6  }
0xf: {  	[smem:$0x3FB5] =	sst s7  }
0x10: {  	[smem:$0x3FB6] =	sst s8  }
0x11: {  	[smem:$0x3FB7] =	sst s9;
	s0 =	simm.s32 @!p0 $0x0  }
0x12: {  	s1 =	sld [smem:$0x3F9D];
	s0 =	simm.s32 @p0 $0x1  }
0x13: {  	[smem:$0x3FB8] =	sst s0;
	s0 =	simm.s32 @!p1 $0x0  }
0x14: {  	s2 =	sld [smem:$0x3F9C];
	s0 =	simm.s32 @p1 $0x1  }
0x15: {  	[smem:$0x3FB9] =	sst s0;
	s0 =	simm.s32 @!p2 $0x0  }
0x16: {  	s3 =	sld [smem:$0x3FDB];
	s0 =	simm.s32 @p2 $0x1  }
0x17: {  	s4 =	simm.s32 $0x1BF5;
	[smem:$0x3FBB] =	sst s0  }
0x18: {  	s0 =	sld [smem:$0x3F9E];
	_ =	swait.ge [sflag:s4], $0x0  }
0x19: {  	s7 =	sld [smem:$0x3F9F]  }
0x1a: {  	s8 =	sadd.s32 $0xFFFFE003, lr  }
0x1b: {  	s9 =	sadd.s32 $0xFFFFFEF7, lr;
	s5 =	simm.s32 $0xFFFFFFFF;
	p2 =	slt.u32 s8, $0xFFFFF086  }
0x1c: {  	p1 =	slt.u32 s9, $0xF7A;
	s5 =	simm.s32 @!p2 $0x0  }
0x1d: {  	s5 =	simm.s32 @p1 $0x1;
	p0 =	seq.s32 s7, s2  }
0x1e: {  	s7 =	smul.u32 @!p0 $0xF7A, s2;
	p2 =	seq.s32 @!p0 s5, $0x0  }
0x1f: {  	s9 =	smul.u32 $0xF7A, s1;
	s8 =	simm.s32 @!p0 $0x1BF5;
	p2 =	por !p2, p0  }
0x20: {  	[sflag:s8] =	ssyncset.s32 @!p0 $0xFFFFF086;
	s6 =	sadd.s32 @!p0 s3, s7;
	s7 =	simm.s32 @!p0 $0x108  }
0x21: {  	s3 =	sadd.s32 s3, s9;
	s6 =	sadd.s32 @!p0 $0x88, s6;
	s7 =	simm.s32 @p2 $0x1082  }
0x22: {  	[simem:s7], [sflag:s8] =	dma.local @!p0 [hbm:s6], $0xF7A  }
0x23: {  	s9 =	sor.u32 $0xD0000000, s2;
	s6 =	simm.s32 $0x108;
	_ =	swait.ge @!p0 [sflag:s8], $0x0  }
0x24: {  	s3 =	sadd.s32 $0x88, s3;
	s6 =	simm.s32 @!p1 $0x1082;
	[sflag:s4] =	ssyncset.s32 $0xFFFFF086  }
0x25: {  	[simem:s6], [sflag:s4] =	dma.local [hbm:s3], $0xF7A  }
0x26: {  	[smem:$0x3F9F] =	sst s1;
	(tag) =	ssettag s2;
	_ =	strace s9  }
0x27: {  	s1 =	sld [smem:$0x3FAF]  }
0x28: {  	s2 =	sld [smem:$0x3FB0]  }
0x29: {  	s4 =	sld [smem:$0x3FB2]  }
0x2a: {  	p0 =	seq.s32 s5, $0x0;
	s5 =	sld [smem:$0x3FB3]  }
0x2b: {  	s6 =	sld [smem:$0x3FB4]  }
0x2c: {  	s7 =	sld [smem:$0x3FB5]  }
0x2d: {  	s3 =	simm.s32 $0x108;
	s8 =	sld [smem:$0x3FB6]  }
0x2e: {  	s3 =	simm.s32 @!p0 $0x1082;
	s9 =	sld [smem:$0x3FB7]  }
0x2f: {  	lr =	sadd.s32 s0, s3;
	s0 =	sld [smem:$0x3FAE]  }
0x30: {  	s3 =	sld [smem:$0x3FB1]  }
0x31: {  	[smem:$0x3FBA] =	sst s10  }
0x32: {  	s10 =	sld [smem:$0x3FB8];
	_ =	sdelay $0x3  }
0x33: {  	p0 =	seq.s32 s10, $0x1;
	s10 =	sld [smem:$0x3FBA];
	_ =	sdelay $0x3  }
0x34: {  	[smem:$0x3FBA] =	sst s10  }
0x35: {  	s10 =	sld [smem:$0x3FB9];
	_ =	sdelay $0x3  }
0x36: {  	p1 =	seq.s32 s10, $0x1;
	s10 =	sld [smem:$0x3FBA];
	_ =	sdelay $0x3  }
0x37: {  	[smem:$0x3FBA] =	sst s10  }
0x38: {  	s10 =	sld [smem:$0x3FBB]  }
0x39: {  	_ = 	snop;
	(pc) =	sbr.ind lr, $3  }
0x3a: {  	_ = 	snop  }
0x3b: {  	_ = 	snop  }
0x3c: {  	p2 =	seq.s32 s10, $0x1;
	s10 =	sld [smem:$0x3FBA]  }
0x3d: {  	_ =	shalt  }
0x3e: {  	_ =	shalt  }
0x3f: {  	_ =	shalt  }
0x40: {  	_ =	shalt  }
0x41: {  	_ =	shalt  }
0x42: {  	_ =	shalt  }
0x43: {  	_ =	shalt  }
0x44: {  	_ =	shalt  }
0x45: {  	_ =	shalt  }
0x46: {  	_ =	shalt  }
0x47: {  	_ =	shalt  }
0x48: {  	_ =	shalt  }
0x49: {  	_ =	shalt  }
0x4a: {  	_ =	shalt  }
0x4b: {  	_ =	shalt  }
0x4c: {  	_ =	shalt  }
0x4d: {  	_ =	shalt  }
0x4e: {  	_ =	shalt  }
0x4f: {  	_ =	shalt  }
0x50: {  	_ =	shalt  }
0x51: {  	_ =	shalt  }
0x52: {  	_ =	shalt  }
0x53: {  	_ =	shalt  }
0x54: {  	_ =	shalt  }
0x55: {  	_ =	shalt  }
0x56: {  	_ =	shalt  }
0x57: {  	_ =	shalt  }
0x58: {  	_ =	shalt  }
0x59: {  	_ =	shalt  }
0x5a: {  	_ =	shalt  }
0x5b: {  	_ =	shalt  }
0x5c: {  	_ =	shalt  }
0x5d: {  	_ =	shalt  }
0x5e: {  	_ =	shalt  }
0x5f: {  	_ =	shalt  }
0x60: {  	_ =	shalt  }
0x61: {  	_ =	shalt  }
0x62: {  	_ =	shalt  }
0x63: {  	_ =	shalt  }
0x64: {  	_ =	shalt  }
0x65: {  	_ =	shalt  }
0x66: {  	_ =	shalt  }
0x67: {  	_ =	shalt  }
0x68: {  	_ =	shalt  }
0x69: {  	_ =	shalt  }
0x6a: {  	_ =	shalt  }
0x6b: {  	_ =	shalt  }
0x6c: {  	_ =	shalt  }
0x6d: {  	_ =	shalt  }
0x6e: {  	_ =	shalt  }
0x6f: {  	_ =	shalt  }
0x70: {  	_ =	shalt  }
0x71: {  	_ =	shalt  }
0x72: {  	_ =	shalt  }
0x73: {  	_ =	shalt  }
0x74: {  	_ =	shalt  }
0x75: {  	_ =	shalt  }
0x76: {  	_ =	shalt  }
0x77: {  	_ =	shalt  }
0x78: {  	_ =	shalt  }
0x79: {  	_ =	shalt  }
0x7a: {  	_ =	shalt  }
0x7b: {  	_ =	shalt  }
0x7c: {  	_ =	shalt  }
0x7d: {  	_ =	shalt  }
0x7e: {  	_ =	shalt  }
0x7f: {  	_ =	shalt  }
0x80: {  	_ =	shalt  }
0x81: {  	_ =	shalt  }
0x82: {  	_ =	shalt  }
0x83: {  	_ =	shalt  }
0x84: {  	_ =	shalt  }
0x85: {  	_ =	shalt  }
0x86: {  	_ =	shalt  }
0x87: {  	_ =	shalt  }
.Lfunc_end0:
.L_simem_size_0:
called_computation_lowered:
.L_overlay_start_0:
0x88: {  	s2 =	sld [smem:$0x3FD9]  }
0x89: {  	s3 =	sld [smem:$0x3FFE];
	_ =	sdelay $0x1  }
0x8a: {  	s1 =	srdreg.scid  }
0x8b: {  	s0 =	sand.u32 $0x1, s1  }
0x8c: {  	s17 =	sshll.u32 s0, $0xA;
	s2 =	sadd.s32 s3, s2  }
0x8d: {  	s2 =	sadd.s32 s2, s17  }
0x8e: {  	[smem:$0x3FC6] =	sst s2  }
0x8f: {  	_ = 	snop  }
0x90: {  	s2 =	sld [smem:$0x3FD0];
	(tm) =	ssettm $0x1  }
0x91: {  	s18 =	sld [smem:$0x3FFB];
	_ =	sdelay $0x3  }
0x92: {  	_ =	strace s18  }
0x93: {  	s3 =	sld [smem:$0x3FFC];
	_ =	sdelay $0x3  }
0x94: {  	_ =	strace s3  }
0x95: {  	s3 =	sld [smem:$0x3FFD];
	_ =	sdelay $0x3  }
0x96: {  	_ =	strace s3  }
0x97: {  	_ =	strace $0x8FFFFFFF  }
0x98: {  	s19 =	sld [smem:$0x3FDB];
	_ =	sdelay $0x1  }
0x99: {  	s4 =	simm.s32 $_scs_section_size  }
0x9a: {  	s5 =	simm.s32 $_size__tile_overlayer_lowered;
	s6 =	simm.s32 $_tile_overlayer_lowered  }
0x9b: {  	s22 =	simm.s32 $0x1BFF;
	s21 =	sshll.u32 s6, $0x1;
	s3 =	sadd.s32 s4, s19  }
0x9c: {  	s7 =	simm.s32 $0x0;
	s20 =	sshll.u32 s5, $0x1;
	s5 =	sadd.s32 s21, s3  }
0x9d: {  	[timem:s7], [sflag:s22] =	dma.local [hbm:s5], s20  }
0x9e: {  	_ =	swait.ge [sflag:s22], s20  }
0x9f: {  	s4 =	ssub.s32 $0x0, s20;
	[sflag:s22] =	ssyncset.done $0x0  }
0xa0: {  	[sflag:s22] =	ssyncadd.s32 s4;
	_ =	sdelay $0x1  }
0xa1: {  	s23 =	simm.s32 $0x1B8B  }
0xa2: {  	_ =	swait.ge [sflag:s23], $0x1  }
0xa3: {  	[sflag:s23] =	ssyncset.done $0x0  }
0xa4: {  	s25 =	simm.s32 $0x1B8E;
	s24 =	sld [smem:$0x3FFE];
	[sflag:s23] =	ssyncadd.s32 $0xFFFFFFFF  }
0xa5: {  	s26 =	simm.s32 $execute0_lowered;
	[smem:$0x3FD2] =	sst s25  }
0xa6: {  	s5 =	sshll.u32 s26, $0x1;
	_ =	strace $0x80000046;
	[dreg:$0x1] =	wrdreg $0xFFFFFFFF  }
0xa7: {  	s28 =	simm.s32 $_size_execute0_lowered;
	s3 =	sadd.s32 s3, s5;
	[dreg:$0x0] =	wrdreg $0x0  }
0xa8: {  	s5 =	sshll.u32 s28, $0x1;
	[dreg:$0x2] =	wrdreg s3  }
0xa9: {  	[dreg:$0x3] =	wrdreg s5  }
0xaa: {  	[dreg:$0x4] =	wrdreg $0xC0  }
0xab: {  	_ =	task [dreg:s7], $0x5FFFF  }
0xac: {  	[dreg:$0x1] =	wrdreg $0xFFFFFFFF  }
0xad: {  	[dreg:$0x0] =	wrdreg $0x60  }
0xae: {  	[dreg:$0x2] =	wrdreg s2  }
0xaf: {  	[dreg:$0x3] =	wrdreg s24  }
0xb0: {  	[dreg:$0x4] =	wrdreg $0x9  }
0xb1: {  	_ =	task.clear_ibuf [dreg:s7], $0x5FFFF;
	_ =	strace $0x90000046  }
0xb2: {  	s29 =	simm.s32 $0x9;
	_ =	strace $0x80000048  }
0xb3: {  	_ =	swait.ge [sflag:s29], $0x1  }
0xb4: {  	[sflag:s29] =	ssyncadd.s32 $0xFFFFFFFF  }
0xb5: {  	_ =	strace $0x90000048  }
0xb6: {  	_ =	sfence  }
0xb7: {  	s30 =	sld [smem:$0x0];
	_ =	sdelay $0x2  }
0xb8: {  	s31 =	sshll.u32 s1, $0xD;
	s1 =	sshrl.u32 s1, $0x2  }
0xb9: {  	s3 =	sand.u32 $0x4000, s31;
	s1 =	sadd.s32 s1, s30  }
0xba: {  	s0 =	sor.u32 s3, s0;
	s1 =	sshll.u32 s1, $0x11  }
0xbb: {  	s0 =	sor.u32 s1, s0  }
0xbc: {  	s0 =	sadd.s32 $0x8F2B, s0  }
0xbd: {  	[sflag:s0] =	ssyncadd.remote.s32 $0x1  }
0xbe: {  	_ =	sfence.sel $0xFFFF  }
0xbf: {  	[dreg:$0x0] =	wrdreg $0xFFFFFFFF;
	(pc) =	sbr.abs _section_cstart, $3  }
0xc0: {  	[dreg:$0x1] =	wrdreg $0xFFFFFFFF  }
0xc1: {  	_ =	task.clear_ibuf [dreg:s7], $0x2FFFF;
	_ =	strace $0x9FFFFFFF  }
0xc2: {  	(tm) =	ssettm $0x7FFFFFFF  }
0xc3: {  	_ =	shalt  }
tec
execute0_lowered:
.L_overlay_start_1:
0x0: {  	(tag) =	ssettag $0x1  }
0x1: {  	s0 =	srdreg.scid;
	s1 =	stileid.u32  }
0x2: {  	s0 =	sand.u32 $0x1, s0;
	s1 =	sshll.u32 s1, $0x1  }
0x3: {  	s1 =	sor.u32 s0, s1;
	s0 =	ssub.s32 $0x2, s0  }
0x4: {  	s4 =	rddreg [dreg:$0x1];
	s5 =	smul.u32 $0xD, s1;
	s10 =	sshrl.u32 s0, $0x1  }
0x5: {  	s4 =	sadd.s32 $0x1F0400, s4;
	s0 =	ssub.s32 s0, s10  }
0x6: {  	s1 =	sshrl.u32 s5, $0x4;
	s2 =	sand.u32 $0xF, s5;
	s13 =	sadd.s32 $0x1, s5  }
0x7: {  	[dreg:$0xc] =	wrdreg s0;
	s14 =	sadd.s32 $0x2, s5;
	s15 =	sadd.s32 $0x3, s5  }
0x8: {  	s16 =	sadd.s32 $0x4, s5;
	s17 =	sadd.s32 $0x5, s5;
	s3 =	smul.u32 $0x963D, s1  }
0x9: {  	s6 =	smul.u32 $0xF8000, s2;
	s7 =	sshrl.u32 s13, $0x4;
	s8 =	sand.u32 $0xF, s13  }
0xa: {  	s1 =	sshll.u32 s1, $0xF;
	s12 =	sand.u32 $0xF, s14;
	s20 =	sand.u32 $0xF, s15  }
0xb: {  	s24 =	sshrl.u32 s16, $0x4;
	s25 =	sand.u32 $0xF, s16;
	s9 =	smul.u32 $0x963D, s7  }
0xc: {  	s10 =	sshrl.u32 s17, $0x4;
	s13 =	sshll.u32 s13, $0x7;
	s11 =	smul.u32 $0xF8000, s8  }
0xd: {  	s16 =	sshll.u32 s16, $0x7;
	s19 =	smul.u32 $0xF8000, s12;
	s8 =	sshll.u32 s8, $0xB  }
0xe: {  	s7 =	sshll.u32 s7, $0xF;
	s22 =	smul.u32 $0xF8000, s20;
	s26 =	sadd.s32 s6, s3  }
0xf: {  	s6 =	sshll.u32 s2, $0xB;
	s8 =	sadd.s32 s4, s8;
	[dreg:$0xe] =	wrdreg s26  }
0x10: {  	s3 =	sadd.s32 s11, s9;
	s0 =	sadd.s32 s4, s6;
	s9 =	sshrl.u32 s14, $0x4  }
0x11: {  	s28 =	sadd.s32 s7, s8;
	s8 =	smul.u32 $0x963D, s24;
	s11 =	sand.u32 $0xF, s17  }
0x12: {  	s14 =	sshll.u32 s14, $0x7;
	s17 =	sshll.u32 s17, $0x7;
	[dreg:$0xd] =	wrdreg s3  }
0x13: {  	s18 =	smul.u32 $0x963D, s9;
	s0 =	sadd.s32 s1, s0;
	s1 =	sshrl.u32 s15, $0x4  }
0x14: {  	s23 =	sshll.u32 s9, $0xF;
	s3 =	sshll.u32 s12, $0xB;
	s12 =	smul.u32 $0x963D, s10  }
0x15: {  	s10 =	sshll.u32 s10, $0xF;
	s14 =	sand.u32 $0x1F800, s14;
	s15 =	sshll.u32 s15, $0x7  }
0x16: {  	s17 =	sand.u32 $0x1F800, s17;
	[dreg:$0xf] =	wrdreg s0;
	s21 =	smul.u32 $0x963D, s1  }
0x17: {  	s3 =	sadd.s32 s4, s3;
	s1 =	sshll.u32 s1, $0xF;
	s15 =	sand.u32 $0x1F800, s15  }
0x18: {  	s31 =	sadd.s32 s19, s18;
	s18 =	smul.u32 $0xF8000, s25;
	s26 =	sadd.s32 s23, s3  }
0x19: {  	s19 =	sshll.u32 s20, $0xB;
	s20 =	smul.u32 $0xF8000, s11;
	s23 =	sshll.u32 s25, $0xB  }
0x1a: {  	s11 =	sshll.u32 s11, $0xB;
	s30 =	sadd.s32 s22, s21;
	s0 =	sadd.s32 s4, s19  }
0x1b: {  	s22 =	sshll.u32 s24, $0xF;
	s19 =	sadd.s32 $0x7, s5;
	s2 =	sadd.s32 s4, s23  }
0x1c: {  	s11 =	sadd.s32 s4, s11;
	s7 =	sadd.s32 s18, s8;
	s0 =	sadd.s32 s1, s0  }
0x1d: {  	s21 =	sadd.s32 s20, s12;
	s18 =	sadd.s32 $0x6, s5;
	[dreg:$0x10] =	wrdreg s7  }
0x1e: {  	s9 =	sshrl.u32 s19, $0x4;
	s12 =	sand.u32 $0xF, s19;
	[dreg:$0x3] =	wrdreg s0  }
0x1f: {  	s19 =	sshll.u32 s19, $0x7;
	[dreg:$0x11] =	wrdreg s21;
	s20 =	smul.u32 $0x963D, s9  }
0x20: {  	s3 =	sshrl.u32 s18, $0x4;
	s24 =	sand.u32 $0xF, s18;
	s21 =	smul.u32 $0xF8000, s12  }
0x21: {  	s0 =	sadd.s32 s22, s2;
	s22 =	sadd.s32 s10, s11;
	s9 =	sshll.u32 s9, $0xF  }
0x22: {  	s18 =	sshll.u32 s18, $0x7;
	s25 =	smul.u32 $0x963D, s3;
	[dreg:$0x4] =	wrdreg s0  }
0x23: {  	s1 =	smul.u32 $0xF8000, s24;
	[dreg:$0x5] =	wrdreg s22;
	s24 =	sshll.u32 s24, $0xB  }
0x24: {  	s3 =	sshll.u32 s3, $0xF;
	s18 =	sand.u32 $0x1F800, s18;
	s23 =	sadd.s32 s21, s20  }
0x25: {  	s20 =	sadd.s32 $0x8, s5;
	s2 =	sadd.s32 s4, s24;
	s21 =	sadd.s32 $0x9, s5  }
0x26: {  	s24 =	sshll.u32 s12, $0xB;
	s1 =	sadd.s32 s1, s25;
	[dreg:$0x12] =	wrdreg s23  }
0x27: {  	s6 =	sshrl.u32 s20, $0x4;
	s7 =	sand.u32 $0xF, s20;
	s25 =	sadd.s32 s3, s2  }
0x28: {  	s10 =	sshrl.u32 s21, $0x4;
	s11 =	sand.u32 $0xF, s21;
	s8 =	smul.u32 $0x963D, s6  }
0x29: {  	s22 =	sadd.s32 s4, s24;
	s20 =	sshll.u32 s20, $0x7;
	s0 =	smul.u32 $0xF8000, s7  }
0x2a: {  	s21 =	sshll.u32 s21, $0x7;
	[dreg:$0x6] =	wrdreg s25;
	s25 =	smul.u32 $0x963D, s10  }
0x2b: {  	s23 =	smul.u32 $0xF8000, s11;
	s9 =	sadd.s32 s9, s22;
	s6 =	sshll.u32 s6, $0xF  }
0x2c: {  	s7 =	sshll.u32 s7, $0xB;
	s10 =	sshll.u32 s10, $0xF;
	s20 =	sand.u32 $0x1F800, s20  }
0x2d: {  	s21 =	sand.u32 $0x1F800, s21;
	s3 =	sadd.s32 s0, s8;
	s8 =	sadd.s32 $0xA, s5  }
0x2e: {  	[dreg:$0x7] =	wrdreg s9;
	s2 =	sadd.s32 s23, s25;
	s9 =	sshrl.u32 s8, $0x4  }
0x2f: {  	s23 =	sadd.s32 $0xB, s5;
	s12 =	sand.u32 $0xF, s8;
	s22 =	smul.u32 $0x963D, s9  }
0x30: {  	s7 =	sadd.s32 s4, s7;
	s29 =	sshrl.u32 s23, $0x4;
	s24 =	smul.u32 $0xF8000, s12  }
0x31: {  	s6 =	sadd.s32 s6, s7;
	s25 =	sand.u32 $0xF, s23;
	s0 =	smul.u32 $0x963D, s29  }
0x32: {  	[dreg:$0x8] =	wrdreg s6;
	s6 =	sshll.u32 s11, $0xB;
	s11 =	smul.u32 $0xF8000, s25  }
0x33: {  	s6 =	sadd.s32 s4, s6;
	s9 =	sshll.u32 s9, $0xF;
	s25 =	sshll.u32 s25, $0xB  }
0x34: {  	s6 =	sadd.s32 s10, s6;
	s10 =	sshll.u32 s12, $0xB;
	s7 =	sadd.s32 s24, s22  }
0x35: {  	[dreg:$0x9] =	wrdreg s6;
	s6 =	sadd.s32 s11, s0;
	s0 =	sadd.s32 s4, s10  }
0x36: {  	s11 =	sshll.u32 s5, $0x7;
	s22 =	sshll.u32 s8, $0x7;
	s5 =	sadd.s32 $0xC, s5  }
0x37: {  	s24 =	sshll.u32 s23, $0x7;
	s0 =	sadd.s32 s9, s0;
	s12 =	sand.u32 $0xF800, s11  }
0x38: {  	s9 =	rddreg [dreg:$0x0];
	s22 =	sand.u32 $0x1F800, s22;
	s10 =	sshrl.u32 s5, $0x4  }
0x39: {  	s11 =	sand.u32 $0xF, s5;
	s5 =	sshll.u32 s5, $0x7;
	s8 =	sand.u32 $0x1F800, s24  }
0x3a: {  	[dreg:$0xa] =	wrdreg s0;
	s0 =	sadd.s32 s9, s12;
	s14 =	sadd.s32 s9, s14  }
0x3b: {  	s15 =	sadd.s32 s9, s15;
	s17 =	sadd.s32 s9, s17;
	s18 =	sadd.s32 s9, s18  }
0x3c: {  	s20 =	sadd.s32 s9, s20;
	s21 =	sadd.s32 s9, s21;
	s12 =	smul.u32 $0x963D, s10  }
0x3d: {  	s5 =	sand.u32 $0x1F800, s5;
	[dreg:$0xb] =	wrdreg s0;
	s0 =	sand.u32 $0x1F800, s13  }
0x3e: {  	s22 =	sadd.s32 s9, s22;
	s13 =	sadd.s32 s9, s0;
	s0 =	sand.u32 $0x1F800, s16  }
0x3f: {  	s23 =	sadd.s32 s9, s8;
	s16 =	sadd.s32 s9, s0;
	s0 =	sand.u32 $0x1F800, s19  }
0x40: {  	s8 =	sshll.u32 s29, $0xF;
	s19 =	sadd.s32 s9, s0;
	s0 =	smul.u32 $0xF8000, s11  }
0x41: {  	s24 =	sadd.s32 s9, s5;
	s9 =	sshll.u32 s10, $0xF;
	s10 =	rddreg [dreg:$0xf]  }
0x42: {  	s5 =	sadd.s32 s0, s12;
	s0 =	sadd.s32 s4, s25;
	s25 =	simm.s32 $0x0  }
0x43: {  	s12 =	smov.u32 s26;
	s26 =	sshll.u32 s11, $0xB;
	[smem:$0x7FF] =	sst s25  }
0x44: {  	s11 =	smov.u32 s28;
	s4 =	sadd.s32 s4, s26;
	s26 =	rddreg [dreg:$0xe]  }
0x45: {  	s28 =	sadd.s32 s8, s0;
	s8 =	rddreg [dreg:$0xd];
	_ =	strace $0x80000047  }
0x46: {  	s29 =	sadd.s32 s9, s4;
	s9 =	rddreg [dreg:$0x1]  }
0x47: {  	v6 =	vmov s1;
	s1 =	simm.s32 $0x8000;
	v9 =	vmov s2;
	s2 =	simm.s32 $0x1;
	v0 =	vmov s26;
	s26 =	rddreg [dreg:$0xc]  }
0x48: {  	v8 =	vmov s3;
	s3 =	simm.s32 $0xC000;
	v11 =	vmov s6;
	s6 =	simm.s32 $0x4;
	s4 =	rddreg [dreg:$0x10]  }
0x49: {  	v10 =	vmov s7;
	s7 =	simm.s32 $0x0;
	s0 =	simm.s32 $0x4000;
	v1 =	vmov s8;
	s8 =	rddreg [dreg:$0x11]  }
0x4a: {  	v2 =	vmov s31;
	v3 =	vmov s30;
	v12 =	vmov s5;
	s5 =	simm.s32 $0x2;
	s30 =	sadd.s32 $0x400, s9;
	s9 =	rddreg [dreg:$0x12]  }
0x4b: {  	s31 =	smax.u32 s26, $0x1;
	v4 =	vmov s4;
	v5 =	vmov s8;
	s26 =	simm.s32 $0x5;
	s4 =	simm.s32 $0x3;
	v7 =	vmov s9  }
.LBB2_1:
0x4c: {  	s8 =	rddreg [dreg:$0xb]  }
0x4d: {  	[tilespmem:s25], [sflag:$0x5] =	stream.linear.gather [hbm4b:s8+s25], $0x4000, $0x38;
	[tilespmem:$0x10000] =	vst v63  }
0x4e: {  	_ =	swait.ge [sflag:s26], $0x4000  }
0x4f: {  	[sflag:s26] =	ssyncset.done $0x0  }
0x50: {  	s9 =	simm.s32 $0x40;
	s8 =	simm.s32 $0x0;
	[sflag:s26] =	ssyncadd.s32 $0xFFFFC000  }
.LBB2_2:
0x51: {  	p0 =	sne.s32 s9, $0xFFC0;
	v13 =	vld [tilespmem:s8+$0x0];
	_ =	sdelay $0x1  }
.Ltmp0:
0x52: {  	(pc) =	sbr.rel @p0 .LBB2_2-.Ltmp0, $3  }
0x53: {  	_ =	sdelay $0x1  }
0x54: {  	v13 =	vadd.s32 v0, v13  }
0x55: {  	[tilespmem:s8+$0x0] =	vst v13;
	s8 =	sshra.s32 s9, $0x2;
	s9 =	sadd.s32 $0x40, s9  }
0x56: {  	v13 =	vld [tilespmem:s8+$0x0];
	_ =	sdelay $0x4  }
0x57: {  	v13 =	vadd.s32 v0, v13  }
0x58: {  	s9 =	simm.s32 $0x0;
	[tilespmem:s8+$0x0] =	vst v13  }
0x59: {  	[tilespmem:s1], [sflag:$0x1] =	stream.indirect.gather [hbm4b:s30+s0], $0x1, s9, s0, $0xb8;
	[tilespmem:$0x10000] =	vst v63  }
0x5a: {  	_ = 	snop  }
0x5b: {  	[tilespmem:s0], [sflag:$0x5] =	stream.linear.gather [hbm4b:s13+s9], $0x4000, $0x38;
	[tilespmem:$0x10000] =	vst v63  }
0x5c: {  	_ =	swait.ge [sflag:s26], $0x4000  }
0x5d: {  	[sflag:s26] =	ssyncset.done $0x0  }
0x5e: {  	s8 =	simm.s32 $0x0;
	s9 =	simm.s32 $0x40;
	[sflag:s26] =	ssyncadd.s32 $0xFFFFC000  }
.LBB2_4:
0x5f: {  	p0 =	sne.s32 s9, $0xFFC0;
	v13 =	vld [tilespmem:s8+$0x4000];
	_ =	sdelay $0x1  }
.Ltmp1:
0x60: {  	(pc) =	sbr.rel @p0 .LBB2_4-.Ltmp1, $3  }
0x61: {  	_ =	sdelay $0x1  }
0x62: {  	v13 =	vadd.s32 v1, v13  }
0x63: {  	[tilespmem:s8+$0x4000] =	vst v13;
	s8 =	sshra.s32 s9, $0x2;
	s9 =	sadd.s32 $0x40, s9  }
0x64: {  	v13 =	vld [tilespmem:s8+$0x4000];
	_ =	sdelay $0x4  }
0x65: {  	v13 =	vadd.s32 v1, v13  }
0x66: {  	[tilespmem:s8+$0x4000] =	vst v13  }
0x67: {  	_ =	swait.ge [sflag:s2], $0x4000  }
0x68: {  	[sflag:s2] =	ssyncset.done $0x0  }
0x69: {  	[sflag:s2] =	ssyncadd.s32 $0xFFFFC000  }
0x6a: {  	[tilespmem:s3], [sflag:$0x2] =	stream.indirect.gather [hbm4b:s30+s0], $0x1, s0, s0, $0xb8;
	[tilespmem:$0x10000] =	vst v63  }
0x6b: {  	s9 =	simm.s32 $0x0  }
0x6c: {  	[hbm4b:s10+s9] =	stream.linear.scatter [tilespmem:s1], [sflag:$0x3], $0x4000, $0x38;
	[tilespmem:$0x10000] =	vst v63  }
0x6d: {  	_ =	swait.ge [sflag:s4], $0x4000  }
0x6e: {  	[sflag:s4] =	ssyncset.done $0x0  }
0x6f: {  	[sflag:s4] =	ssyncadd.s32 $0xFFFFC000  }
0x70: {  	[tilespmem:s9], [sflag:$0x5] =	stream.linear.gather [hbm4b:s14+s9], $0x4000, $0x38;
	[tilespmem:$0x10000] =	vst v63  }
0x71: {  	_ =	swait.ge [sflag:s26], $0x4000  }
0x72: {  	[sflag:s26] =	ssyncset.done $0x0  }
0x73: {  	s8 =	simm.s32 $0x0;
	s9 =	simm.s32 $0x40;
	[sflag:s26] =	ssyncadd.s32 $0xFFFFC000  }
.LBB2_6:
0x74: {  	p0 =	sne.s32 s9, $0xFFC0;
	v13 =	vld [tilespmem:s8+$0x0];
	_ =	sdelay $0x1  }
.Ltmp2:
0x75: {  	(pc) =	sbr.rel @p0 .LBB2_6-.Ltmp2, $3  }
0x76: {  	_ =	sdelay $0x1  }
0x77: {  	v13 =	vadd.s32 v2, v13  }
0x78: {  	[tilespmem:s8+$0x0] =	vst v13;
	s8 =	sshra.s32 s9, $0x2;
	s9 =	sadd.s32 $0x40, s9  }
0x79: {  	v13 =	vld [tilespmem:s8+$0x0];
	_ =	sdelay $0x4  }
0x7a: {  	v13 =	vadd.s32 v2, v13  }
0x7b: {  	[tilespmem:s8+$0x0] =	vst v13  }
0x7c: {  	_ =	swait.ge [sflag:s5], $0x4000  }
0x7d: {  	[sflag:s5] =	ssyncset.done $0x0  }
0x7e: {  	s9 =	simm.s32 $0x0;
	[sflag:s5] =	ssyncadd.s32 $0xFFFFC000  }
0x7f: {  	[tilespmem:s1], [sflag:$0x1] =	stream.indirect.gather [hbm4b:s30+s0], $0x1, s9, s0, $0xb8;
	[tilespmem:$0x10000] =	vst v63  }
0x80: {  	_ = 	snop  }
0x81: {  	[hbm4b:s11+s9] =	stream.linear.scatter [tilespmem:s3], [sflag:$0x4], $0x4000, $0x38;
	[tilespmem:$0x10000] =	vst v63  }
0x82: {  	_ =	swait.ge [sflag:s6], $0x4000  }
0x83: {  	[sflag:s6] =	ssyncset.done $0x0  }
0x84: {  	[sflag:s6] =	ssyncadd.s32 $0xFFFFC000  }
0x85: {  	[tilespmem:s0], [sflag:$0x5] =	stream.linear.gather [hbm4b:s15+s9], $0x4000, $0x38;
	[tilespmem:$0x10000] =	vst v63  }
0x86: {  	_ =	swait.ge [sflag:s26], $0x4000  }
0x87: {  	[sflag:s26] =	ssyncset.done $0x0  }
0x88: {  	s8 =	simm.s32 $0x0;
	s9 =	simm.s32 $0x40;
	[sflag:s26] =	ssyncadd.s32 $0xFFFFC000  }
.LBB2_8:
0x89: {  	p0 =	sne.s32 s9, $0xFFC0;
	v13 =	vld [tilespmem:s8+$0x4000];
	_ =	sdelay $0x1  }
.Ltmp3:
0x8a: {  	(pc) =	sbr.rel @p0 .LBB2_8-.Ltmp3, $3  }
0x8b: {  	_ =	sdelay $0x1  }
0x8c: {  	v13 =	vadd.s32 v3, v13  }
0x8d: {  	[tilespmem:s8+$0x4000] =	vst v13;
	s8 =	sshra.s32 s9, $0x2;
	s9 =	sadd.s32 $0x40, s9  }
0x8e: {  	v13 =	vld [tilespmem:s8+$0x4000];
	_ =	sdelay $0x4  }
0x8f: {  	v13 =	vadd.s32 v3, v13  }
0x90: {  	[tilespmem:s8+$0x4000] =	vst v13  }
0x91: {  	_ =	swait.ge [sflag:s2], $0x4000  }
0x92: {  	[sflag:s2] =	ssyncset.done $0x0  }
0x93: {  	[sflag:s2] =	ssyncadd.s32 $0xFFFFC000  }
0x94: {  	[tilespmem:s3], [sflag:$0x2] =	stream.indirect.gather [hbm4b:s30+s0], $0x1, s0, s0, $0xb8;
	[tilespmem:$0x10000] =	vst v63  }
0x95: {  	s9 =	simm.s32 $0x0  }
0x96: {  	[hbm4b:s12+s9] =	stream.linear.scatter [tilespmem:s1], [sflag:$0x3], $0x4000, $0x38;
	[tilespmem:$0x10000] =	vst v63  }
0x97: {  	_ =	swait.ge [sflag:s4], $0x4000  }
0x98: {  	[sflag:s4] =	ssyncset.done $0x0  }
0x99: {  	[sflag:s4] =	ssyncadd.s32 $0xFFFFC000  }
0x9a: {  	[tilespmem:s9], [sflag:$0x5] =	stream.linear.gather [hbm4b:s16+s9], $0x4000, $0x38;
	[tilespmem:$0x10000] =	vst v63  }
0x9b: {  	_ =	swait.ge [sflag:s26], $0x4000  }
0x9c: {  	[sflag:s26] =	ssyncset.done $0x0  }
0x9d: {  	s8 =	simm.s32 $0x0;
	s9 =	simm.s32 $0x40;
	[sflag:s26] =	ssyncadd.s32 $0xFFFFC000  }
.LBB2_10:
0x9e: {  	p0 =	sne.s32 s9, $0xFFC0;
	v13 =	vld [tilespmem:s8+$0x0];
	_ =	sdelay $0x1  }
.Ltmp4:
0x9f: {  	(pc) =	sbr.rel @p0 .LBB2_10-.Ltmp4, $3  }
0xa0: {  	_ =	sdelay $0x1  }
0xa1: {  	v13 =	vadd.s32 v4, v13  }
0xa2: {  	[tilespmem:s8+$0x0] =	vst v13;
	s8 =	sshra.s32 s9, $0x2;
	s9 =	sadd.s32 $0x40, s9  }
0xa3: {  	v13 =	vld [tilespmem:s8+$0x0];
	_ =	sdelay $0x4  }
0xa4: {  	v13 =	vadd.s32 v4, v13  }
0xa5: {  	[tilespmem:s8+$0x0] =	vst v13  }
0xa6: {  	_ =	swait.ge [sflag:s5], $0x4000  }
0xa7: {  	[sflag:s5] =	ssyncset.done $0x0  }
0xa8: {  	s8 =	simm.s32 $0x0;
	[sflag:s5] =	ssyncadd.s32 $0xFFFFC000  }
0xa9: {  	[tilespmem:s1], [sflag:$0x1] =	stream.indirect.gather [hbm4b:s30+s0], $0x1, s8, s0, $0xb8;
	[tilespmem:$0x10000] =	vst v63  }
0xaa: {  	s9 =	rddreg [dreg:$0x3]  }
0xab: {  	[hbm4b:s9+s8] =	stream.linear.scatter [tilespmem:s3], [sflag:$0x4], $0x4000, $0x38;
	[tilespmem:$0x10000] =	vst v63  }
0xac: {  	_ =	swait.ge [sflag:s6], $0x4000  }
0xad: {  	[sflag:s6] =	ssyncset.done $0x0  }
0xae: {  	[sflag:s6] =	ssyncadd.s32 $0xFFFFC000  }
0xaf: {  	[tilespmem:s0], [sflag:$0x5] =	stream.linear.gather [hbm4b:s17+s8], $0x4000, $0x38;
	[tilespmem:$0x10000] =	vst v63  }
0xb0: {  	_ =	swait.ge [sflag:s26], $0x4000  }
0xb1: {  	[sflag:s26] =	ssyncset.done $0x0  }
0xb2: {  	s9 =	simm.s32 $0x40;
	s8 =	simm.s32 $0x0;
	[sflag:s26] =	ssyncadd.s32 $0xFFFFC000  }
.LBB2_12:
0xb3: {  	p0 =	sne.s32 s9, $0xFFC0;
	v13 =	vld [tilespmem:s8+$0x4000];
	_ =	sdelay $0x1  }
.Ltmp5:
0xb4: {  	(pc) =	sbr.rel @p0 .LBB2_12-.Ltmp5, $3  }
0xb5: {  	_ =	sdelay $0x1  }
0xb6: {  	v13 =	vadd.s32 v5, v13  }
0xb7: {  	[tilespmem:s8+$0x4000] =	vst v13;
	s8 =	sshra.s32 s9, $0x2;
	s9 =	sadd.s32 $0x40, s9  }
0xb8: {  	v13 =	vld [tilespmem:s8+$0x4000];
	_ =	sdelay $0x4  }
0xb9: {  	v13 =	vadd.s32 v5, v13  }
0xba: {  	[tilespmem:s8+$0x4000] =	vst v13  }
0xbb: {  	_ =	swait.ge [sflag:s2], $0x4000  }
0xbc: {  	[sflag:s2] =	ssyncset.done $0x0  }
0xbd: {  	[sflag:s2] =	ssyncadd.s32 $0xFFFFC000  }
0xbe: {  	[tilespmem:s3], [sflag:$0x2] =	stream.indirect.gather [hbm4b:s30+s0], $0x1, s0, s0, $0xb8;
	[tilespmem:$0x10000] =	vst v63  }
0xbf: {  	s8 =	simm.s32 $0x0;
	s9 =	rddreg [dreg:$0x4]  }
0xc0: {  	[hbm4b:s9+s8] =	stream.linear.scatter [tilespmem:s1], [sflag:$0x3], $0x4000, $0x38;
	[tilespmem:$0x10000] =	vst v63  }
0xc1: {  	_ =	swait.ge [sflag:s4], $0x4000  }
0xc2: {  	[sflag:s4] =	ssyncset.done $0x0  }
0xc3: {  	[sflag:s4] =	ssyncadd.s32 $0xFFFFC000  }
0xc4: {  	[tilespmem:s8], [sflag:$0x5] =	stream.linear.gather [hbm4b:s18+s8], $0x4000, $0x38;
	[tilespmem:$0x10000] =	vst v63  }
0xc5: {  	_ =	swait.ge [sflag:s26], $0x4000  }
0xc6: {  	[sflag:s26] =	ssyncset.done $0x0  }
0xc7: {  	s9 =	simm.s32 $0x40;
	s8 =	simm.s32 $0x0;
	[sflag:s26] =	ssyncadd.s32 $0xFFFFC000  }
.LBB2_14:
0xc8: {  	p0 =	sne.s32 s9, $0xFFC0;
	v13 =	vld [tilespmem:s8+$0x0];
	_ =	sdelay $0x1  }
.Ltmp6:
0xc9: {  	(pc) =	sbr.rel @p0 .LBB2_14-.Ltmp6, $3  }
0xca: {  	_ =	sdelay $0x1  }
0xcb: {  	v13 =	vadd.s32 v6, v13  }
0xcc: {  	[tilespmem:s8+$0x0] =	vst v13;
	s8 =	sshra.s32 s9, $0x2;
	s9 =	sadd.s32 $0x40, s9  }
0xcd: {  	v13 =	vld [tilespmem:s8+$0x0];
	_ =	sdelay $0x4  }
0xce: {  	v13 =	vadd.s32 v6, v13  }
0xcf: {  	[tilespmem:s8+$0x0] =	vst v13  }
0xd0: {  	_ =	swait.ge [sflag:s5], $0x4000  }
0xd1: {  	[sflag:s5] =	ssyncset.done $0x0  }
0xd2: {  	s8 =	simm.s32 $0x0;
	[sflag:s5] =	ssyncadd.s32 $0xFFFFC000  }
0xd3: {  	[tilespmem:s1], [sflag:$0x1] =	stream.indirect.gather [hbm4b:s30+s0], $0x1, s8, s0, $0xb8;
	[tilespmem:$0x10000] =	vst v63  }
0xd4: {  	s9 =	rddreg [dreg:$0x5]  }
0xd5: {  	[hbm4b:s9+s8] =	stream.linear.scatter [tilespmem:s3], [sflag:$0x4], $0x4000, $0x38;
	[tilespmem:$0x10000] =	vst v63  }
0xd6: {  	_ =	swait.ge [sflag:s6], $0x4000  }
0xd7: {  	[sflag:s6] =	ssyncset.done $0x0  }
0xd8: {  	[sflag:s6] =	ssyncadd.s32 $0xFFFFC000  }
0xd9: {  	[tilespmem:s0], [sflag:$0x5] =	stream.linear.gather [hbm4b:s19+s8], $0x4000, $0x38;
	[tilespmem:$0x10000] =	vst v63  }
0xda: {  	_ =	swait.ge [sflag:s26], $0x4000  }
0xdb: {  	[sflag:s26] =	ssyncset.done $0x0  }
0xdc: {  	s9 =	simm.s32 $0x40;
	s8 =	simm.s32 $0x0;
	[sflag:s26] =	ssyncadd.s32 $0xFFFFC000  }
.LBB2_16:
0xdd: {  	p0 =	sne.s32 s9, $0xFFC0;
	v13 =	vld [tilespmem:s8+$0x4000];
	_ =	sdelay $0x1  }
.Ltmp7:
0xde: {  	(pc) =	sbr.rel @p0 .LBB2_16-.Ltmp7, $3  }
0xdf: {  	_ =	sdelay $0x1  }
0xe0: {  	v13 =	vadd.s32 v7, v13  }
0xe1: {  	[tilespmem:s8+$0x4000] =	vst v13;
	s8 =	sshra.s32 s9, $0x2;
	s9 =	sadd.s32 $0x40, s9  }
0xe2: {  	v13 =	vld [tilespmem:s8+$0x4000];
	_ =	sdelay $0x4  }
0xe3: {  	v13 =	vadd.s32 v7, v13  }
0xe4: {  	[tilespmem:s8+$0x4000] =	vst v13  }
0xe5: {  	_ =	swait.ge [sflag:s2], $0x4000  }
0xe6: {  	[sflag:s2] =	ssyncset.done $0x0  }
0xe7: {  	[sflag:s2] =	ssyncadd.s32 $0xFFFFC000  }
0xe8: {  	[tilespmem:s3], [sflag:$0x2] =	stream.indirect.gather [hbm4b:s30+s0], $0x1, s0, s0, $0xb8;
	[tilespmem:$0x10000] =	vst v63  }
0xe9: {  	s8 =	simm.s32 $0x0;
	s9 =	rddreg [dreg:$0x6]  }
0xea: {  	[hbm4b:s9+s8] =	stream.linear.scatter [tilespmem:s1], [sflag:$0x3], $0x4000, $0x38;
	[tilespmem:$0x10000] =	vst v63  }
0xeb: {  	_ =	swait.ge [sflag:s4], $0x4000  }
0xec: {  	[sflag:s4] =	ssyncset.done $0x0  }
0xed: {  	[sflag:s4] =	ssyncadd.s32 $0xFFFFC000  }
0xee: {  	[tilespmem:s8], [sflag:$0x5] =	stream.linear.gather [hbm4b:s20+s8], $0x4000, $0x38;
	[tilespmem:$0x10000] =	vst v63  }
0xef: {  	_ =	swait.ge [sflag:s26], $0x4000  }
0xf0: {  	[sflag:s26] =	ssyncset.done $0x0  }
0xf1: {  	s9 =	simm.s32 $0x40;
	s8 =	simm.s32 $0x0;
	[sflag:s26] =	ssyncadd.s32 $0xFFFFC000  }
.LBB2_18:
0xf2: {  	p0 =	sne.s32 s9, $0xFFC0;
	v13 =	vld [tilespmem:s8+$0x0];
	_ =	sdelay $0x1  }
.Ltmp8:
0xf3: {  	(pc) =	sbr.rel @p0 .LBB2_18-.Ltmp8, $3  }
0xf4: {  	_ =	sdelay $0x1  }
0xf5: {  	v13 =	vadd.s32 v8, v13  }
0xf6: {  	[tilespmem:s8+$0x0] =	vst v13;
	s8 =	sshra.s32 s9, $0x2;
	s9 =	sadd.s32 $0x40, s9  }
0xf7: {  	v13 =	vld [tilespmem:s8+$0x0];
	_ =	sdelay $0x4  }
0xf8: {  	v13 =	vadd.s32 v8, v13  }
0xf9: {  	[tilespmem:s8+$0x0] =	vst v13  }
0xfa: {  	_ =	swait.ge [sflag:s5], $0x4000  }
0xfb: {  	[sflag:s5] =	ssyncset.done $0x0  }
0xfc: {  	s8 =	simm.s32 $0x0;
	[sflag:s5] =	ssyncadd.s32 $0xFFFFC000  }
0xfd: {  	[tilespmem:s1], [sflag:$0x1] =	stream.indirect.gather [hbm4b:s30+s0], $0x1, s8, s0, $0xb8;
	[tilespmem:$0x10000] =	vst v63  }
0xfe: {  	s9 =	rddreg [dreg:$0x7]  }
0xff: {  	[hbm4b:s9+s8] =	stream.linear.scatter [tilespmem:s3], [sflag:$0x4], $0x4000, $0x38;
	[tilespmem:$0x10000] =	vst v63  }
0x100: {  	_ =	swait.ge [sflag:s6], $0x4000  }
0x101: {  	[sflag:s6] =	ssyncset.done $0x0  }
0x102: {  	[sflag:s6] =	ssyncadd.s32 $0xFFFFC000  }
0x103: {  	[tilespmem:s0], [sflag:$0x5] =	stream.linear.gather [hbm4b:s21+s8], $0x4000, $0x38;
	[tilespmem:$0x10000] =	vst v63  }
0x104: {  	_ =	swait.ge [sflag:s26], $0x4000  }
0x105: {  	[sflag:s26] =	ssyncset.done $0x0  }
0x106: {  	s9 =	simm.s32 $0x40;
	s8 =	simm.s32 $0x0;
	[sflag:s26] =	ssyncadd.s32 $0xFFFFC000  }
.LBB2_20:
0x107: {  	p0 =	sne.s32 s9, $0xFFC0;
	v13 =	vld [tilespmem:s8+$0x4000];
	_ =	sdelay $0x1  }
.Ltmp9:
0x108: {  	(pc) =	sbr.rel @p0 .LBB2_20-.Ltmp9, $3  }
0x109: {  	_ =	sdelay $0x1  }
0x10a: {  	v13 =	vadd.s32 v9, v13  }
0x10b: {  	[tilespmem:s8+$0x4000] =	vst v13;
	s8 =	sshra.s32 s9, $0x2;
	s9 =	sadd.s32 $0x40, s9  }
0x10c: {  	v13 =	vld [tilespmem:s8+$0x4000];
	_ =	sdelay $0x4  }
0x10d: {  	v13 =	vadd.s32 v9, v13  }
0x10e: {  	[tilespmem:s8+$0x4000] =	vst v13  }
0x10f: {  	_ =	swait.ge [sflag:s2], $0x4000  }
0x110: {  	[sflag:s2] =	ssyncset.done $0x0  }
0x111: {  	[sflag:s2] =	ssyncadd.s32 $0xFFFFC000  }
0x112: {  	[tilespmem:s3], [sflag:$0x2] =	stream.indirect.gather [hbm4b:s30+s0], $0x1, s0, s0, $0xb8;
	[tilespmem:$0x10000] =	vst v63  }
0x113: {  	s8 =	simm.s32 $0x0;
	s9 =	rddreg [dreg:$0x8]  }
0x114: {  	[hbm4b:s9+s8] =	stream.linear.scatter [tilespmem:s1], [sflag:$0x3], $0x4000, $0x38;
	[tilespmem:$0x10000] =	vst v63  }
0x115: {  	_ =	swait.ge [sflag:s4], $0x4000  }
0x116: {  	[sflag:s4] =	ssyncset.done $0x0  }
0x117: {  	[sflag:s4] =	ssyncadd.s32 $0xFFFFC000  }
0x118: {  	[tilespmem:s8], [sflag:$0x5] =	stream.linear.gather [hbm4b:s22+s8], $0x4000, $0x38;
	[tilespmem:$0x10000] =	vst v63  }
0x119: {  	_ =	swait.ge [sflag:s26], $0x4000  }
0x11a: {  	[sflag:s26] =	ssyncset.done $0x0  }
0x11b: {  	s9 =	simm.s32 $0x40;
	s8 =	simm.s32 $0x0;
	[sflag:s26] =	ssyncadd.s32 $0xFFFFC000  }
.LBB2_22:
0x11c: {  	p0 =	sne.s32 s9, $0xFFC0;
	v13 =	vld [tilespmem:s8+$0x0];
	_ =	sdelay $0x1  }
.Ltmp10:
0x11d: {  	(pc) =	sbr.rel @p0 .LBB2_22-.Ltmp10, $3  }
0x11e: {  	_ =	sdelay $0x1  }
0x11f: {  	v13 =	vadd.s32 v10, v13  }
0x120: {  	[tilespmem:s8+$0x0] =	vst v13;
	s8 =	sshra.s32 s9, $0x2;
	s9 =	sadd.s32 $0x40, s9  }
0x121: {  	v13 =	vld [tilespmem:s8+$0x0];
	_ =	sdelay $0x4  }
0x122: {  	v13 =	vadd.s32 v10, v13  }
0x123: {  	[tilespmem:s8+$0x0] =	vst v13  }
0x124: {  	_ =	swait.ge [sflag:s5], $0x4000  }
0x125: {  	[sflag:s5] =	ssyncset.done $0x0  }
0x126: {  	s8 =	simm.s32 $0x0;
	[sflag:s5] =	ssyncadd.s32 $0xFFFFC000  }
0x127: {  	[tilespmem:s1], [sflag:$0x1] =	stream.indirect.gather [hbm4b:s30+s0], $0x1, s8, s0, $0xb8;
	[tilespmem:$0x10000] =	vst v63  }
0x128: {  	s9 =	rddreg [dreg:$0x9]  }
0x129: {  	[hbm4b:s9+s8] =	stream.linear.scatter [tilespmem:s3], [sflag:$0x4], $0x4000, $0x38;
	[tilespmem:$0x10000] =	vst v63  }
0x12a: {  	_ =	swait.ge [sflag:s6], $0x4000  }
0x12b: {  	[sflag:s6] =	ssyncset.done $0x0  }
0x12c: {  	[sflag:s6] =	ssyncadd.s32 $0xFFFFC000  }
0x12d: {  	[tilespmem:s0], [sflag:$0x5] =	stream.linear.gather [hbm4b:s23+s8], $0x4000, $0x38;
	[tilespmem:$0x10000] =	vst v63  }
0x12e: {  	_ =	swait.ge [sflag:s26], $0x4000  }
0x12f: {  	[sflag:s26] =	ssyncset.done $0x0  }
0x130: {  	s9 =	simm.s32 $0x40;
	s8 =	simm.s32 $0x0;
	[sflag:s26] =	ssyncadd.s32 $0xFFFFC000  }
.LBB2_24:
0x131: {  	p0 =	sne.s32 s9, $0xFFC0;
	v13 =	vld [tilespmem:s8+$0x4000];
	_ =	sdelay $0x1  }
.Ltmp11:
0x132: {  	(pc) =	sbr.rel @p0 .LBB2_24-.Ltmp11, $3  }
0x133: {  	_ =	sdelay $0x1  }
0x134: {  	v13 =	vadd.s32 v11, v13  }
0x135: {  	[tilespmem:s8+$0x4000] =	vst v13;
	s8 =	sshra.s32 s9, $0x2;
	s9 =	sadd.s32 $0x40, s9  }
0x136: {  	v13 =	vld [tilespmem:s8+$0x4000];
	_ =	sdelay $0x4  }
0x137: {  	v13 =	vadd.s32 v11, v13  }
0x138: {  	[tilespmem:s8+$0x4000] =	vst v13  }
0x139: {  	_ =	swait.ge [sflag:s2], $0x4000  }
0x13a: {  	[sflag:s2] =	ssyncset.done $0x0  }
0x13b: {  	[sflag:s2] =	ssyncadd.s32 $0xFFFFC000  }
0x13c: {  	[tilespmem:s3], [sflag:$0x2] =	stream.indirect.gather [hbm4b:s30+s0], $0x1, s0, s0, $0xb8;
	[tilespmem:$0x10000] =	vst v63  }
0x13d: {  	s8 =	simm.s32 $0x0;
	s9 =	rddreg [dreg:$0xa]  }
0x13e: {  	[hbm4b:s9+s8] =	stream.linear.scatter [tilespmem:s1], [sflag:$0x3], $0x4000, $0x38;
	[tilespmem:$0x10000] =	vst v63  }
0x13f: {  	_ =	swait.ge [sflag:s4], $0x4000  }
0x140: {  	[sflag:s4] =	ssyncset.done $0x0  }
0x141: {  	[sflag:s4] =	ssyncadd.s32 $0xFFFFC000  }
0x142: {  	[tilespmem:s8], [sflag:$0x5] =	stream.linear.gather [hbm4b:s24+s8], $0x4000, $0x38;
	[tilespmem:$0x10000] =	vst v63  }
0x143: {  	_ =	swait.ge [sflag:s26], $0x4000  }
0x144: {  	[sflag:s26] =	ssyncset.done $0x0  }
0x145: {  	s9 =	simm.s32 $0x40;
	s8 =	simm.s32 $0x0;
	[sflag:s26] =	ssyncadd.s32 $0xFFFFC000  }
.LBB2_26:
0x146: {  	p0 =	sne.s32 s9, $0xFFC0;
	v13 =	vld [tilespmem:s8+$0x0];
	_ =	sdelay $0x1  }
.Ltmp12:
0x147: {  	(pc) =	sbr.rel @p0 .LBB2_26-.Ltmp12, $3  }
0x148: {  	_ =	sdelay $0x1  }
0x149: {  	v13 =	vadd.s32 v12, v13  }
0x14a: {  	[tilespmem:s8+$0x0] =	vst v13;
	s8 =	sshra.s32 s9, $0x2;
	s9 =	sadd.s32 $0x40, s9  }
0x14b: {  	v13 =	vld [tilespmem:s8+$0x0];
	_ =	sdelay $0x4  }
0x14c: {  	v13 =	vadd.s32 v12, v13  }
0x14d: {  	[tilespmem:s8+$0x0] =	vst v13  }
0x14e: {  	_ =	swait.ge [sflag:s5], $0x4000  }
0x14f: {  	[sflag:s5] =	ssyncset.done $0x0  }
0x150: {  	[sflag:s5] =	ssyncadd.s32 $0xFFFFC000  }
0x151: {  	[tilespmem:s1], [sflag:$0x1] =	stream.indirect.gather [hbm4b:s30+s0], $0x1, s25, s0, $0xb8;
	[tilespmem:$0x10000] =	vst v63  }
0x152: {  	_ = 	snop  }
0x153: {  	[hbm4b:s28+s25] =	stream.linear.scatter [tilespmem:s3], [sflag:$0x4], $0x4000, $0x38;
	[tilespmem:$0x10000] =	vst v63  }
0x154: {  	_ =	swait.ge [sflag:s2], $0x4000  }
0x155: {  	[sflag:s2] =	ssyncset.done $0x0  }
0x156: {  	s7 =	sadd.s32 $0x1, s7;
	[sflag:s2] =	ssyncadd.s32 $0xFFFFC000  }
0x157: {  	[hbm4b:s29+s25] =	stream.linear.scatter [tilespmem:s1], [sflag:$0x3], $0x4000, $0x38;
	[tilespmem:$0x10000] =	vst v63  }
0x158: {  	p0 =	sne.s32 s7, s31;
	_ =	swait.ge [sflag:s6], $0x4000  }
.Ltmp13:
0x159: {  	[sflag:s6] =	ssyncset.done $0x0;
	(pc) =	sbr.rel @p0 .LBB2_1-.Ltmp13, $4  }
0x15a: {  	[sflag:s6] =	ssyncadd.s32 $0xFFFFC000  }
0x15b: {  	_ =	swait.ge [sflag:s4], $0x4000  }
0x15c: {  	[sflag:s4] =	ssyncset.done $0x0  }
0x15d: {  	[sflag:s4] =	ssyncadd.s32 $0xFFFFC000  }
0x15e: {  	_ =	sfence.sel $0x180000  }
0x15f: {  	[bflag:$0x0] =	sbarrier.arrive $0xFFFF  }
0x160: {  	_ =	strace $0x90000047  }
0x161: {  	s0 =	stileid.u32;
	[bflag:$0x2] =	sbarrier.arrive $0xFFFF  }
0x162: {  	p0 =	sne.s32 s0, $0x0;
	s0 =	rddreg [dreg:$0x2]  }
0x163: {  	s0 =	sadd.s32 @!p0 $0x100000, s0  }
0x164: {  	[sflag:s0] =	ssyncadd.tile.s32 @!p0 $0x1;
	_ =	shalt  }
.Lfunc_end2:
_tile_overlayer_lowered:
.L_overlay_start_2:
0x165: {  	(tag) =	ssettag $0x2  }
0x166: {  	s0 =	rddreg [dreg:$0x0];
	s2 =	stileid.u32  }
0x167: {  	s1 =	rddreg [dreg:$0x1];
	p0 =	sne.s32 s2, $0x0  }
0x168: {  	s3 =	rddreg [dreg:$0x2];
	[bflag:$0x3] =	sbarrier.arrive $0xFFFF;
	s2 =	simm.s32 @!p0 $0x1C05  }
0x169: {  	[timem:s3], [sflag:s2] =	dma.local @!p0 [hbm:s0], s1  }
0x16a: {  	s0 =	simm.s32 @!p0 $0x5  }
0x16b: {  	_ =	swait.ge @!p0 [sflag:s0], s1  }
0x16c: {  	s1 =	ssub.s32 @!p0 $0x0, s1;
	[sflag:s0] =	ssyncset.done @!p0 $0x0  }
0x16d: {  	[sflag:s0] =	ssyncadd.s32 @!p0 s1  }
0x16e: {  	[bflag:$0x3] =	sbarrier.arrive $0xFFFF  }
0x16f: {  	_ =	shalt  }

</sc_bundles>
